<compile_context>
chip_gen: v7x
topology: tpu7x:2x2x1
jax: 0.10.2.dev20260603
libtpu: 0.0.44.dev20260713+nightly
codegen_flags: <defaults>
</compile_context>

<pallas_src>
import functools

import jax
import jax.numpy as jnp
from jax import lax
from jax.experimental import pallas as pl
from jax.experimental.pallas import tpu as pltpu
from jax.experimental.pallas import tpu_sc as plsc

N = 10000
E = 320000
D_IN = 128
HID = 128
CLS = 40
CP = 48

NC, NS, L = 2, 16, 16
NW = NC * NS
NP = 10240
RPT = NP // NS
EPT = 10240
EB = 128
NCHUNK = EPT // EB

_mesh = plsc.VectorSubcoreMesh(core_axis_name="c", subcore_axis_name="s")
_sc_params = pltpu.CompilerParams(
    needs_layout_passes=False, use_tc_tiling_on_sc=False)
f32 = jnp.float32
bf16 = jnp.bfloat16


@functools.partial(
    pl.kernel,
    out_type=jax.ShapeDtypeStruct((NC, 2, NP), f32),
    mesh=_mesh,
    compiler_params=_sc_params,
    scratch_types=[
        pltpu.VMEM((EPT,), jnp.int32),
        pltpu.VMEM((EPT,), jnp.int32),
        pltpu.VMEM((NP,), f32),
        pltpu.VMEM((NP,), f32),
        pltpu.VMEM((2 * RPT,), f32),
        pltpu.VMEM((2 * RPT,), f32),
        pltpu.VMEM_SHARED((NS, 2, NP), f32),
    ],
)
def _deg_kernel(src_hbm, dst_hbm, out_hbm, si_v, di_v, d0_v, d1_v,
                racc, rtmp, shared):
    c = lax.axis_index("c")
    s = lax.axis_index("s")
    w = c * NS + s
    base = w * EPT
    pltpu.sync_copy(src_hbm.at[pl.ds(base, EPT)], si_v)
    pltpu.sync_copy(dst_hbm.at[pl.ds(base, EPT)], di_v)

    zero16 = jnp.zeros((L,), f32)

    def zero_body(i, _):
        d0_v[pl.ds(i * L, L)] = zero16
        d1_v[pl.ds(i * L, L)] = zero16
        return _

    lax.fori_loop(0, NP // L, zero_body, None)

    ones = jnp.ones((L,), f32)

    def scat_body(i, _):
        plsc.addupdate_scatter(d0_v, [si_v[pl.ds(i * L, L)]], ones)
        plsc.addupdate_scatter(d1_v, [di_v[pl.ds(i * L, L)]], ones)
        return _

    lax.fori_loop(0, EPT // L, scat_body, None)

    pltpu.sync_copy(d0_v, shared.at[s, 0])
    pltpu.sync_copy(d1_v, shared.at[s, 1])
    plsc.subcore_barrier()

    rows = pl.ds(s * RPT, RPT)
    pltpu.sync_copy(shared.at[0, 0, rows], racc.at[pl.ds(0, RPT)])
    pltpu.sync_copy(shared.at[0, 1, rows], racc.at[pl.ds(RPT, RPT)])

    def red_body(j, _):
        pltpu.sync_copy(shared.at[j, 0, rows], rtmp.at[pl.ds(0, RPT)])
        pltpu.sync_copy(shared.at[j, 1, rows], rtmp.at[pl.ds(RPT, RPT)])

        def add_body(v, carry):
            sl = pl.ds(v * L, L)
            racc[sl] = racc[sl] + rtmp[sl]
            return carry

        lax.fori_loop(0, 2 * RPT // L, add_body, None)
        return _

    lax.fori_loop(1, NS, red_body, None)
    pltpu.sync_copy(racc.at[pl.ds(0, RPT)], out_hbm.at[c, 0, rows])
    pltpu.sync_copy(racc.at[pl.ds(RPT, RPT)], out_hbm.at[c, 1, rows])


NBUF = 5


def _make_agg(D, eb, dt):
    nchunk = EPT // eb

    @functools.partial(
        pl.kernel,
        out_type=jax.ShapeDtypeStruct((NC, NP, D), dt),
        mesh=_mesh,
        compiler_params=_sc_params,
        scratch_types=[
            pltpu.VMEM((NBUF, eb), jnp.int32),
            pltpu.VMEM((NBUF, eb), jnp.int32),
            pltpu.VMEM((NBUF, eb, D), dt),
            pltpu.VMEM_SHARED((NP, D), dt),
            pltpu.VMEM_SHARED((NP, D), dt),
        ] + [pltpu.SemaphoreType.DMA] * (2 * NBUF),
    )
    def _agg(x_hbm, src_hbm, dst_hbm, zeros_hbm, out_hbm, si2d, di2d, rows_v,
             acc, xtab, *sems):
        c = lax.axis_index("c")
        s = lax.axis_index("s")
        w = c * NS + s

        myrows = pl.ds(s * RPT, RPT)
        pltpu.sync_copy(zeros_hbm, acc.at[myrows])
        pltpu.sync_copy(x_hbm.at[myrows], xtab.at[myrows])
        plsc.subcore_barrier()

        def chunk_body(k, _):
            chunks = pl.ds(k * NBUF, NBUF)
            pltpu.sync_copy(src_hbm.at[w, chunks], si2d)
            pltpu.sync_copy(dst_hbm.at[w, chunks], di2d)
            gd = []
            for b in range(NBUF):
                gd.append(pltpu.async_copy(
                    xtab.at[si2d.at[b]], rows_v.at[b], sems[b]))
            sd = []
            for b in range(NBUF):
                gd[b].wait()
                sd.append(pltpu.async_copy(
                    rows_v.at[b], acc.at[di2d.at[b]], sems[NBUF + b],
                    add=True))
            for b in range(NBUF):
                sd[b].wait()
            return _

        lax.fori_loop(0, nchunk // NBUF, chunk_body, None)
        plsc.subcore_barrier()
        pltpu.sync_copy(acc.at[myrows], out_hbm.at[c].at[myrows])

    return _agg


_agg128 = _make_agg(D_IN, EB, bf16)
_agg48 = _make_agg(CP, EB, bf16)


_BM = 2000
_GRID = N // _BM


def _tc1_body(degp, feats, xn, norms):
    d = degp[0] + degp[1]
    no = lax.rsqrt(jnp.maximum(d[0], 1.0))
    ni = lax.rsqrt(jnp.maximum(d[1], 1.0))
    norms[0] = no
    norms[1] = ni
    xn[...] = (feats[...] * no).astype(bf16)


def _tc1(degp4, feats):
    return pl.pallas_call(
        _tc1_body,
        grid=(_GRID,),
        in_specs=[
            pl.BlockSpec((NC, 2, _BM, 1), lambda i: (0, 0, i, 0)),
            pl.BlockSpec((_BM, D_IN), lambda i: (i, 0)),
        ],
        out_specs=[
            pl.BlockSpec((_BM, D_IN), lambda i: (i, 0)),
            pl.BlockSpec((2, _BM, 1), lambda i: (0, i, 0)),
        ],
        out_shape=[
            jax.ShapeDtypeStruct((NP, D_IN), bf16),
            jax.ShapeDtypeStruct((2, N, 1), f32),
        ],
    )(degp4, feats)


def _tc2_body(p, norms, w0, w1, z):
    a = p[0].astype(f32) + p[1].astype(f32)
    ni = norms[1]
    no = norms[0]
    h = jnp.dot(a, w0[...], preferred_element_type=f32) * ni
    h = jnp.maximum(h, 0.0) * no
    z[...] = jnp.dot(h, w1[...], preferred_element_type=f32).astype(bf16)


def _tc2(p, norms, w0, w1p):
    return pl.pallas_call(
        _tc2_body,
        grid=(_GRID,),
        in_specs=[
            pl.BlockSpec((NC, _BM, D_IN), lambda i: (0, i, 0)),
            pl.BlockSpec((2, _BM, 1), lambda i: (0, i, 0)),
            pl.BlockSpec((D_IN, HID), lambda i: (0, 0)),
            pl.BlockSpec((HID, CP), lambda i: (0, 0)),
        ],
        out_specs=pl.BlockSpec((_BM, CP), lambda i: (i, 0)),
        out_shape=jax.ShapeDtypeStruct((NP, CP), bf16),
    )(p, norms, w0, w1p)


def _tc3_body(q, norms, out):
    ni = norms[1]
    out[...] = (q[0].astype(f32) + q[1].astype(f32))[:, :CLS] * ni


def _tc3(q, norms):
    return pl.pallas_call(
        _tc3_body,
        grid=(_GRID,),
        in_specs=[
            pl.BlockSpec((NC, _BM, CP), lambda i: (0, i, 0)),
            pl.BlockSpec((2, _BM, 1), lambda i: (0, i, 0)),
        ],
        out_specs=pl.BlockSpec((_BM, CLS), lambda i: (i, 0)),
        out_shape=jax.ShapeDtypeStruct((N, CLS), f32),
    )(q, norms)


@jax.jit
def kernel(feats, edge_index, W0, W1):
    pad = jnp.full((NW * EPT - E,), NP - 1, edge_index.dtype)
    src = jnp.concatenate([edge_index[0], pad])
    dst = jnp.concatenate([edge_index[1], pad])
    src2d = src.reshape(NW, NCHUNK, EB)
    dst2d = dst.reshape(NW, NCHUNK, EB)
    w1p = jnp.pad(W1, ((0, 0), (0, CP - CLS)))

    zeros128 = jnp.zeros((RPT, D_IN), bf16)
    zeros48 = jnp.zeros((RPT, CP), bf16)

    degp = _deg_kernel(src, dst)
    degp4 = degp.reshape(NC, 2, NP, 1)
    xn, norms = _tc1(degp4, feats)
    agg1 = _agg128(xn, src2d, dst2d, zeros128)
    z = _tc2(agg1, norms, W0, w1p)
    agg2 = _agg48(z, src2d, dst2d, zeros48)
    return _tc3(agg2, norms)

# --- scband reference (transcript-rebuilt; emitter-appended) ---
"""Pipeline reference for scband-gcnprop-85452669321862 (READ-ONLY COPY).

The authoritative reference and input builder live on the scoring server;
editing this copy changes nothing except your own understanding.
"""

import jax, jax.numpy as jnp
import numpy as np

N = 10000
E = 320000
D_IN = 128
HID = 128
CLS = 40


def _glorot(key, shape):
    fan_in, fan_out = shape[0], shape[1]
    s = float(np.sqrt(6.0 / (fan_in + fan_out)))
    return jax.random.uniform(key, shape, minval=-s, maxval=s, dtype=jnp.float32)


def setup_inputs(seed: int = 0) -> dict:
    key = jax.random.key(seed)
    k1, k2, k3, k4 = jax.random.split(key, 4)
    feats = jax.random.normal(k1, (N, D_IN), dtype=jnp.float32)
    edge_index = jax.random.randint(k2, (2, E), 0, N, dtype=jnp.int32)
    W0 = _glorot(k3, (D_IN, HID))
    W1 = _glorot(k4, (HID, CLS))
    return {"feats": feats, "edge_index": edge_index, "W0": W0, "W1": W1}


def _graph_conv(x, src, dst, W):
    # DGL GraphConv with norm='both', bias=False, allow_zero_in_degree=True
    ones = jnp.ones((src.shape[0],), dtype=jnp.float32)
    deg_out = jnp.maximum(jnp.zeros((N,), dtype=jnp.float32).at[src].add(ones), 1.0)
    deg_in = jnp.maximum(jnp.zeros((N,), dtype=jnp.float32).at[dst].add(ones), 1.0)
    norm_out = deg_out ** -0.5
    norm_in = deg_in ** -0.5
    h = x * norm_out[:, None]
    h = h @ W
    m = jax.ops.segment_sum(h[src], dst, num_segments=N)
    return m * norm_in[:, None]


def reference(feats, edge_index, W0, W1):
    src = edge_index[0]
    dst = edge_index[1]
    # dropout is identity in eval mode
    h = _graph_conv(feats, src, dst, W0)
    h = jax.nn.relu(h)
    h = _graph_conv(h, src, dst, W1)
    return h

if __name__ == "__main__":
    import jax
    _d = setup_inputs()
    print(jax.jit(kernel)(*tuple(_d.values())))

</pallas_src>

<mosaic_0001>
#map = affine_map<(d0, d1) -> (0)>
#map1 = affine_map<(d0, d1) -> (0, 0, 0)>
module attributes {stable_mosaic.version = 14 : i64} {
  func.func @_deg_kernel(%arg0: i32, %arg1: i32, %arg2: memref<327680xi32, #tpu.memory_space<hbm>>, %arg3: memref<327680xi32, #tpu.memory_space<hbm>>, %arg4: memref<2x2x10240xf32, #tpu.memory_space<hbm>>, %arg5: memref<10240xi32, #tpu.memory_space<vmem>>, %arg6: memref<10240xi32, #tpu.memory_space<vmem>>, %arg7: memref<10240xf32, #tpu.memory_space<vmem>>, %arg8: memref<10240xf32, #tpu.memory_space<vmem>>, %arg9: memref<1280xf32, #tpu.memory_space<vmem>>, %arg10: memref<1280xf32, #tpu.memory_space<vmem>>, %arg11: memref<16x2x10240xf32, #tpu.memory_space<vmem_shared>>) attributes {dimension_semantics = [#tpu.dimension_semantics<core_parallel>, #tpu.dimension_semantics<subcore_parallel>], iteration_bounds = array<i64: 2, 16>, scalar_prefetch = 0 : i64, scratch_operands = 7 : i64, tpu.core_type = #tpu.core_type<sc_vector_subcore>, window_params = [{transform_indices = #map}, {transform_indices = #map}, {transform_indices = #map1}]} {
    %mul3A = arith.constant 16 : i32
    %mul3A_0 = arith.muli %arg0, %mul3A : i32
    %add3A = arith.addi %mul3A_0, %arg1 : i32
    %mul3A_1 = arith.constant 10240 : i32
    %mul3A_2 = arith.muli %add3A, %mul3A_1 : i32
    "tpu.region"() ({
      %run_scoped3A_29 = tpu.sem_alloc : memref<!tpu.dma_semaphore, #tpu.memory_space<semaphore_mem>>
      %dma_start3A = tpu.memref_slice %arg2[%mul3A_2] : memref<327680xi32, #tpu.memory_space<hbm>> -> memref<10240xi32, #tpu.memory_space<hbm>>
      %dma_start3A_30 = tpu.memref_slice %arg2[%mul3A_2] : memref<327680xi32, #tpu.memory_space<hbm>> -> memref<10240xi32, #tpu.memory_space<hbm>>
      tpu.enqueue_dma source(%dma_start3A_30 : memref<10240xi32, #tpu.memory_space<hbm>>) target(%arg5 : memref<10240xi32, #tpu.memory_space<vmem>>) target_semaphore(%run_scoped3A_29 : memref<!tpu.dma_semaphore, #tpu.memory_space<semaphore_mem>>)
      %dma_wait3A = tpu.memref_slice %arg2[%mul3A_2] : memref<327680xi32, #tpu.memory_space<hbm>> -> memref<10240xi32, #tpu.memory_space<hbm>>
      %dma_wait3A_31 = tpu.memref_slice %arg2[%mul3A_2] : memref<327680xi32, #tpu.memory_space<hbm>> -> memref<10240xi32, #tpu.memory_space<hbm>>
      tpu.wait_dma2 semaphore(%run_scoped3A_29 : memref<!tpu.dma_semaphore, #tpu.memory_space<semaphore_mem>>) src(%dma_wait3A_31 : memref<10240xi32, #tpu.memory_space<hbm>>) dst(%arg5 : memref<10240xi32, #tpu.memory_space<vmem>>)
      tpu.yield
    }) : () -> ()
    "tpu.region"() ({
      %run_scoped3A_29 = tpu.sem_alloc : memref<!tpu.dma_semaphore, #tpu.memory_space<semaphore_mem>>
      %dma_start3A = tpu.memref_slice %arg3[%mul3A_2] : memref<327680xi32, #tpu.memory_space<hbm>> -> memref<10240xi32, #tpu.memory_space<hbm>>
      %dma_start3A_30 = tpu.memref_slice %arg3[%mul3A_2] : memref<327680xi32, #tpu.memory_space<hbm>> -> memref<10240xi32, #tpu.memory_space<hbm>>
      tpu.enqueue_dma source(%dma_start3A_30 : memref<10240xi32, #tpu.memory_space<hbm>>) target(%arg6 : memref<10240xi32, #tpu.memory_space<vmem>>) target_semaphore(%run_scoped3A_29 : memref<!tpu.dma_semaphore, #tpu.memory_space<semaphore_mem>>)
      %dma_wait3A = tpu.memref_slice %arg3[%mul3A_2] : memref<327680xi32, #tpu.memory_space<hbm>> -> memref<10240xi32, #tpu.memory_space<hbm>>
      %dma_wait3A_31 = tpu.memref_slice %arg3[%mul3A_2] : memref<327680xi32, #tpu.memory_space<hbm>> -> memref<10240xi32, #tpu.memory_space<hbm>>
      tpu.wait_dma2 semaphore(%run_scoped3A_29 : memref<!tpu.dma_semaphore, #tpu.memory_space<semaphore_mem>>) src(%dma_wait3A_31 : memref<10240xi32, #tpu.memory_space<hbm>>) dst(%arg6 : memref<10240xi32, #tpu.memory_space<vmem>>)
      tpu.yield
    }) : () -> ()
    %broadcast_in_dim3A = arith.constant 0.000000e+00 : f32
    %broadcast_in_dim3A_3 = vector.broadcast %broadcast_in_dim3A : f32 to vector<16xf32>
    %scan3A = arith.constant 0 : i32
    %scan3A_4 = arith.constant 640 : i32
    %scan3A_5 = arith.addi %scan3A, %scan3A_4 : i32
    %scan3A_6 = arith.constant 1 : i32
    scf.for %scan3A_29 = %scan3A to %scan3A_5 step %scan3A_6  : i32 {
      %mul3A_30 = arith.constant 16 : i32
      %mul3A_31 = arith.muli %scan3A_29, %mul3A_30 : i32
      %swap3A = arith.index_cast %mul3A_31 : i32 to index
      %swap3A_32 = tpu.vector_load %arg7[%swap3A] {strides = array<i32>} : memref<10240xf32, #tpu.memory_space<vmem>>, vector<16xf32>,
      tpu.vector_store %arg7[%swap3A], %broadcast_in_dim3A_3 {strides = array<i32>} : memref<10240xf32, #tpu.memory_space<vmem>>, vector<16xf32>,
      %mul3A_33 = arith.constant 16 : i32
      %mul3A_34 = arith.muli %scan3A_29, %mul3A_33 : i32
      %swap3A_35 = arith.index_cast %mul3A_34 : i32 to index
      %swap3A_36 = tpu.vector_load %arg8[%swap3A_35] {strides = array<i32>} : memref<10240xf32, #tpu.memory_space<vmem>>, vector<16xf32>,
      tpu.vector_store %arg8[%swap3A_35], %broadcast_in_dim3A_3 {strides = array<i32>} : memref<10240xf32, #tpu.memory_space<vmem>>, vector<16xf32>,
    }
    %scan3A_7 = arith.constant 640 : i32
    %broadcast_in_dim3A_8 = arith.constant 1.000000e+00 : f32
    %broadcast_in_dim3A_9 = vector.broadcast %broadcast_in_dim3A_8 : f32 to vector<16xf32>
    %scan3A_10 = arith.constant 0 : i32
    %scan3A_11 = arith.constant 640 : i32
    %scan3A_12 = arith.addi %scan3A_10, %scan3A_11 : i32
    %scan3A_13 = arith.constant 1 : i32
    scf.for %scan3A_29 = %scan3A_10 to %scan3A_12 step %scan3A_13  : i32 {
      %mul3A_30 = arith.constant 16 : i32
      %mul3A_31 = arith.muli %scan3A_29, %mul3A_30 : i32
      %get3A = arith.index_cast %mul3A_31 : i32 to index
      %get3A_32 = tpu.vector_load %arg5[%get3A] {strides = array<i32>} : memref<10240xi32, #tpu.memory_space<vmem>>, vector<16xi32>,
      tpu.vector_store_idx %arg7[%get3A_32], %broadcast_in_dim3A_9 {add = true} : memref<10240xf32, #tpu.memory_space<vmem>>[vector<16xi32>], vector<16xf32>,
      %mul3A_33 = arith.constant 16 : i32
      %mul3A_34 = arith.muli %scan3A_29, %mul3A_33 : i32
      %get3A_35 = arith.index_cast %mul3A_34 : i32 to index
      %get3A_36 = tpu.vector_load %arg6[%get3A_35] {strides = array<i32>} : memref<10240xi32, #tpu.memory_space<vmem>>, vector<16xi32>,
      tpu.vector_store_idx %arg8[%get3A_36], %broadcast_in_dim3A_9 {add = true} : memref<10240xf32, #tpu.memory_space<vmem>>[vector<16xi32>], vector<16xf32>,
    }
    %scan3A_14 = arith.constant 640 : i32
    %run_scoped3A = arith.constant 0 : i32
    "tpu.region"() ({
      %run_scoped3A_29 = tpu.sem_alloc : memref<!tpu.dma_semaphore, #tpu.memory_space<semaphore_mem>>
      %dma_start3A = arith.constant 0 : i32
      %dma_start3A_30 = tpu.memref_slice %arg11[%arg1, %run_scoped3A, %dma_start3A] : memref<16x2x10240xf32, #tpu.memory_space<vmem_shared>> -> memref<1x1x10240xf32, #tpu.memory_space<vmem_shared>>
      %dma_start3A_31 = tpu.memref_squeeze %dma_start3A_30 : memref<1x1x10240xf32, #tpu.memory_space<vmem_shared>> -> memref<10240xf32, #tpu.memory_space<vmem_shared>>
      %dma_start3A_32 = arith.constant 0 : i32
      %dma_start3A_33 = tpu.memref_slice %arg11[%arg1, %run_scoped3A, %dma_start3A_32] : memref<16x2x10240xf32, #tpu.memory_space<vmem_shared>> -> memref<1x1x10240xf32, #tpu.memory_space<vmem_shared>>
      %dma_start3A_34 = tpu.memref_squeeze %dma_start3A_33 : memref<1x1x10240xf32, #tpu.memory_space<vmem_shared>> -> memref<10240xf32, #tpu.memory_space<vmem_shared>>
      tpu.enqueue_dma source(%arg7 : memref<10240xf32, #tpu.memory_space<vmem>>) target(%dma_start3A_34 : memref<10240xf32, #tpu.memory_space<vmem_shared>>) target_semaphore(%run_scoped3A_29 : memref<!tpu.dma_semaphore, #tpu.memory_space<semaphore_mem>>)
      %dma_wait3A = arith.constant 0 : i32
      %dma_wait3A_35 = tpu.memref_slice %arg11[%arg1, %run_scoped3A, %dma_wait3A] : memref<16x2x10240xf32, #tpu.memory_space<vmem_shared>> -> memref<1x1x10240xf32, #tpu.memory_space<vmem_shared>>
      %dma_wait3A_36 = tpu.memref_squeeze %dma_wait3A_35 : memref<1x1x10240xf32, #tpu.memory_space<vmem_shared>> -> memref<10240xf32, #tpu.memory_space<vmem_shared>>
      %dma_wait3A_37 = arith.constant 0 : i32
      %dma_wait3A_38 = tpu.memref_slice %arg11[%arg1, %run_scoped3A, %dma_wait3A_37] : memref<16x2x10240xf32, #tpu.memory_space<vmem_shared>> -> memref<1x1x10240xf32, #tpu.memory_space<vmem_shared>>
      %dma_wait3A_39 = tpu.memref_squeeze %dma_wait3A_38 : memref<1x1x10240xf32, #tpu.memory_space<vmem_shared>> -> memref<10240xf32, #tpu.memory_space<vmem_shared>>
      tpu.wait_dma2 semaphore(%run_scoped3A_29 : memref<!tpu.dma_semaphore, #tpu.memory_space<semaphore_mem>>) src(%arg7 : memref<10240xf32, #tpu.memory_space<vmem>>) dst(%dma_wait3A_39 : memref<10240xf32, #tpu.memory_space<vmem_shared>>)
      tpu.yield
    }) : () -> ()
    %run_scoped3A_15 = arith.constant 1 : i32
    "tpu.region"() ({
      %run_scoped3A_29 = tpu.sem_alloc : memref<!tpu.dma_semaphore, #tpu.memory_space<semaphore_mem>>
      %dma_start3A = arith.constant 0 : i32
      %dma_start3A_30 = tpu.memref_slice %arg11[%arg1, %run_scoped3A_15, %dma_start3A] : memref<16x2x10240xf32, #tpu.memory_space<vmem_shared>> -> memref<1x1x10240xf32, #tpu.memory_space<vmem_shared>>
      %dma_start3A_31 = tpu.memref_squeeze %dma_start3A_30 : memref<1x1x10240xf32, #tpu.memory_space<vmem_shared>> -> memref<10240xf32, #tpu.memory_space<vmem_shared>>
      %dma_start3A_32 = arith.constant 0 : i32
      %dma_start3A_33 = tpu.memref_slice %arg11[%arg1, %run_scoped3A_15, %dma_start3A_32] : memref<16x2x10240xf32, #tpu.memory_space<vmem_shared>> -> memref<1x1x10240xf32, #tpu.memory_space<vmem_shared>>
      %dma_start3A_34 = tpu.memref_squeeze %dma_start3A_33 : memref<1x1x10240xf32, #tpu.memory_space<vmem_shared>> -> memref<10240xf32, #tpu.memory_space<vmem_shared>>
      tpu.enqueue_dma source(%arg8 : memref<10240xf32, #tpu.memory_space<vmem>>) target(%dma_start3A_34 : memref<10240xf32, #tpu.memory_space<vmem_shared>>) target_semaphore(%run_scoped3A_29 : memref<!tpu.dma_semaphore, #tpu.memory_space<semaphore_mem>>)
      %dma_wait3A = arith.constant 0 : i32
      %dma_wait3A_35 = tpu.memref_slice %arg11[%arg1, %run_scoped3A_15, %dma_wait3A] : memref<16x2x10240xf32, #tpu.memory_space<vmem_shared>> -> memref<1x1x10240xf32, #tpu.memory_space<vmem_shared>>
      %dma_wait3A_36 = tpu.memref_squeeze %dma_wait3A_35 : memref<1x1x10240xf32, #tpu.memory_space<vmem_shared>> -> memref<10240xf32, #tpu.memory_space<vmem_shared>>
      %dma_wait3A_37 = arith.constant 0 : i32
      %dma_wait3A_38 = tpu.memref_slice %arg11[%arg1, %run_scoped3A_15, %dma_wait3A_37] : memref<16x2x10240xf32, #tpu.memory_space<vmem_shared>> -> memref<1x1x10240xf32, #tpu.memory_space<vmem_shared>>
      %dma_wait3A_39 = tpu.memref_squeeze %dma_wait3A_38 : memref<1x1x10240xf32, #tpu.memory_space<vmem_shared>> -> memref<10240xf32, #tpu.memory_space<vmem_shared>>
      tpu.wait_dma2 semaphore(%run_scoped3A_29 : memref<!tpu.dma_semaphore, #tpu.memory_space<semaphore_mem>>) src(%arg8 : memref<10240xf32, #tpu.memory_space<vmem>>) dst(%dma_wait3A_39 : memref<10240xf32, #tpu.memory_space<vmem_shared>>)
      tpu.yield
    }) : () -> ()
    %barrier3A = arith.constant 0 : index
    tpu.barrier barrier_id(%barrier3A)
    %mul3A_16 = arith.constant 640 : i32
    %mul3A_17 = arith.muli %arg1, %mul3A_16 : i32
    %run_scoped3A_18 = arith.constant 0 : i32
    %run_scoped3A_19 = arith.constant 0 : i32
    "tpu.region"() ({
      %run_scoped3A_29 = tpu.sem_alloc : memref<!tpu.dma_semaphore, #tpu.memory_space<semaphore_mem>>
      %dma_start3A = arith.constant 0 : i32
      %dma_start3A_30 = tpu.memref_slice %arg9[%dma_start3A] : memref<1280xf32, #tpu.memory_space<vmem>> -> memref<640xf32, #tpu.memory_space<vmem>>
      %dma_start3A_31 = tpu.memref_slice %arg11[%run_scoped3A_18, %run_scoped3A_19, %mul3A_17] : memref<16x2x10240xf32, #tpu.memory_space<vmem_shared>> -> memref<1x1x640xf32, #tpu.memory_space<vmem_shared>>
      %dma_start3A_32 = tpu.memref_squeeze %dma_start3A_31 : memref<1x1x640xf32, #tpu.memory_space<vmem_shared>> -> memref<640xf32, #tpu.memory_space<vmem_shared>>
      %dma_start3A_33 = arith.constant 0 : i32
      %dma_start3A_34 = tpu.memref_slice %arg9[%dma_start3A_33] : memref<1280xf32, #tpu.memory_space<vmem>> -> memref<640xf32, #tpu.memory_space<vmem>>
      %dma_start3A_35 = tpu.memref_slice %arg11[%run_scoped3A_18, %run_scoped3A_19, %mul3A_17] : memref<16x2x10240xf32, #tpu.memory_space<vmem_shared>> -> memref<1x1x640xf32, #tpu.memory_space<vmem_shared>>
      %dma_start3A_36 = tpu.memref_squeeze %dma_start3A_35 : memref<1x1x640xf32, #tpu.memory_space<vmem_shared>> -> memref<640xf32, #tpu.memory_space<vmem_shared>>
      tpu.enqueue_dma source(%dma_start3A_36 : memref<640xf32, #tpu.memory_space<vmem_shared>>) target(%dma_start3A_34 : memref<640xf32, #tpu.memory_space<vmem>>) target_semaphore(%run_scoped3A_29 : memref<!tpu.dma_semaphore, #tpu.memory_space<semaphore_mem>>)
      %dma_wait3A = arith.constant 0 : i32
      %dma_wait3A_37 = tpu.memref_slice %arg9[%dma_wait3A] : memref<1280xf32, #tpu.memory_space<vmem>> -> memref<640xf32, #tpu.memory_space<vmem>>
      %dma_wait3A_38 = tpu.memref_slice %arg11[%run_scoped3A_18, %run_scoped3A_19, %mul3A_17] : memref<16x2x10240xf32, #tpu.memory_space<vmem_shared>> -> memref<1x1x640xf32, #tpu.memory_space<vmem_shared>>
      %dma_wait3A_39 = tpu.memref_squeeze %dma_wait3A_38 : memref<1x1x640xf32, #tpu.memory_space<vmem_shared>> -> memref<640xf32, #tpu.memory_space<vmem_shared>>
      %dma_wait3A_40 = arith.constant 0 : i32
      %dma_wait3A_41 = tpu.memref_slice %arg9[%dma_wait3A_40] : memref<1280xf32, #tpu.memory_space<vmem>> -> memref<640xf32, #tpu.memory_space<vmem>>
      %dma_wait3A_42 = tpu.memref_slice %arg11[%run_scoped3A_18, %run_scoped3A_19, %mul3A_17] : memref<16x2x10240xf32, #tpu.memory_space<vmem_shared>> -> memref<1x1x640xf32, #tpu.memory_space<vmem_shared>>
      %dma_wait3A_43 = tpu.memref_squeeze %dma_wait3A_42 : memref<1x1x640xf32, #tpu.memory_space<vmem_shared>> -> memref<640xf32, #tpu.memory_space<vmem_shared>>
      tpu.wait_dma2 semaphore(%run_scoped3A_29 : memref<!tpu.dma_semaphore, #tpu.memory_space<semaphore_mem>>) src(%dma_wait3A_43 : memref<640xf32, #tpu.memory_space<vmem_shared>>) dst(%dma_wait3A_41 : memref<640xf32, #tpu.memory_space<vmem>>)
      tpu.yield
    }) : () -> ()
    %run_scoped3A_20 = arith.constant 0 : i32
    %run_scoped3A_21 = arith.constant 1 : i32
    "tpu.region"() ({
      %run_scoped3A_29 = tpu.sem_alloc : memref<!tpu.dma_semaphore, #tpu.memory_space<semaphore_mem>>
      %dma_start3A = arith.constant 640 : i32
      %dma_start3A_30 = tpu.memref_slice %arg9[%dma_start3A] : memref<1280xf32, #tpu.memory_space<vmem>> -> memref<640xf32, #tpu.memory_space<vmem>>
      %dma_start3A_31 = tpu.memref_slice %arg11[%run_scoped3A_20, %run_scoped3A_21, %mul3A_17] : memref<16x2x10240xf32, #tpu.memory_space<vmem_shared>> -> memref<1x1x640xf32, #tpu.memory_space<vmem_shared>>
      %dma_start3A_32 = tpu.memref_squeeze %dma_start3A_31 : memref<1x1x640xf32, #tpu.memory_space<vmem_shared>> -> memref<640xf32, #tpu.memory_space<vmem_shared>>
      %dma_start3A_33 = arith.constant 640 : i32
      %dma_start3A_34 = tpu.memref_slice %arg9[%dma_start3A_33] : memref<1280xf32, #tpu.memory_space<vmem>> -> memref<640xf32, #tpu.memory_space<vmem>>
      %dma_start3A_35 = tpu.memref_slice %arg11[%run_scoped3A_20, %run_scoped3A_21, %mul3A_17] : memref<16x2x10240xf32, #tpu.memory_space<vmem_shared>> -> memref<1x1x640xf32, #tpu.memory_space<vmem_shared>>
      %dma_start3A_36 = tpu.memref_squeeze %dma_start3A_35 : memref<1x1x640xf32, #tpu.memory_space<vmem_shared>> -> memref<640xf32, #tpu.memory_space<vmem_shared>>
      tpu.enqueue_dma source(%dma_start3A_36 : memref<640xf32, #tpu.memory_space<vmem_shared>>) target(%dma_start3A_34 : memref<640xf32, #tpu.memory_space<vmem>>) target_semaphore(%run_scoped3A_29 : memref<!tpu.dma_semaphore, #tpu.memory_space<semaphore_mem>>)
      %dma_wait3A = arith.constant 640 : i32
      %dma_wait3A_37 = tpu.memref_slice %arg9[%dma_wait3A] : memref<1280xf32, #tpu.memory_space<vmem>> -> memref<640xf32, #tpu.memory_space<vmem>>
      %dma_wait3A_38 = tpu.memref_slice %arg11[%run_scoped3A_20, %run_scoped3A_21, %mul3A_17] : memref<16x2x10240xf32, #tpu.memory_space<vmem_shared>> -> memref<1x1x640xf32, #tpu.memory_space<vmem_shared>>
      %dma_wait3A_39 = tpu.memref_squeeze %dma_wait3A_38 : memref<1x1x640xf32, #tpu.memory_space<vmem_shared>> -> memref<640xf32, #tpu.memory_space<vmem_shared>>
      %dma_wait3A_40 = arith.constant 640 : i32
      %dma_wait3A_41 = tpu.memref_slice %arg9[%dma_wait3A_40] : memref<1280xf32, #tpu.memory_space<vmem>> -> memref<640xf32, #tpu.memory_space<vmem>>
      %dma_wait3A_42 = tpu.memref_slice %arg11[%run_scoped3A_20, %run_scoped3A_21, %mul3A_17] : memref<16x2x10240xf32, #tpu.memory_space<vmem_shared>> -> memref<1x1x640xf32, #tpu.memory_space<vmem_shared>>
      %dma_wait3A_43 = tpu.memref_squeeze %dma_wait3A_42 : memref<1x1x640xf32, #tpu.memory_space<vmem_shared>> -> memref<640xf32, #tpu.memory_space<vmem_shared>>
      tpu.wait_dma2 semaphore(%run_scoped3A_29 : memref<!tpu.dma_semaphore, #tpu.memory_space<semaphore_mem>>) src(%dma_wait3A_43 : memref<640xf32, #tpu.memory_space<vmem_shared>>) dst(%dma_wait3A_41 : memref<640xf32, #tpu.memory_space<vmem>>)
      tpu.yield
    }) : () -> ()
    %scan3A_22 = arith.constant 1 : i32
    %scan3A_23 = arith.constant 15 : i32
    %scan3A_24 = arith.addi %scan3A_22, %scan3A_23 : i32
    %scan3A_25 = arith.constant 1 : i32
    scf.for %scan3A_29 = %scan3A_22 to %scan3A_24 step %scan3A_25  : i32 {
      %run_scoped3A_30 = arith.constant 0 : i32
      "tpu.region"() ({
        %run_scoped3A_37 = tpu.sem_alloc : memref<!tpu.dma_semaphore, #tpu.memory_space<semaphore_mem>>
        %dma_start3A = arith.constant 0 : i32
        %dma_start3A_38 = tpu.memref_slice %arg10[%dma_start3A] : memref<1280xf32, #tpu.memory_space<vmem>> -> memref<640xf32, #tpu.memory_space<vmem>>
        %dma_start3A_39 = tpu.memref_slice %arg11[%scan3A_29, %run_scoped3A_30, %mul3A_17] : memref<16x2x10240xf32, #tpu.memory_space<vmem_shared>> -> memref<1x1x640xf32, #tpu.memory_space<vmem_shared>>
        %dma_start3A_40 = tpu.memref_squeeze %dma_start3A_39 : memref<1x1x640xf32, #tpu.memory_space<vmem_shared>> -> memref<640xf32, #tpu.memory_space<vmem_shared>>
        %dma_start3A_41 = arith.constant 0 : i32
        %dma_start3A_42 = tpu.memref_slice %arg10[%dma_start3A_41] : memref<1280xf32, #tpu.memory_space<vmem>> -> memref<640xf32, #tpu.memory_space<vmem>>
        %dma_start3A_43 = tpu.memref_slice %arg11[%scan3A_29, %run_scoped3A_30, %mul3A_17] : memref<16x2x10240xf32, #tpu.memory_space<vmem_shared>> -> memref<1x1x640xf32, #tpu.memory_space<vmem_shared>>
        %dma_start3A_44 = tpu.memref_squeeze %dma_start3A_43 : memref<1x1x640xf32, #tpu.memory_space<vmem_shared>> -> memref<640xf32, #tpu.memory_space<vmem_shared>>
        tpu.enqueue_dma source(%dma_start3A_44 : memref<640xf32, #tpu.memory_space<vmem_shared>>) target(%dma_start3A_42 : memref<640xf32, #tpu.memory_space<vmem>>) target_semaphore(%run_scoped3A_37 : memref<!tpu.dma_semaphore, #tpu.memory_space<semaphore_mem>>)
        %dma_wait3A = arith.constant 0 : i32
        %dma_wait3A_45 = tpu.memref_slice %arg10[%dma_wait3A] : memref<1280xf32, #tpu.memory_space<vmem>> -> memref<640xf32, #tpu.memory_space<vmem>>
        %dma_wait3A_46 = tpu.memref_slice %arg11[%scan3A_29, %run_scoped3A_30, %mul3A_17] : memref<16x2x10240xf32, #tpu.memory_space<vmem_shared>> -> memref<1x1x640xf32, #tpu.memory_space<vmem_shared>>
        %dma_wait3A_47 = tpu.memref_squeeze %dma_wait3A_46 : memref<1x1x640xf32, #tpu.memory_space<vmem_shared>> -> memref<640xf32, #tpu.memory_space<vmem_shared>>
        %dma_wait3A_48 = arith.constant 0 : i32
        %dma_wait3A_49 = tpu.memref_slice %arg10[%dma_wait3A_48] : memref<1280xf32, #tpu.memory_space<vmem>> -> memref<640xf32, #tpu.memory_space<vmem>>
        %dma_wait3A_50 = tpu.memref_slice %arg11[%scan3A_29, %run_scoped3A_30, %mul3A_17] : memref<16x2x10240xf32, #tpu.memory_space<vmem_shared>> -> memref<1x1x640xf32, #tpu.memory_space<vmem_shared>>
        %dma_wait3A_51 = tpu.memref_squeeze %dma_wait3A_50 : memref<1x1x640xf32, #tpu.memory_space<vmem_shared>> -> memref<640xf32, #tpu.memory_space<vmem_shared>>
        tpu.wait_dma2 semaphore(%run_scoped3A_37 : memref<!tpu.dma_semaphore, #tpu.memory_space<semaphore_mem>>) src(%dma_wait3A_51 : memref<640xf32, #tpu.memory_space<vmem_shared>>) dst(%dma_wait3A_49 : memref<640xf32, #tpu.memory_space<vmem>>)
        tpu.yield
      }) : () -> ()
      %run_scoped3A_31 = arith.constant 1 : i32
      "tpu.region"() ({
        %run_scoped3A_37 = tpu.sem_alloc : memref<!tpu.dma_semaphore, #tpu.memory_space<semaphore_mem>>
        %dma_start3A = arith.constant 640 : i32
        %dma_start3A_38 = tpu.memref_slice %arg10[%dma_start3A] : memref<1280xf32, #tpu.memory_space<vmem>> -> memref<640xf32, #tpu.memory_space<vmem>>
        %dma_start3A_39 = tpu.memref_slice %arg11[%scan3A_29, %run_scoped3A_31, %mul3A_17] : memref<16x2x10240xf32, #tpu.memory_space<vmem_shared>> -> memref<1x1x640xf32, #tpu.memory_space<vmem_shared>>
        %dma_start3A_40 = tpu.memref_squeeze %dma_start3A_39 : memref<1x1x640xf32, #tpu.memory_space<vmem_shared>> -> memref<640xf32, #tpu.memory_space<vmem_shared>>
        %dma_start3A_41 = arith.constant 640 : i32
        %dma_start3A_42 = tpu.memref_slice %arg10[%dma_start3A_41] : memref<1280xf32, #tpu.memory_space<vmem>> -> memref<640xf32, #tpu.memory_space<vmem>>
        %dma_start3A_43 = tpu.memref_slice %arg11[%scan3A_29, %run_scoped3A_31, %mul3A_17] : memref<16x2x10240xf32, #tpu.memory_space<vmem_shared>> -> memref<1x1x640xf32, #tpu.memory_space<vmem_shared>>
        %dma_start3A_44 = tpu.memref_squeeze %dma_start3A_43 : memref<1x1x640xf32, #tpu.memory_space<vmem_shared>> -> memref<640xf32, #tpu.memory_space<vmem_shared>>
        tpu.enqueue_dma source(%dma_start3A_44 : memref<640xf32, #tpu.memory_space<vmem_shared>>) target(%dma_start3A_42 : memref<640xf32, #tpu.memory_space<vmem>>) target_semaphore(%run_scoped3A_37 : memref<!tpu.dma_semaphore, #tpu.memory_space<semaphore_mem>>)
        %dma_wait3A = arith.constant 640 : i32
        %dma_wait3A_45 = tpu.memref_slice %arg10[%dma_wait3A] : memref<1280xf32, #tpu.memory_space<vmem>> -> memref<640xf32, #tpu.memory_space<vmem>>
        %dma_wait3A_46 = tpu.memref_slice %arg11[%scan3A_29, %run_scoped3A_31, %mul3A_17] : memref<16x2x10240xf32, #tpu.memory_space<vmem_shared>> -> memref<1x1x640xf32, #tpu.memory_space<vmem_shared>>
        %dma_wait3A_47 = tpu.memref_squeeze %dma_wait3A_46 : memref<1x1x640xf32, #tpu.memory_space<vmem_shared>> -> memref<640xf32, #tpu.memory_space<vmem_shared>>
        %dma_wait3A_48 = arith.constant 640 : i32
        %dma_wait3A_49 = tpu.memref_slice %arg10[%dma_wait3A_48] : memref<1280xf32, #tpu.memory_space<vmem>> -> memref<640xf32, #tpu.memory_space<vmem>>
        %dma_wait3A_50 = tpu.memref_slice %arg11[%scan3A_29, %run_scoped3A_31, %mul3A_17] : memref<16x2x10240xf32, #tpu.memory_space<vmem_shared>> -> memref<1x1x640xf32, #tpu.memory_space<vmem_shared>>
        %dma_wait3A_51 = tpu.memref_squeeze %dma_wait3A_50 : memref<1x1x640xf32, #tpu.memory_space<vmem_shared>> -> memref<640xf32, #tpu.memory_space<vmem_shared>>
        tpu.wait_dma2 semaphore(%run_scoped3A_37 : memref<!tpu.dma_semaphore, #tpu.memory_space<semaphore_mem>>) src(%dma_wait3A_51 : memref<640xf32, #tpu.memory_space<vmem_shared>>) dst(%dma_wait3A_49 : memref<640xf32, #tpu.memory_space<vmem>>)
        tpu.yield
      }) : () -> ()
      %scan3A_32 = arith.constant 0 : i32
      %scan3A_33 = arith.constant 80 : i32
      %scan3A_34 = arith.addi %scan3A_32, %scan3A_33 : i32
      %scan3A_35 = arith.constant 1 : i32
      scf.for %scan3A_37 = %scan3A_32 to %scan3A_34 step %scan3A_35  : i32 {
        %mul3A_38 = arith.constant 16 : i32
        %mul3A_39 = arith.muli %scan3A_37, %mul3A_38 : i32
        %get3A = arith.index_cast %mul3A_39 : i32 to index
        %get3A_40 = tpu.vector_load %arg9[%get3A] {strides = array<i32>} : memref<1280xf32, #tpu.memory_space<vmem>>, vector<16xf32>,
        %get3A_41 = arith.index_cast %mul3A_39 : i32 to index
        %get3A_42 = tpu.vector_load %arg10[%get3A_41] {strides = array<i32>} : memref<1280xf32, #tpu.memory_space<vmem>>, vector<16xf32>,
        %add3A_43 = arith.addf %get3A_40, %get3A_42 : vector<16xf32>
        %swap3A = arith.index_cast %mul3A_39 : i32 to index
        %swap3A_44 = tpu.vector_load %arg9[%swap3A] {strides = array<i32>} : memref<1280xf32, #tpu.memory_space<vmem>>, vector<16xf32>,
        tpu.vector_store %arg9[%swap3A], %add3A_43 {strides = array<i32>} : memref<1280xf32, #tpu.memory_space<vmem>>, vector<16xf32>,
      }
      %scan3A_36 = arith.constant 80 : i32
    }
    %scan3A_26 = arith.constant 15 : i32
    %run_scoped3A_27 = arith.constant 0 : i32
    "tpu.region"() ({
      %run_scoped3A_29 = tpu.sem_alloc : memref<!tpu.dma_semaphore, #tpu.memory_space<semaphore_mem>>
      %dma_start3A = arith.constant 0 : i32
      %dma_start3A_30 = tpu.memref_slice %arg9[%dma_start3A] : memref<1280xf32, #tpu.memory_space<vmem>> -> memref<640xf32, #tpu.memory_space<vmem>>
      %dma_start3A_31 = tpu.memref_slice %arg4[%arg0, %run_scoped3A_27, %mul3A_17] : memref<2x2x10240xf32, #tpu.memory_space<hbm>> -> memref<1x1x640xf32, #tpu.memory_space<hbm>>
      %dma_start3A_32 = tpu.memref_squeeze %dma_start3A_31 : memref<1x1x640xf32, #tpu.memory_space<hbm>> -> memref<640xf32, #tpu.memory_space<hbm>>
      %dma_start3A_33 = tpu.memref_slice %arg4[%arg0, %run_scoped3A_27, %mul3A_17] : memref<2x2x10240xf32, #tpu.memory_space<hbm>> -> memref<1x1x640xf32, #tpu.memory_space<hbm>>
      %dma_start3A_34 = tpu.memref_squeeze %dma_start3A_33 : memref<1x1x640xf32, #tpu.memory_space<hbm>> -> memref<640xf32, #tpu.memory_space<hbm>>
      %dma_start3A_35 = arith.constant 0 : i32
      %dma_start3A_36 = tpu.memref_slice %arg9[%dma_start3A_35] : memref<1280xf32, #tpu.memory_space<vmem>> -> memref<640xf32, #tpu.memory_space<vmem>>
      tpu.enqueue_dma source(%dma_start3A_36 : memref<640xf32, #tpu.memory_space<vmem>>) target(%dma_start3A_34 : memref<640xf32, #tpu.memory_space<hbm>>) target_semaphore(%run_scoped3A_29 : memref<!tpu.dma_semaphore, #tpu.memory_space<semaphore_mem>>)
      %dma_wait3A = arith.constant 0 : i32
      %dma_wait3A_37 = tpu.memref_slice %arg9[%dma_wait3A] : memref<1280xf32, #tpu.memory_space<vmem>> -> memref<640xf32, #tpu.memory_space<vmem>>
      %dma_wait3A_38 = tpu.memref_slice %arg4[%arg0, %run_scoped3A_27, %mul3A_17] : memref<2x2x10240xf32, #tpu.memory_space<hbm>> -> memref<1x1x640xf32, #tpu.memory_space<hbm>>
      %dma_wait3A_39 = tpu.memref_squeeze %dma_wait3A_38 : memref<1x1x640xf32, #tpu.memory_space<hbm>> -> memref<640xf32, #tpu.memory_space<hbm>>
      %dma_wait3A_40 = tpu.memref_slice %arg4[%arg0, %run_scoped3A_27, %mul3A_17] : memref<2x2x10240xf32, #tpu.memory_space<hbm>> -> memref<1x1x640xf32, #tpu.memory_space<hbm>>
      %dma_wait3A_41 = tpu.memref_squeeze %dma_wait3A_40 : memref<1x1x640xf32, #tpu.memory_space<hbm>> -> memref<640xf32, #tpu.memory_space<hbm>>
      %dma_wait3A_42 = arith.constant 0 : i32
      %dma_wait3A_43 = tpu.memref_slice %arg9[%dma_wait3A_42] : memref<1280xf32, #tpu.memory_space<vmem>> -> memref<640xf32, #tpu.memory_space<vmem>>
      tpu.wait_dma2 semaphore(%run_scoped3A_29 : memref<!tpu.dma_semaphore, #tpu.memory_space<semaphore_mem>>) src(%dma_wait3A_43 : memref<640xf32, #tpu.memory_space<vmem>>) dst(%dma_wait3A_41 : memref<640xf32, #tpu.memory_space<hbm>>)
      tpu.yield
    }) : () -> ()
    %run_scoped3A_28 = arith.constant 1 : i32
    "tpu.region"() ({
      %run_scoped3A_29 = tpu.sem_alloc : memref<!tpu.dma_semaphore, #tpu.memory_space<semaphore_mem>>
      %dma_start3A = arith.constant 640 : i32
      %dma_start3A_30 = tpu.memref_slice %arg9[%dma_start3A] : memref<1280xf32, #tpu.memory_space<vmem>> -> memref<640xf32, #tpu.memory_space<vmem>>
      %dma_start3A_31 = tpu.memref_slice %arg4[%arg0, %run_scoped3A_28, %mul3A_17] : memref<2x2x10240xf32, #tpu.memory_space<hbm>> -> memref<1x1x640xf32, #tpu.memory_space<hbm>>
      %dma_start3A_32 = tpu.memref_squeeze %dma_start3A_31 : memref<1x1x640xf32, #tpu.memory_space<hbm>> -> memref<640xf32, #tpu.memory_space<hbm>>
      %dma_start3A_33 = tpu.memref_slice %arg4[%arg0, %run_scoped3A_28, %mul3A_17] : memref<2x2x10240xf32, #tpu.memory_space<hbm>> -> memref<1x1x640xf32, #tpu.memory_space<hbm>>
      %dma_start3A_34 = tpu.memref_squeeze %dma_start3A_33 : memref<1x1x640xf32, #tpu.memory_space<hbm>> -> memref<640xf32, #tpu.memory_space<hbm>>
      %dma_start3A_35 = arith.constant 640 : i32
      %dma_start3A_36 = tpu.memref_slice %arg9[%dma_start3A_35] : memref<1280xf32, #tpu.memory_space<vmem>> -> memref<640xf32, #tpu.memory_space<vmem>>
      tpu.enqueue_dma source(%dma_start3A_36 : memref<640xf32, #tpu.memory_space<vmem>>) target(%dma_start3A_34 : memref<640xf32, #tpu.memory_space<hbm>>) target_semaphore(%run_scoped3A_29 : memref<!tpu.dma_semaphore, #tpu.memory_space<semaphore_mem>>)
      %dma_wait3A = arith.constant 640 : i32
      %dma_wait3A_37 = tpu.memref_slice %arg9[%dma_wait3A] : memref<1280xf32, #tpu.memory_space<vmem>> -> memref<640xf32, #tpu.memory_space<vmem>>
      %dma_wait3A_38 = tpu.memref_slice %arg4[%arg0, %run_scoped3A_28, %mul3A_17] : memref<2x2x10240xf32, #tpu.memory_space<hbm>> -> memref<1x1x640xf32, #tpu.memory_space<hbm>>
      %dma_wait3A_39 = tpu.memref_squeeze %dma_wait3A_38 : memref<1x1x640xf32, #tpu.memory_space<hbm>> -> memref<640xf32, #tpu.memory_space<hbm>>
      %dma_wait3A_40 = tpu.memref_slice %arg4[%arg0, %run_scoped3A_28, %mul3A_17] : memref<2x2x10240xf32, #tpu.memory_space<hbm>> -> memref<1x1x640xf32, #tpu.memory_space<hbm>>
      %dma_wait3A_41 = tpu.memref_squeeze %dma_wait3A_40 : memref<1x1x640xf32, #tpu.memory_space<hbm>> -> memref<640xf32, #tpu.memory_space<hbm>>
      %dma_wait3A_42 = arith.constant 640 : i32
      %dma_wait3A_43 = tpu.memref_slice %arg9[%dma_wait3A_42] : memref<1280xf32, #tpu.memory_space<vmem>> -> memref<640xf32, #tpu.memory_space<vmem>>
      tpu.wait_dma2 semaphore(%run_scoped3A_29 : memref<!tpu.dma_semaphore, #tpu.memory_space<semaphore_mem>>) src(%dma_wait3A_43 : memref<640xf32, #tpu.memory_space<vmem>>) dst(%dma_wait3A_41 : memref<640xf32, #tpu.memory_space<hbm>>)
      tpu.yield
    }) : () -> ()
    return
  }
}

#map = affine_map<(d0, d1) -> (0, 0)>
#map1 = affine_map<(d0, d1) -> (0, 0, 0)>
module attributes {stable_mosaic.version = 14 : i64} {
  func.func @_agg(%arg0: i32, %arg1: i32, %arg2: memref<10240x128xbf16, #tpu.memory_space<hbm>>, %arg3: memref<32x80x128xi32, #tpu.memory_space<hbm>>, %arg4: memref<32x80x128xi32, #tpu.memory_space<hbm>>, %arg5: memref<640x128xbf16, #tpu.memory_space<hbm>>, %arg6: memref<2x10240x128xbf16, #tpu.memory_space<hbm>>, %arg7: memref<5x128xi32, #tpu.memory_space<vmem>>, %arg8: memref<5x128xi32, #tpu.memory_space<vmem>>, %arg9: memref<5x128x128xbf16, #tpu.memory_space<vmem>>, %arg10: memref<10240x128xbf16, #tpu.memory_space<vmem_shared>>, %arg11: memref<10240x128xbf16, #tpu.memory_space<vmem_shared>>, %arg12: memref<!tpu.dma_semaphore, #tpu.memory_space<semaphore_mem>>, %arg13: memref<!tpu.dma_semaphore, #tpu.memory_space<semaphore_mem>>, %arg14: memref<!tpu.dma_semaphore, #tpu.memory_space<semaphore_mem>>, %arg15: memref<!tpu.dma_semaphore, #tpu.memory_space<semaphore_mem>>, %arg16: memref<!tpu.dma_semaphore, #tpu.memory_space<semaphore_mem>>, %arg17: memref<!tpu.dma_semaphore, #tpu.memory_space<semaphore_mem>>, %arg18: memref<!tpu.dma_semaphore, #tpu.memory_space<semaphore_mem>>, %arg19: memref<!tpu.dma_semaphore, #tpu.memory_space<semaphore_mem>>, %arg20: memref<!tpu.dma_semaphore, #tpu.memory_space<semaphore_mem>>, %arg21: memref<!tpu.dma_semaphore, #tpu.memory_space<semaphore_mem>>) attributes {dimension_semantics = [#tpu.dimension_semantics<core_parallel>, #tpu.dimension_semantics<subcore_parallel>], iteration_bounds = array<i64: 2, 16>, scalar_prefetch = 0 : i64, scratch_operands = 15 : i64, tpu.core_type = #tpu.core_type<sc_vector_subcore>, window_params = [{transform_indices = #map}, {transform_indices = #map1}, {transform_indices = #map1}, {transform_indices = #map}, {transform_indices = #map1}]} {
    %mul3A = arith.constant 16 : i32
    %mul3A_0 = arith.muli %arg0, %mul3A : i32
    %add3A = arith.addi %mul3A_0, %arg1 : i32
    %mul3A_1 = arith.constant 640 : i32
    %mul3A_2 = arith.muli %arg1, %mul3A_1 : i32
    "tpu.region"() ({
      %run_scoped3A = tpu.sem_alloc : memref<!tpu.dma_semaphore, #tpu.memory_space<semaphore_mem>>
      %dma_start3A = arith.constant 0 : i32
      %dma_start3A_8 = tpu.memref_slice %arg10[%mul3A_2, %dma_start3A] : memref<10240x128xbf16, #tpu.memory_space<vmem_shared>> -> memref<640x128xbf16, #tpu.memory_space<vmem_shared>>
      tpu.enqueue_dma source(%arg5 : memref<640x128xbf16, #tpu.memory_space<hbm>>) target(%dma_start3A_8 : memref<640x128xbf16, #tpu.memory_space<vmem_shared>>) target_semaphore(%run_scoped3A : memref<!tpu.dma_semaphore, #tpu.memory_space<semaphore_mem>>)
      %dma_wait3A = arith.constant 0 : i32
      %dma_wait3A_9 = tpu.memref_slice %arg10[%mul3A_2, %dma_wait3A] : memref<10240x128xbf16, #tpu.memory_space<vmem_shared>> -> memref<640x128xbf16, #tpu.memory_space<vmem_shared>>
      tpu.wait_dma2 semaphore(%run_scoped3A : memref<!tpu.dma_semaphore, #tpu.memory_space<semaphore_mem>>) src(%arg5 : memref<640x128xbf16, #tpu.memory_space<hbm>>) dst(%dma_wait3A_9 : memref<640x128xbf16, #tpu.memory_space<vmem_shared>>)
      tpu.yield
    }) : () -> ()
    "tpu.region"() ({
      %run_scoped3A = tpu.sem_alloc : memref<!tpu.dma_semaphore, #tpu.memory_space<semaphore_mem>>
      %dma_start3A = arith.constant 0 : i32
      %dma_start3A_8 = tpu.memref_slice %arg11[%mul3A_2, %dma_start3A] : memref<10240x128xbf16, #tpu.memory_space<vmem_shared>> -> memref<640x128xbf16, #tpu.memory_space<vmem_shared>>
      %dma_start3A_9 = arith.constant 0 : i32
      %dma_start3A_10 = tpu.memref_slice %arg2[%mul3A_2, %dma_start3A_9] : memref<10240x128xbf16, #tpu.memory_space<hbm>> -> memref<640x128xbf16, #tpu.memory_space<hbm>>
      tpu.enqueue_dma source(%dma_start3A_10 : memref<640x128xbf16, #tpu.memory_space<hbm>>) target(%dma_start3A_8 : memref<640x128xbf16, #tpu.memory_space<vmem_shared>>) target_semaphore(%run_scoped3A : memref<!tpu.dma_semaphore, #tpu.memory_space<semaphore_mem>>)
      %dma_wait3A = arith.constant 0 : i32
      %dma_wait3A_11 = tpu.memref_slice %arg11[%mul3A_2, %dma_wait3A] : memref<10240x128xbf16, #tpu.memory_space<vmem_shared>> -> memref<640x128xbf16, #tpu.memory_space<vmem_shared>>
      %dma_wait3A_12 = arith.constant 0 : i32
      %dma_wait3A_13 = tpu.memref_slice %arg2[%mul3A_2, %dma_wait3A_12] : memref<10240x128xbf16, #tpu.memory_space<hbm>> -> memref<640x128xbf16, #tpu.memory_space<hbm>>
      tpu.wait_dma2 semaphore(%run_scoped3A : memref<!tpu.dma_semaphore, #tpu.memory_space<semaphore_mem>>) src(%dma_wait3A_13 : memref<640x128xbf16, #tpu.memory_space<hbm>>) dst(%dma_wait3A_11 : memref<640x128xbf16, #tpu.memory_space<vmem_shared>>)
      tpu.yield
    }) : () -> ()
    %barrier3A = arith.constant 0 : index
    tpu.barrier barrier_id(%barrier3A)
    %scan3A = arith.constant 0 : i32
    %scan3A_3 = arith.constant 16 : i32
    %scan3A_4 = arith.addi %scan3A, %scan3A_3 : i32
    %scan3A_5 = arith.constant 1 : i32
    scf.for %scan3A_8 = %scan3A to %scan3A_4 step %scan3A_5  : i32 {
      %mul3A_9 = arith.constant 5 : i32
      %mul3A_10 = arith.muli %scan3A_8, %mul3A_9 : i32
      "tpu.region"() ({
        %run_scoped3A = tpu.sem_alloc : memref<!tpu.dma_semaphore, #tpu.memory_space<semaphore_mem>>
        %dma_start3A_249 = arith.constant 0 : i32
        %dma_start3A_250 = tpu.memref_slice %arg3[%add3A, %mul3A_10, %dma_start3A_249] : memref<32x80x128xi32, #tpu.memory_space<hbm>> -> memref<1x5x128xi32, #tpu.memory_space<hbm>>
        %dma_start3A_251 = tpu.memref_squeeze %dma_start3A_250 : memref<1x5x128xi32, #tpu.memory_space<hbm>> -> memref<5x128xi32, #tpu.memory_space<hbm>>
        %dma_start3A_252 = arith.constant 0 : i32
        %dma_start3A_253 = tpu.memref_slice %arg3[%add3A, %mul3A_10, %dma_start3A_252] : memref<32x80x128xi32, #tpu.memory_space<hbm>> -> memref<1x5x128xi32, #tpu.memory_space<hbm>>
        %dma_start3A_254 = tpu.memref_squeeze %dma_start3A_253 : memref<1x5x128xi32, #tpu.memory_space<hbm>> -> memref<5x128xi32, #tpu.memory_space<hbm>>
        tpu.enqueue_dma source(%dma_start3A_254 : memref<5x128xi32, #tpu.memory_space<hbm>>) target(%arg7 : memref<5x128xi32, #tpu.memory_space<vmem>>) target_semaphore(%run_scoped3A : memref<!tpu.dma_semaphore, #tpu.memory_space<semaphore_mem>>)
        %dma_wait3A_255 = arith.constant 0 : i32
        %dma_wait3A_256 = tpu.memref_slice %arg3[%add3A, %mul3A_10, %dma_wait3A_255] : memref<32x80x128xi32, #tpu.memory_space<hbm>> -> memref<1x5x128xi32, #tpu.memory_space<hbm>>
        %dma_wait3A_257 = tpu.memref_squeeze %dma_wait3A_256 : memref<1x5x128xi32, #tpu.memory_space<hbm>> -> memref<5x128xi32, #tpu.memory_space<hbm>>
        %dma_wait3A_258 = arith.constant 0 : i32
        %dma_wait3A_259 = tpu.memref_slice %arg3[%add3A, %mul3A_10, %dma_wait3A_258] : memref<32x80x128xi32, #tpu.memory_space<hbm>> -> memref<1x5x128xi32, #tpu.memory_space<hbm>>
        %dma_wait3A_260 = tpu.memref_squeeze %dma_wait3A_259 : memref<1x5x128xi32, #tpu.memory_space<hbm>> -> memref<5x128xi32, #tpu.memory_space<hbm>>
        tpu.wait_dma2 semaphore(%run_scoped3A : memref<!tpu.dma_semaphore, #tpu.memory_space<semaphore_mem>>) src(%dma_wait3A_260 : memref<5x128xi32, #tpu.memory_space<hbm>>) dst(%arg7 : memref<5x128xi32, #tpu.memory_space<vmem>>)
        tpu.yield
      }) : () -> ()
      "tpu.region"() ({
        %run_scoped3A = tpu.sem_alloc : memref<!tpu.dma_semaphore, #tpu.memory_space<semaphore_mem>>
        %dma_start3A_249 = arith.constant 0 : i32
        %dma_start3A_250 = tpu.memref_slice %arg4[%add3A, %mul3A_10, %dma_start3A_249] : memref<32x80x128xi32, #tpu.memory_space<hbm>> -> memref<1x5x128xi32, #tpu.memory_space<hbm>>
        %dma_start3A_251 = tpu.memref_squeeze %dma_start3A_250 : memref<1x5x128xi32, #tpu.memory_space<hbm>> -> memref<5x128xi32, #tpu.memory_space<hbm>>
        %dma_start3A_252 = arith.constant 0 : i32
        %dma_start3A_253 = tpu.memref_slice %arg4[%add3A, %mul3A_10, %dma_start3A_252] : memref<32x80x128xi32, #tpu.memory_space<hbm>> -> memref<1x5x128xi32, #tpu.memory_space<hbm>>
        %dma_start3A_254 = tpu.memref_squeeze %dma_start3A_253 : memref<1x5x128xi32, #tpu.memory_space<hbm>> -> memref<5x128xi32, #tpu.memory_space<hbm>>
        tpu.enqueue_dma source(%dma_start3A_254 : memref<5x128xi32, #tpu.memory_space<hbm>>) target(%arg8 : memref<5x128xi32, #tpu.memory_space<vmem>>) target_semaphore(%run_scoped3A : memref<!tpu.dma_semaphore, #tpu.memory_space<semaphore_mem>>)
        %dma_wait3A_255 = arith.constant 0 : i32
        %dma_wait3A_256 = tpu.memref_slice %arg4[%add3A, %mul3A_10, %dma_wait3A_255] : memref<32x80x128xi32, #tpu.memory_space<hbm>> -> memref<1x5x128xi32, #tpu.memory_space<hbm>>
        %dma_wait3A_257 = tpu.memref_squeeze %dma_wait3A_256 : memref<1x5x128xi32, #tpu.memory_space<hbm>> -> memref<5x128xi32, #tpu.memory_space<hbm>>
        %dma_wait3A_258 = arith.constant 0 : i32
        %dma_wait3A_259 = tpu.memref_slice %arg4[%add3A, %mul3A_10, %dma_wait3A_258] : memref<32x80x128xi32, #tpu.memory_space<hbm>> -> memref<1x5x128xi32, #tpu.memory_space<hbm>>
        %dma_wait3A_260 = tpu.memref_squeeze %dma_wait3A_259 : memref<1x5x128xi32, #tpu.memory_space<hbm>> -> memref<5x128xi32, #tpu.memory_space<hbm>>
        tpu.wait_dma2 semaphore(%run_scoped3A : memref<!tpu.dma_semaphore, #tpu.memory_space<semaphore_mem>>) src(%dma_wait3A_260 : memref<5x128xi32, #tpu.memory_space<hbm>>) dst(%arg8 : memref<5x128xi32, #tpu.memory_space<vmem>>)
        tpu.yield
      }) : () -> ()
      %dma_start3A = arith.constant 0 : i32
      %dma_start3A_11 = arith.constant 0 : i32
      %dma_start3A_12 = arith.constant 0 : i32
      %dma_start3A_13 = arith.constant 0 : i32
      %dma_start3A_14 = tpu.memref_slice %arg9[%dma_start3A_11, %dma_start3A_12, %dma_start3A_13] : memref<5x128x128xbf16, #tpu.memory_space<vmem>> -> memref<1x128x128xbf16, #tpu.memory_space<vmem>>
      %dma_start3A_15 = tpu.memref_squeeze %dma_start3A_14 : memref<1x128x128xbf16, #tpu.memory_space<vmem>> -> memref<128x128xbf16, #tpu.memory_space<vmem>>
      %dma_start3A_16 = arith.constant 0 : i32
      %dma_start3A_17 = tpu.memref_slice %arg7[%dma_start3A, %dma_start3A_16] : memref<5x128xi32, #tpu.memory_space<vmem>> -> memref<1x128xi32, #tpu.memory_space<vmem>>
      %dma_start3A_18 = tpu.memref_squeeze %dma_start3A_17 : memref<1x128xi32, #tpu.memory_space<vmem>> -> memref<128xi32, #tpu.memory_space<vmem>>
      %dma_start3A_19 = arith.constant 0 : i32
      %dma_start3A_20 = arith.constant 0 : i32
      %dma_start3A_21 = tpu.memref_slice %arg11[%dma_start3A_19, %dma_start3A_20] : memref<10240x128xbf16, #tpu.memory_space<vmem_shared>> -> memref<10240x128xbf16, #tpu.memory_space<vmem_shared>>
      tpu.enqueue_indirect_dma source(%dma_start3A_21 : memref<10240x128xbf16, #tpu.memory_space<vmem_shared>>) target(%dma_start3A_15 : memref<128x128xbf16, #tpu.memory_space<vmem>>) offsets(%dma_start3A_18 : memref<128xi32, #tpu.memory_space<vmem>>) semaphore(%arg12 : memref<!tpu.dma_semaphore, #tpu.memory_space<semaphore_mem>>)
      %dma_start3A_22 = arith.constant 1 : i32
      %dma_start3A_23 = arith.constant 1 : i32
      %dma_start3A_24 = arith.constant 0 : i32
      %dma_start3A_25 = arith.constant 0 : i32
      %dma_start3A_26 = tpu.memref_slice %arg9[%dma_start3A_23, %dma_start3A_24, %dma_start3A_25] : memref<5x128x128xbf16, #tpu.memory_space<vmem>> -> memref<1x128x128xbf16, #tpu.memory_space<vmem>>
      %dma_start3A_27 = tpu.memref_squeeze %dma_start3A_26 : memref<1x128x128xbf16, #tpu.memory_space<vmem>> -> memref<128x128xbf16, #tpu.memory_space<vmem>>
      %dma_start3A_28 = arith.constant 0 : i32
      %dma_start3A_29 = tpu.memref_slice %arg7[%dma_start3A_22, %dma_start3A_28] : memref<5x128xi32, #tpu.memory_space<vmem>> -> memref<1x128xi32, #tpu.memory_space<vmem>>
      %dma_start3A_30 = tpu.memref_squeeze %dma_start3A_29 : memref<1x128xi32, #tpu.memory_space<vmem>> -> memref<128xi32, #tpu.memory_space<vmem>>
      %dma_start3A_31 = arith.constant 0 : i32
      %dma_start3A_32 = arith.constant 0 : i32
      %dma_start3A_33 = tpu.memref_slice %arg11[%dma_start3A_31, %dma_start3A_32] : memref<10240x128xbf16, #tpu.memory_space<vmem_shared>> -> memref<10240x128xbf16, #tpu.memory_space<vmem_shared>>
      tpu.enqueue_indirect_dma source(%dma_start3A_33 : memref<10240x128xbf16, #tpu.memory_space<vmem_shared>>) target(%dma_start3A_27 : memref<128x128xbf16, #tpu.memory_space<vmem>>) offsets(%dma_start3A_30 : memref<128xi32, #tpu.memory_space<vmem>>) semaphore(%arg13 : memref<!tpu.dma_semaphore, #tpu.memory_space<semaphore_mem>>)
      %dma_start3A_34 = arith.constant 2 : i32
      %dma_start3A_35 = arith.constant 2 : i32
      %dma_start3A_36 = arith.constant 0 : i32
      %dma_start3A_37 = arith.constant 0 : i32
      %dma_start3A_38 = tpu.memref_slice %arg9[%dma_start3A_35, %dma_start3A_36, %dma_start3A_37] : memref<5x128x128xbf16, #tpu.memory_space<vmem>> -> memref<1x128x128xbf16, #tpu.memory_space<vmem>>
      %dma_start3A_39 = tpu.memref_squeeze %dma_start3A_38 : memref<1x128x128xbf16, #tpu.memory_space<vmem>> -> memref<128x128xbf16, #tpu.memory_space<vmem>>
      %dma_start3A_40 = arith.constant 0 : i32
      %dma_start3A_41 = tpu.memref_slice %arg7[%dma_start3A_34, %dma_start3A_40] : memref<5x128xi32, #tpu.memory_space<vmem>> -> memref<1x128xi32, #tpu.memory_space<vmem>>
      %dma_start3A_42 = tpu.memref_squeeze %dma_start3A_41 : memref<1x128xi32, #tpu.memory_space<vmem>> -> memref<128xi32, #tpu.memory_space<vmem>>
      %dma_start3A_43 = arith.constant 0 : i32
      %dma_start3A_44 = arith.constant 0 : i32
      %dma_start3A_45 = tpu.memref_slice %arg11[%dma_start3A_43, %dma_start3A_44] : memref<10240x128xbf16, #tpu.memory_space<vmem_shared>> -> memref<10240x128xbf16, #tpu.memory_space<vmem_shared>>
      tpu.enqueue_indirect_dma source(%dma_start3A_45 : memref<10240x128xbf16, #tpu.memory_space<vmem_shared>>) target(%dma_start3A_39 : memref<128x128xbf16, #tpu.memory_space<vmem>>) offsets(%dma_start3A_42 : memref<128xi32, #tpu.memory_space<vmem>>) semaphore(%arg14 : memref<!tpu.dma_semaphore, #tpu.memory_space<semaphore_mem>>)
      %dma_start3A_46 = arith.constant 3 : i32
      %dma_start3A_47 = arith.constant 3 : i32
      %dma_start3A_48 = arith.constant 0 : i32
      %dma_start3A_49 = arith.constant 0 : i32
      %dma_start3A_50 = tpu.memref_slice %arg9[%dma_start3A_47, %dma_start3A_48, %dma_start3A_49] : memref<5x128x128xbf16, #tpu.memory_space<vmem>> -> memref<1x128x128xbf16, #tpu.memory_space<vmem>>
      %dma_start3A_51 = tpu.memref_squeeze %dma_start3A_50 : memref<1x128x128xbf16, #tpu.memory_space<vmem>> -> memref<128x128xbf16, #tpu.memory_space<vmem>>
      %dma_start3A_52 = arith.constant 0 : i32
      %dma_start3A_53 = tpu.memref_slice %arg7[%dma_start3A_46, %dma_start3A_52] : memref<5x128xi32, #tpu.memory_space<vmem>> -> memref<1x128xi32, #tpu.memory_space<vmem>>
      %dma_start3A_54 = tpu.memref_squeeze %dma_start3A_53 : memref<1x128xi32, #tpu.memory_space<vmem>> -> memref<128xi32, #tpu.memory_space<vmem>>
      %dma_start3A_55 = arith.constant 0 : i32
      %dma_start3A_56 = arith.constant 0 : i32
      %dma_start3A_57 = tpu.memref_slice %arg11[%dma_start3A_55, %dma_start3A_56] : memref<10240x128xbf16, #tpu.memory_space<vmem_shared>> -> memref<10240x128xbf16, #tpu.memory_space<vmem_shared>>
      tpu.enqueue_indirect_dma source(%dma_start3A_57 : memref<10240x128xbf16, #tpu.memory_space<vmem_shared>>) target(%dma_start3A_51 : memref<128x128xbf16, #tpu.memory_space<vmem>>) offsets(%dma_start3A_54 : memref<128xi32, #tpu.memory_space<vmem>>) semaphore(%arg15 : memref<!tpu.dma_semaphore, #tpu.memory_space<semaphore_mem>>)
      %dma_start3A_58 = arith.constant 4 : i32
      %dma_start3A_59 = arith.constant 4 : i32
      %dma_start3A_60 = arith.constant 0 : i32
      %dma_start3A_61 = arith.constant 0 : i32
      %dma_start3A_62 = tpu.memref_slice %arg9[%dma_start3A_59, %dma_start3A_60, %dma_start3A_61] : memref<5x128x128xbf16, #tpu.memory_space<vmem>> -> memref<1x128x128xbf16, #tpu.memory_space<vmem>>
      %dma_start3A_63 = tpu.memref_squeeze %dma_start3A_62 : memref<1x128x128xbf16, #tpu.memory_space<vmem>> -> memref<128x128xbf16, #tpu.memory_space<vmem>>
      %dma_start3A_64 = arith.constant 0 : i32
      %dma_start3A_65 = tpu.memref_slice %arg7[%dma_start3A_58, %dma_start3A_64] : memref<5x128xi32, #tpu.memory_space<vmem>> -> memref<1x128xi32, #tpu.memory_space<vmem>>
      %dma_start3A_66 = tpu.memref_squeeze %dma_start3A_65 : memref<1x128xi32, #tpu.memory_space<vmem>> -> memref<128xi32, #tpu.memory_space<vmem>>
      %dma_start3A_67 = arith.constant 0 : i32
      %dma_start3A_68 = arith.constant 0 : i32
      %dma_start3A_69 = tpu.memref_slice %arg11[%dma_start3A_67, %dma_start3A_68] : memref<10240x128xbf16, #tpu.memory_space<vmem_shared>> -> memref<10240x128xbf16, #tpu.memory_space<vmem_shared>>
      tpu.enqueue_indirect_dma source(%dma_start3A_69 : memref<10240x128xbf16, #tpu.memory_space<vmem_shared>>) target(%dma_start3A_63 : memref<128x128xbf16, #tpu.memory_space<vmem>>) offsets(%dma_start3A_66 : memref<128xi32, #tpu.memory_space<vmem>>) semaphore(%arg16 : memref<!tpu.dma_semaphore, #tpu.memory_space<semaphore_mem>>)
      %dma_wait3A = arith.constant 0 : i32
      %dma_wait3A_70 = arith.constant 0 : i32
      %dma_wait3A_71 = arith.constant 0 : i32
      %dma_wait3A_72 = arith.constant 0 : i32
      %dma_wait3A_73 = tpu.memref_slice %arg9[%dma_wait3A_70, %dma_wait3A_71, %dma_wait3A_72] : memref<5x128x128xbf16, #tpu.memory_space<vmem>> -> memref<1x128x128xbf16, #tpu.memory_space<vmem>>
      %dma_wait3A_74 = tpu.memref_squeeze %dma_wait3A_73 : memref<1x128x128xbf16, #tpu.memory_space<vmem>> -> memref<128x128xbf16, #tpu.memory_space<vmem>>
      %dma_wait3A_75 = arith.constant 0 : i32
      %dma_wait3A_76 = tpu.memref_slice %arg7[%dma_wait3A, %dma_wait3A_75] : memref<5x128xi32, #tpu.memory_space<vmem>> -> memref<1x128xi32, #tpu.memory_space<vmem>>
      %dma_wait3A_77 = tpu.memref_squeeze %dma_wait3A_76 : memref<1x128xi32, #tpu.memory_space<vmem>> -> memref<128xi32, #tpu.memory_space<vmem>>
      %dma_wait3A_78 = arith.constant 0 : i32
      %dma_wait3A_79 = arith.constant 0 : i32
      %dma_wait3A_80 = tpu.memref_slice %arg11[%dma_wait3A_78, %dma_wait3A_79] : memref<10240x128xbf16, #tpu.memory_space<vmem_shared>> -> memref<10240x128xbf16, #tpu.memory_space<vmem_shared>>
      tpu.wait_indirect_dma semaphore(%arg12 : memref<!tpu.dma_semaphore, #tpu.memory_space<semaphore_mem>>) src(%dma_wait3A_80 : memref<10240x128xbf16, #tpu.memory_space<vmem_shared>>) dst(%dma_wait3A_74 : memref<128x128xbf16, #tpu.memory_space<vmem>>)
      %dma_start3A_81 = arith.constant 0 : i32
      %dma_start3A_82 = arith.constant 0 : i32
      %dma_start3A_83 = arith.constant 0 : i32
      %dma_start3A_84 = arith.constant 0 : i32
      %dma_start3A_85 = tpu.memref_slice %arg9[%dma_start3A_81, %dma_start3A_83, %dma_start3A_84] : memref<5x128x128xbf16, #tpu.memory_space<vmem>> -> memref<1x128x128xbf16, #tpu.memory_space<vmem>>
      %dma_start3A_86 = tpu.memref_squeeze %dma_start3A_85 : memref<1x128x128xbf16, #tpu.memory_space<vmem>> -> memref<128x128xbf16, #tpu.memory_space<vmem>>
      %dma_start3A_87 = arith.constant 0 : i32
      %dma_start3A_88 = tpu.memref_slice %arg8[%dma_start3A_82, %dma_start3A_87] : memref<5x128xi32, #tpu.memory_space<vmem>> -> memref<1x128xi32, #tpu.memory_space<vmem>>
      %dma_start3A_89 = tpu.memref_squeeze %dma_start3A_88 : memref<1x128xi32, #tpu.memory_space<vmem>> -> memref<128xi32, #tpu.memory_space<vmem>>
      %dma_start3A_90 = arith.constant 0 : i32
      %dma_start3A_91 = arith.constant 0 : i32
      %dma_start3A_92 = tpu.memref_slice %arg10[%dma_start3A_90, %dma_start3A_91] : memref<10240x128xbf16, #tpu.memory_space<vmem_shared>> -> memref<10240x128xbf16, #tpu.memory_space<vmem_shared>>
      tpu.enqueue_indirect_dma source(%dma_start3A_86 : memref<128x128xbf16, #tpu.memory_space<vmem>>) target(%dma_start3A_92 : memref<10240x128xbf16, #tpu.memory_space<vmem_shared>>) offsets(%dma_start3A_89 : memref<128xi32, #tpu.memory_space<vmem>>) semaphore(%arg17 : memref<!tpu.dma_semaphore, #tpu.memory_space<semaphore_mem>>) {add = true}
      %dma_wait3A_93 = arith.constant 1 : i32
      %dma_wait3A_94 = arith.constant 1 : i32
      %dma_wait3A_95 = arith.constant 0 : i32
      %dma_wait3A_96 = arith.constant 0 : i32
      %dma_wait3A_97 = tpu.memref_slice %arg9[%dma_wait3A_94, %dma_wait3A_95, %dma_wait3A_96] : memref<5x128x128xbf16, #tpu.memory_space<vmem>> -> memref<1x128x128xbf16, #tpu.memory_space<vmem>>
      %dma_wait3A_98 = tpu.memref_squeeze %dma_wait3A_97 : memref<1x128x128xbf16, #tpu.memory_space<vmem>> -> memref<128x128xbf16, #tpu.memory_space<vmem>>
      %dma_wait3A_99 = arith.constant 0 : i32
      %dma_wait3A_100 = tpu.memref_slice %arg7[%dma_wait3A_93, %dma_wait3A_99] : memref<5x128xi32, #tpu.memory_space<vmem>> -> memref<1x128xi32, #tpu.memory_space<vmem>>
      %dma_wait3A_101 = tpu.memref_squeeze %dma_wait3A_100 : memref<1x128xi32, #tpu.memory_space<vmem>> -> memref<128xi32, #tpu.memory_space<vmem>>
      %dma_wait3A_102 = arith.constant 0 : i32
      %dma_wait3A_103 = arith.constant 0 : i32
      %dma_wait3A_104 = tpu.memref_slice %arg11[%dma_wait3A_102, %dma_wait3A_103] : memref<10240x128xbf16, #tpu.memory_space<vmem_shared>> -> memref<10240x128xbf16, #tpu.memory_space<vmem_shared>>
      tpu.wait_indirect_dma semaphore(%arg13 : memref<!tpu.dma_semaphore, #tpu.memory_space<semaphore_mem>>) src(%dma_wait3A_104 : memref<10240x128xbf16, #tpu.memory_space<vmem_shared>>) dst(%dma_wait3A_98 : memref<128x128xbf16, #tpu.memory_space<vmem>>)
      %dma_start3A_105 = arith.constant 1 : i32
      %dma_start3A_106 = arith.constant 1 : i32
      %dma_start3A_107 = arith.constant 0 : i32
      %dma_start3A_108 = arith.constant 0 : i32
      %dma_start3A_109 = tpu.memref_slice %arg9[%dma_start3A_105, %dma_start3A_107, %dma_start3A_108] : memref<5x128x128xbf16, #tpu.memory_space<vmem>> -> memref<1x128x128xbf16, #tpu.memory_space<vmem>>
      %dma_start3A_110 = tpu.memref_squeeze %dma_start3A_109 : memref<1x128x128xbf16, #tpu.memory_space<vmem>> -> memref<128x128xbf16, #tpu.memory_space<vmem>>
      %dma_start3A_111 = arith.constant 0 : i32
      %dma_start3A_112 = tpu.memref_slice %arg8[%dma_start3A_106, %dma_start3A_111] : memref<5x128xi32, #tpu.memory_space<vmem>> -> memref<1x128xi32, #tpu.memory_space<vmem>>
      %dma_start3A_113 = tpu.memref_squeeze %dma_start3A_112 : memref<1x128xi32, #tpu.memory_space<vmem>> -> memref<128xi32, #tpu.memory_space<vmem>>
      %dma_start3A_114 = arith.constant 0 : i32
      %dma_start3A_115 = arith.constant 0 : i32
      %dma_start3A_116 = tpu.memref_slice %arg10[%dma_start3A_114, %dma_start3A_115] : memref<10240x128xbf16, #tpu.memory_space<vmem_shared>> -> memref<10240x128xbf16, #tpu.memory_space<vmem_shared>>
      tpu.enqueue_indirect_dma source(%dma_start3A_110 : memref<128x128xbf16, #tpu.memory_space<vmem>>) target(%dma_start3A_116 : memref<10240x128xbf16, #tpu.memory_space<vmem_shared>>) offsets(%dma_start3A_113 : memref<128xi32, #tpu.memory_space<vmem>>) semaphore(%arg18 : memref<!tpu.dma_semaphore, #tpu.memory_space<semaphore_mem>>) {add = true}
      %dma_wait3A_117 = arith.constant 2 : i32
      %dma_wait3A_118 = arith.constant 2 : i32
      %dma_wait3A_119 = arith.constant 0 : i32
      %dma_wait3A_120 = arith.constant 0 : i32
      %dma_wait3A_121 = tpu.memref_slice %arg9[%dma_wait3A_118, %dma_wait3A_119, %dma_wait3A_120] : memref<5x128x128xbf16, #tpu.memory_space<vmem>> -> memref<1x128x128xbf16, #tpu.memory_space<vmem>>
      %dma_wait3A_122 = tpu.memref_squeeze %dma_wait3A_121 : memref<1x128x128xbf16, #tpu.memory_space<vmem>> -> memref<128x128xbf16, #tpu.memory_space<vmem>>
      %dma_wait3A_123 = arith.constant 0 : i32
      %dma_wait3A_124 = tpu.memref_slice %arg7[%dma_wait3A_117, %dma_wait3A_123] : memref<5x128xi32, #tpu.memory_space<vmem>> -> memref<1x128xi32, #tpu.memory_space<vmem>>
      %dma_wait3A_125 = tpu.memref_squeeze %dma_wait3A_124 : memref<1x128xi32, #tpu.memory_space<vmem>> -> memref<128xi32, #tpu.memory_space<vmem>>
      %dma_wait3A_126 = arith.constant 0 : i32
      %dma_wait3A_127 = arith.constant 0 : i32
      %dma_wait3A_128 = tpu.memref_slice %arg11[%dma_wait3A_126, %dma_wait3A_127] : memref<10240x128xbf16, #tpu.memory_space<vmem_shared>> -> memref<10240x128xbf16, #tpu.memory_space<vmem_shared>>
      tpu.wait_indirect_dma semaphore(%arg14 : memref<!tpu.dma_semaphore, #tpu.memory_space<semaphore_mem>>) src(%dma_wait3A_128 : memref<10240x128xbf16, #tpu.memory_space<vmem_shared>>) dst(%dma_wait3A_122 : memref<128x128xbf16, #tpu.memory_space<vmem>>)
      %dma_start3A_129 = arith.constant 2 : i32
      %dma_start3A_130 = arith.constant 2 : i32
      %dma_start3A_131 = arith.constant 0 : i32
      %dma_start3A_132 = arith.constant 0 : i32
      %dma_start3A_133 = tpu.memref_slice %arg9[%dma_start3A_129, %dma_start3A_131, %dma_start3A_132] : memref<5x128x128xbf16, #tpu.memory_space<vmem>> -> memref<1x128x128xbf16, #tpu.memory_space<vmem>>
      %dma_start3A_134 = tpu.memref_squeeze %dma_start3A_133 : memref<1x128x128xbf16, #tpu.memory_space<vmem>> -> memref<128x128xbf16, #tpu.memory_space<vmem>>
      %dma_start3A_135 = arith.constant 0 : i32
      %dma_start3A_136 = tpu.memref_slice %arg8[%dma_start3A_130, %dma_start3A_135] : memref<5x128xi32, #tpu.memory_space<vmem>> -> memref<1x128xi32, #tpu.memory_space<vmem>>
      %dma_start3A_137 = tpu.memref_squeeze %dma_start3A_136 : memref<1x128xi32, #tpu.memory_space<vmem>> -> memref<128xi32, #tpu.memory_space<vmem>>
      %dma_start3A_138 = arith.constant 0 : i32
      %dma_start3A_139 = arith.constant 0 : i32
      %dma_start3A_140 = tpu.memref_slice %arg10[%dma_start3A_138, %dma_start3A_139] : memref<10240x128xbf16, #tpu.memory_space<vmem_shared>> -> memref<10240x128xbf16, #tpu.memory_space<vmem_shared>>
      tpu.enqueue_indirect_dma source(%dma_start3A_134 : memref<128x128xbf16, #tpu.memory_space<vmem>>) target(%dma_start3A_140 : memref<10240x128xbf16, #tpu.memory_space<vmem_shared>>) offsets(%dma_start3A_137 : memref<128xi32, #tpu.memory_space<vmem>>) semaphore(%arg19 : memref<!tpu.dma_semaphore, #tpu.memory_space<semaphore_mem>>) {add = true}
      %dma_wait3A_141 = arith.constant 3 : i32
      %dma_wait3A_142 = arith.constant 3 : i32
      %dma_wait3A_143 = arith.constant 0 : i32
      %dma_wait3A_144 = arith.constant 0 : i32
      %dma_wait3A_145 = tpu.memref_slice %arg9[%dma_wait3A_142, %dma_wait3A_143, %dma_wait3A_144] : memref<5x128x128xbf16, #tpu.memory_space<vmem>> -> memref<1x128x128xbf16, #tpu.memory_space<vmem>>
      %dma_wait3A_146 = tpu.memref_squeeze %dma_wait3A_145 : memref<1x128x128xbf16, #tpu.memory_space<vmem>> -> memref<128x128xbf16, #tpu.memory_space<vmem>>
      %dma_wait3A_147 = arith.constant 0 : i32
      %dma_wait3A_148 = tpu.memref_slice %arg7[%dma_wait3A_141, %dma_wait3A_147] : memref<5x128xi32, #tpu.memory_space<vmem>> -> memref<1x128xi32, #tpu.memory_space<vmem>>
      %dma_wait3A_149 = tpu.memref_squeeze %dma_wait3A_148 : memref<1x128xi32, #tpu.memory_space<vmem>> -> memref<128xi32, #tpu.memory_space<vmem>>
      %dma_wait3A_150 = arith.constant 0 : i32
      %dma_wait3A_151 = arith.constant 0 : i32
      %dma_wait3A_152 = tpu.memref_slice %arg11[%dma_wait3A_150, %dma_wait3A_151] : memref<10240x128xbf16, #tpu.memory_space<vmem_shared>> -> memref<10240x128xbf16, #tpu.memory_space<vmem_shared>>
      tpu.wait_indirect_dma semaphore(%arg15 : memref<!tpu.dma_semaphore, #tpu.memory_space<semaphore_mem>>) src(%dma_wait3A_152 : memref<10240x128xbf16, #tpu.memory_space<vmem_shared>>) dst(%dma_wait3A_146 : memref<128x128xbf16, #tpu.memory_space<vmem>>)
      %dma_start3A_153 = arith.constant 3 : i32
      %dma_start3A_154 = arith.constant 3 : i32
      %dma_start3A_155 = arith.constant 0 : i32
      %dma_start3A_156 = arith.constant 0 : i32
      %dma_start3A_157 = tpu.memref_slice %arg9[%dma_start3A_153, %dma_start3A_155, %dma_start3A_156] : memref<5x128x128xbf16, #tpu.memory_space<vmem>> -> memref<1x128x128xbf16, #tpu.memory_space<vmem>>
      %dma_start3A_158 = tpu.memref_squeeze %dma_start3A_157 : memref<1x128x128xbf16, #tpu.memory_space<vmem>> -> memref<128x128xbf16, #tpu.memory_space<vmem>>
      %dma_start3A_159 = arith.constant 0 : i32
      %dma_start3A_160 = tpu.memref_slice %arg8[%dma_start3A_154, %dma_start3A_159] : memref<5x128xi32, #tpu.memory_space<vmem>> -> memref<1x128xi32, #tpu.memory_space<vmem>>
      %dma_start3A_161 = tpu.memref_squeeze %dma_start3A_160 : memref<1x128xi32, #tpu.memory_space<vmem>> -> memref<128xi32, #tpu.memory_space<vmem>>
      %dma_start3A_162 = arith.constant 0 : i32
      %dma_start3A_163 = arith.constant 0 : i32
      %dma_start3A_164 = tpu.memref_slice %arg10[%dma_start3A_162, %dma_start3A_163] : memref<10240x128xbf16, #tpu.memory_space<vmem_shared>> -> memref<10240x128xbf16, #tpu.memory_space<vmem_shared>>
      tpu.enqueue_indirect_dma source(%dma_start3A_158 : memref<128x128xbf16, #tpu.memory_space<vmem>>) target(%dma_start3A_164 : memref<10240x128xbf16, #tpu.memory_space<vmem_shared>>) offsets(%dma_start3A_161 : memref<128xi32, #tpu.memory_space<vmem>>) semaphore(%arg20 : memref<!tpu.dma_semaphore, #tpu.memory_space<semaphore_mem>>) {add = true}
      %dma_wait3A_165 = arith.constant 4 : i32
      %dma_wait3A_166 = arith.constant 4 : i32
      %dma_wait3A_167 = arith.constant 0 : i32
      %dma_wait3A_168 = arith.constant 0 : i32
      %dma_wait3A_169 = tpu.memref_slice %arg9[%dma_wait3A_166, %dma_wait3A_167, %dma_wait3A_168] : memref<5x128x128xbf16, #tpu.memory_space<vmem>> -> memref<1x128x128xbf16, #tpu.memory_space<vmem>>
      %dma_wait3A_170 = tpu.memref_squeeze %dma_wait3A_169 : memref<1x128x128xbf16, #tpu.memory_space<vmem>> -> memref<128x128xbf16, #tpu.memory_space<vmem>>
      %dma_wait3A_171 = arith.constant 0 : i32
      %dma_wait3A_172 = tpu.memref_slice %arg7[%dma_wait3A_165, %dma_wait3A_171] : memref<5x128xi32, #tpu.memory_space<vmem>> -> memref<1x128xi32, #tpu.memory_space<vmem>>
      %dma_wait3A_173 = tpu.memref_squeeze %dma_wait3A_172 : memref<1x128xi32, #tpu.memory_space<vmem>> -> memref<128xi32, #tpu.memory_space<vmem>>
      %dma_wait3A_174 = arith.constant 0 : i32
      %dma_wait3A_175 = arith.constant 0 : i32
      %dma_wait3A_176 = tpu.memref_slice %arg11[%dma_wait3A_174, %dma_wait3A_175] : memref<10240x128xbf16, #tpu.memory_space<vmem_shared>> -> memref<10240x128xbf16, #tpu.memory_space<vmem_shared>>
      tpu.wait_indirect_dma semaphore(%arg16 : memref<!tpu.dma_semaphore, #tpu.memory_space<semaphore_mem>>) src(%dma_wait3A_176 : memref<10240x128xbf16, #tpu.memory_space<vmem_shared>>) dst(%dma_wait3A_170 : memref<128x128xbf16, #tpu.memory_space<vmem>>)
      %dma_start3A_177 = arith.constant 4 : i32
      %dma_start3A_178 = arith.constant 4 : i32
      %dma_start3A_179 = arith.constant 0 : i32
      %dma_start3A_180 = arith.constant 0 : i32
      %dma_start3A_181 = tpu.memref_slice %arg9[%dma_start3A_177, %dma_start3A_179, %dma_start3A_180] : memref<5x128x128xbf16, #tpu.memory_space<vmem>> -> memref<1x128x128xbf16, #tpu.memory_space<vmem>>
      %dma_start3A_182 = tpu.memref_squeeze %dma_start3A_181 : memref<1x128x128xbf16, #tpu.memory_space<vmem>> -> memref<128x128xbf16, #tpu.memory_space<vmem>>
      %dma_start3A_183 = arith.constant 0 : i32
      %dma_start3A_184 = tpu.memref_slice %arg8[%dma_start3A_178, %dma_start3A_183] : memref<5x128xi32, #tpu.memory_space<vmem>> -> memref<1x128xi32, #tpu.memory_space<vmem>>
      %dma_start3A_185 = tpu.memref_squeeze %dma_start3A_184 : memref<1x128xi32, #tpu.memory_space<vmem>> -> memref<128xi32, #tpu.memory_space<vmem>>
      %dma_start3A_186 = arith.constant 0 : i32
      %dma_start3A_187 = arith.constant 0 : i32
      %dma_start3A_188 = tpu.memref_slice %arg10[%dma_start3A_186, %dma_start3A_187] : memref<10240x128xbf16, #tpu.memory_space<vmem_shared>> -> memref<10240x128xbf16, #tpu.memory_space<vmem_shared>>
      tpu.enqueue_indirect_dma source(%dma_start3A_182 : memref<128x128xbf16, #tpu.memory_space<vmem>>) target(%dma_start3A_188 : memref<10240x128xbf16, #tpu.memory_space<vmem_shared>>) offsets(%dma_start3A_185 : memref<128xi32, #tpu.memory_space<vmem>>) semaphore(%arg21 : memref<!tpu.dma_semaphore, #tpu.memory_space<semaphore_mem>>) {add = true}
      %dma_wait3A_189 = arith.constant 0 : i32
      %dma_wait3A_190 = arith.constant 0 : i32
      %dma_wait3A_191 = arith.constant 0 : i32
      %dma_wait3A_192 = arith.constant 0 : i32
      %dma_wait3A_193 = tpu.memref_slice %arg9[%dma_wait3A_189, %dma_wait3A_191, %dma_wait3A_192] : memref<5x128x128xbf16, #tpu.memory_space<vmem>> -> memref<1x128x128xbf16, #tpu.memory_space<vmem>>
      %dma_wait3A_194 = tpu.memref_squeeze %dma_wait3A_193 : memref<1x128x128xbf16, #tpu.memory_space<vmem>> -> memref<128x128xbf16, #tpu.memory_space<vmem>>
      %dma_wait3A_195 = arith.constant 0 : i32
      %dma_wait3A_196 = tpu.memref_slice %arg8[%dma_wait3A_190, %dma_wait3A_195] : memref<5x128xi32, #tpu.memory_space<vmem>> -> memref<1x128xi32, #tpu.memory_space<vmem>>
      %dma_wait3A_197 = tpu.memref_squeeze %dma_wait3A_196 : memref<1x128xi32, #tpu.memory_space<vmem>> -> memref<128xi32, #tpu.memory_space<vmem>>
      %dma_wait3A_198 = arith.constant 0 : i32
      %dma_wait3A_199 = arith.constant 0 : i32
      %dma_wait3A_200 = tpu.memref_slice %arg10[%dma_wait3A_198, %dma_wait3A_199] : memref<10240x128xbf16, #tpu.memory_space<vmem_shared>> -> memref<10240x128xbf16, #tpu.memory_space<vmem_shared>>
      tpu.wait_indirect_dma semaphore(%arg17 : memref<!tpu.dma_semaphore, #tpu.memory_space<semaphore_mem>>) src(%dma_wait3A_194 : memref<128x128xbf16, #tpu.memory_space<vmem>>) dst(%dma_wait3A_200 : memref<10240x128xbf16, #tpu.memory_space<vmem_shared>>)
      %dma_wait3A_201 = arith.constant 1 : i32
      %dma_wait3A_202 = arith.constant 1 : i32
      %dma_wait3A_203 = arith.constant 0 : i32
      %dma_wait3A_204 = arith.constant 0 : i32
      %dma_wait3A_205 = tpu.memref_slice %arg9[%dma_wait3A_201, %dma_wait3A_203, %dma_wait3A_204] : memref<5x128x128xbf16, #tpu.memory_space<vmem>> -> memref<1x128x128xbf16, #tpu.memory_space<vmem>>
      %dma_wait3A_206 = tpu.memref_squeeze %dma_wait3A_205 : memref<1x128x128xbf16, #tpu.memory_space<vmem>> -> memref<128x128xbf16, #tpu.memory_space<vmem>>
      %dma_wait3A_207 = arith.constant 0 : i32
      %dma_wait3A_208 = tpu.memref_slice %arg8[%dma_wait3A_202, %dma_wait3A_207] : memref<5x128xi32, #tpu.memory_space<vmem>> -> memref<1x128xi32, #tpu.memory_space<vmem>>
      %dma_wait3A_209 = tpu.memref_squeeze %dma_wait3A_208 : memref<1x128xi32, #tpu.memory_space<vmem>> -> memref<128xi32, #tpu.memory_space<vmem>>
      %dma_wait3A_210 = arith.constant 0 : i32
      %dma_wait3A_211 = arith.constant 0 : i32
      %dma_wait3A_212 = tpu.memref_slice %arg10[%dma_wait3A_210, %dma_wait3A_211] : memref<10240x128xbf16, #tpu.memory_space<vmem_shared>> -> memref<10240x128xbf16, #tpu.memory_space<vmem_shared>>
      tpu.wait_indirect_dma semaphore(%arg18 : memref<!tpu.dma_semaphore, #tpu.memory_space<semaphore_mem>>) src(%dma_wait3A_206 : memref<128x128xbf16, #tpu.memory_space<vmem>>) dst(%dma_wait3A_212 : memref<10240x128xbf16, #tpu.memory_space<vmem_shared>>)
      %dma_wait3A_213 = arith.constant 2 : i32
      %dma_wait3A_214 = arith.constant 2 : i32
      %dma_wait3A_215 = arith.constant 0 : i32
      %dma_wait3A_216 = arith.constant 0 : i32
      %dma_wait3A_217 = tpu.memref_slice %arg9[%dma_wait3A_213, %dma_wait3A_215, %dma_wait3A_216] : memref<5x128x128xbf16, #tpu.memory_space<vmem>> -> memref<1x128x128xbf16, #tpu.memory_space<vmem>>
      %dma_wait3A_218 = tpu.memref_squeeze %dma_wait3A_217 : memref<1x128x128xbf16, #tpu.memory_space<vmem>> -> memref<128x128xbf16, #tpu.memory_space<vmem>>
      %dma_wait3A_219 = arith.constant 0 : i32
      %dma_wait3A_220 = tpu.memref_slice %arg8[%dma_wait3A_214, %dma_wait3A_219] : memref<5x128xi32, #tpu.memory_space<vmem>> -> memref<1x128xi32, #tpu.memory_space<vmem>>
      %dma_wait3A_221 = tpu.memref_squeeze %dma_wait3A_220 : memref<1x128xi32, #tpu.memory_space<vmem>> -> memref<128xi32, #tpu.memory_space<vmem>>
      %dma_wait3A_222 = arith.constant 0 : i32
      %dma_wait3A_223 = arith.constant 0 : i32
      %dma_wait3A_224 = tpu.memref_slice %arg10[%dma_wait3A_222, %dma_wait3A_223] : memref<10240x128xbf16, #tpu.memory_space<vmem_shared>> -> memref<10240x128xbf16, #tpu.memory_space<vmem_shared>>
      tpu.wait_indirect_dma semaphore(%arg19 : memref<!tpu.dma_semaphore, #tpu.memory_space<semaphore_mem>>) src(%dma_wait3A_218 : memref<128x128xbf16, #tpu.memory_space<vmem>>) dst(%dma_wait3A_224 : memref<10240x128xbf16, #tpu.memory_space<vmem_shared>>)
      %dma_wait3A_225 = arith.constant 3 : i32
      %dma_wait3A_226 = arith.constant 3 : i32
      %dma_wait3A_227 = arith.constant 0 : i32
      %dma_wait3A_228 = arith.constant 0 : i32
      %dma_wait3A_229 = tpu.memref_slice %arg9[%dma_wait3A_225, %dma_wait3A_227, %dma_wait3A_228] : memref<5x128x128xbf16, #tpu.memory_space<vmem>> -> memref<1x128x128xbf16, #tpu.memory_space<vmem>>
      %dma_wait3A_230 = tpu.memref_squeeze %dma_wait3A_229 : memref<1x128x128xbf16, #tpu.memory_space<vmem>> -> memref<128x128xbf16, #tpu.memory_space<vmem>>
      %dma_wait3A_231 = arith.constant 0 : i32
      %dma_wait3A_232 = tpu.memref_slice %arg8[%dma_wait3A_226, %dma_wait3A_231] : memref<5x128xi32, #tpu.memory_space<vmem>> -> memref<1x128xi32, #tpu.memory_space<vmem>>
      %dma_wait3A_233 = tpu.memref_squeeze %dma_wait3A_232 : memref<1x128xi32, #tpu.memory_space<vmem>> -> memref<128xi32, #tpu.memory_space<vmem>>
      %dma_wait3A_234 = arith.constant 0 : i32
      %dma_wait3A_235 = arith.constant 0 : i32
      %dma_wait3A_236 = tpu.memref_slice %arg10[%dma_wait3A_234, %dma_wait3A_235] : memref<10240x128xbf16, #tpu.memory_space<vmem_shared>> -> memref<10240x128xbf16, #tpu.memory_space<vmem_shared>>
      tpu.wait_indirect_dma semaphore(%arg20 : memref<!tpu.dma_semaphore, #tpu.memory_space<semaphore_mem>>) src(%dma_wait3A_230 : memref<128x128xbf16, #tpu.memory_space<vmem>>) dst(%dma_wait3A_236 : memref<10240x128xbf16, #tpu.memory_space<vmem_shared>>)
      %dma_wait3A_237 = arith.constant 4 : i32
      %dma_wait3A_238 = arith.constant 4 : i32
      %dma_wait3A_239 = arith.constant 0 : i32
      %dma_wait3A_240 = arith.constant 0 : i32
      %dma_wait3A_241 = tpu.memref_slice %arg9[%dma_wait3A_237, %dma_wait3A_239, %dma_wait3A_240] : memref<5x128x128xbf16, #tpu.memory_space<vmem>> -> memref<1x128x128xbf16, #tpu.memory_space<vmem>>
      %dma_wait3A_242 = tpu.memref_squeeze %dma_wait3A_241 : memref<1x128x128xbf16, #tpu.memory_space<vmem>> -> memref<128x128xbf16, #tpu.memory_space<vmem>>
      %dma_wait3A_243 = arith.constant 0 : i32
      %dma_wait3A_244 = tpu.memref_slice %arg8[%dma_wait3A_238, %dma_wait3A_243] : memref<5x128xi32, #tpu.memory_space<vmem>> -> memref<1x128xi32, #tpu.memory_space<vmem>>
      %dma_wait3A_245 = tpu.memref_squeeze %dma_wait3A_244 : memref<1x128xi32, #tpu.memory_space<vmem>> -> memref<128xi32, #tpu.memory_space<vmem>>
      %dma_wait3A_246 = arith.constant 0 : i32
      %dma_wait3A_247 = arith.constant 0 : i32
      %dma_wait3A_248 = tpu.memref_slice %arg10[%dma_wait3A_246, %dma_wait3A_247] : memref<10240x128xbf16, #tpu.memory_space<vmem_shared>> -> memref<10240x128xbf16, #tpu.memory_space<vmem_shared>>
      tpu.wait_indirect_dma semaphore(%arg21 : memref<!tpu.dma_semaphore, #tpu.memory_space<semaphore_mem>>) src(%dma_wait3A_242 : memref<128x128xbf16, #tpu.memory_space<vmem>>) dst(%dma_wait3A_248 : memref<10240x128xbf16, #tpu.memory_space<vmem_shared>>)
    }
    %scan3A_6 = arith.constant 16 : i32
    %barrier3A_7 = arith.constant 0 : index
    tpu.barrier barrier_id(%barrier3A_7)
    "tpu.region"() ({
      %run_scoped3A = tpu.sem_alloc : memref<!tpu.dma_semaphore, #tpu.memory_space<semaphore_mem>>
      %dma_start3A = arith.constant 0 : i32
      %dma_start3A_8 = arith.constant 0 : i32
      %dma_start3A_9 = tpu.memref_slice %arg6[%arg0, %dma_start3A, %dma_start3A_8] : memref<2x10240x128xbf16, #tpu.memory_space<hbm>> -> memref<1x10240x128xbf16, #tpu.memory_space<hbm>>
      %dma_start3A_10 = tpu.memref_squeeze %dma_start3A_9 : memref<1x10240x128xbf16, #tpu.memory_space<hbm>> -> memref<10240x128xbf16, #tpu.memory_space<hbm>>
      %dma_start3A_11 = arith.constant 0 : i32
      %dma_start3A_12 = tpu.memref_slice %dma_start3A_10[%mul3A_2, %dma_start3A_11] : memref<10240x128xbf16, #tpu.memory_space<hbm>> -> memref<640x128xbf16, #tpu.memory_space<hbm>>
      %dma_start3A_13 = arith.constant 0 : i32
      %dma_start3A_14 = tpu.memref_slice %arg10[%mul3A_2, %dma_start3A_13] : memref<10240x128xbf16, #tpu.memory_space<vmem_shared>> -> memref<640x128xbf16, #tpu.memory_space<vmem_shared>>
      tpu.enqueue_dma source(%dma_start3A_14 : memref<640x128xbf16, #tpu.memory_space<vmem_shared>>) target(%dma_start3A_12 : memref<640x128xbf16, #tpu.memory_space<hbm>>) target_semaphore(%run_scoped3A : memref<!tpu.dma_semaphore, #tpu.memory_space<semaphore_mem>>)
      %dma_wait3A = arith.constant 0 : i32
      %dma_wait3A_15 = arith.constant 0 : i32
      %dma_wait3A_16 = tpu.memref_slice %arg6[%arg0, %dma_wait3A, %dma_wait3A_15] : memref<2x10240x128xbf16, #tpu.memory_space<hbm>> -> memref<1x10240x128xbf16, #tpu.memory_space<hbm>>
      %dma_wait3A_17 = tpu.memref_squeeze %dma_wait3A_16 : memref<1x10240x128xbf16, #tpu.memory_space<hbm>> -> memref<10240x128xbf16, #tpu.memory_space<hbm>>
      %dma_wait3A_18 = arith.constant 0 : i32
      %dma_wait3A_19 = tpu.memref_slice %dma_wait3A_17[%mul3A_2, %dma_wait3A_18] : memref<10240x128xbf16, #tpu.memory_space<hbm>> -> memref<640x128xbf16, #tpu.memory_space<hbm>>
      %dma_wait3A_20 = arith.constant 0 : i32
      %dma_wait3A_21 = tpu.memref_slice %arg10[%mul3A_2, %dma_wait3A_20] : memref<10240x128xbf16, #tpu.memory_space<vmem_shared>> -> memref<640x128xbf16, #tpu.memory_space<vmem_shared>>
      tpu.wait_dma2 semaphore(%run_scoped3A : memref<!tpu.dma_semaphore, #tpu.memory_space<semaphore_mem>>) src(%dma_wait3A_21 : memref<640x128xbf16, #tpu.memory_space<vmem_shared>>) dst(%dma_wait3A_19 : memref<640x128xbf16, #tpu.memory_space<hbm>>)
      tpu.yield
    }) : () -> ()
    return
  }
}

#map = affine_map<(d0, d1) -> (0, 0)>
#map1 = affine_map<(d0, d1) -> (0, 0, 0)>
module attributes {stable_mosaic.version = 14 : i64} {
  func.func @_agg(%arg0: i32, %arg1: i32, %arg2: memref<10240x48xbf16, #tpu.memory_space<hbm>>, %arg3: memref<32x80x128xi32, #tpu.memory_space<hbm>>, %arg4: memref<32x80x128xi32, #tpu.memory_space<hbm>>, %arg5: memref<640x48xbf16, #tpu.memory_space<hbm>>, %arg6: memref<2x10240x48xbf16, #tpu.memory_space<hbm>>, %arg7: memref<5x128xi32, #tpu.memory_space<vmem>>, %arg8: memref<5x128xi32, #tpu.memory_space<vmem>>, %arg9: memref<5x128x48xbf16, #tpu.memory_space<vmem>>, %arg10: memref<10240x48xbf16, #tpu.memory_space<vmem_shared>>, %arg11: memref<10240x48xbf16, #tpu.memory_space<vmem_shared>>, %arg12: memref<!tpu.dma_semaphore, #tpu.memory_space<semaphore_mem>>, %arg13: memref<!tpu.dma_semaphore, #tpu.memory_space<semaphore_mem>>, %arg14: memref<!tpu.dma_semaphore, #tpu.memory_space<semaphore_mem>>, %arg15: memref<!tpu.dma_semaphore, #tpu.memory_space<semaphore_mem>>, %arg16: memref<!tpu.dma_semaphore, #tpu.memory_space<semaphore_mem>>, %arg17: memref<!tpu.dma_semaphore, #tpu.memory_space<semaphore_mem>>, %arg18: memref<!tpu.dma_semaphore, #tpu.memory_space<semaphore_mem>>, %arg19: memref<!tpu.dma_semaphore, #tpu.memory_space<semaphore_mem>>, %arg20: memref<!tpu.dma_semaphore, #tpu.memory_space<semaphore_mem>>, %arg21: memref<!tpu.dma_semaphore, #tpu.memory_space<semaphore_mem>>) attributes {dimension_semantics = [#tpu.dimension_semantics<core_parallel>, #tpu.dimension_semantics<subcore_parallel>], iteration_bounds = array<i64: 2, 16>, scalar_prefetch = 0 : i64, scratch_operands = 15 : i64, tpu.core_type = #tpu.core_type<sc_vector_subcore>, window_params = [{transform_indices = #map}, {transform_indices = #map1}, {transform_indices = #map1}, {transform_indices = #map}, {transform_indices = #map1}]} {
    %mul3A = arith.constant 16 : i32
    %mul3A_0 = arith.muli %arg0, %mul3A : i32
    %add3A = arith.addi %mul3A_0, %arg1 : i32
    %mul3A_1 = arith.constant 640 : i32
    %mul3A_2 = arith.muli %arg1, %mul3A_1 : i32
    "tpu.region"() ({
      %run_scoped3A = tpu.sem_alloc : memref<!tpu.dma_semaphore, #tpu.memory_space<semaphore_mem>>
      %dma_start3A = arith.constant 0 : i32
      %dma_start3A_8 = tpu.memref_slice %arg10[%mul3A_2, %dma_start3A] : memref<10240x48xbf16, #tpu.memory_space<vmem_shared>> -> memref<640x48xbf16, #tpu.memory_space<vmem_shared>>
      tpu.enqueue_dma source(%arg5 : memref<640x48xbf16, #tpu.memory_space<hbm>>) target(%dma_start3A_8 : memref<640x48xbf16, #tpu.memory_space<vmem_shared>>) target_semaphore(%run_scoped3A : memref<!tpu.dma_semaphore, #tpu.memory_space<semaphore_mem>>)
      %dma_wait3A = arith.constant 0 : i32
      %dma_wait3A_9 = tpu.memref_slice %arg10[%mul3A_2, %dma_wait3A] : memref<10240x48xbf16, #tpu.memory_space<vmem_shared>> -> memref<640x48xbf16, #tpu.memory_space<vmem_shared>>
      tpu.wait_dma2 semaphore(%run_scoped3A : memref<!tpu.dma_semaphore, #tpu.memory_space<semaphore_mem>>) src(%arg5 : memref<640x48xbf16, #tpu.memory_space<hbm>>) dst(%dma_wait3A_9 : memref<640x48xbf16, #tpu.memory_space<vmem_shared>>)
      tpu.yield
    }) : () -> ()
    "tpu.region"() ({
      %run_scoped3A = tpu.sem_alloc : memref<!tpu.dma_semaphore, #tpu.memory_space<semaphore_mem>>
      %dma_start3A = arith.constant 0 : i32
      %dma_start3A_8 = tpu.memref_slice %arg11[%mul3A_2, %dma_start3A] : memref<10240x48xbf16, #tpu.memory_space<vmem_shared>> -> memref<640x48xbf16, #tpu.memory_space<vmem_shared>>
      %dma_start3A_9 = arith.constant 0 : i32
      %dma_start3A_10 = tpu.memref_slice %arg2[%mul3A_2, %dma_start3A_9] : memref<10240x48xbf16, #tpu.memory_space<hbm>> -> memref<640x48xbf16, #tpu.memory_space<hbm>>
      tpu.enqueue_dma source(%dma_start3A_10 : memref<640x48xbf16, #tpu.memory_space<hbm>>) target(%dma_start3A_8 : memref<640x48xbf16, #tpu.memory_space<vmem_shared>>) target_semaphore(%run_scoped3A : memref<!tpu.dma_semaphore, #tpu.memory_space<semaphore_mem>>)
      %dma_wait3A = arith.constant 0 : i32
      %dma_wait3A_11 = tpu.memref_slice %arg11[%mul3A_2, %dma_wait3A] : memref<10240x48xbf16, #tpu.memory_space<vmem_shared>> -> memref<640x48xbf16, #tpu.memory_space<vmem_shared>>
      %dma_wait3A_12 = arith.constant 0 : i32
      %dma_wait3A_13 = tpu.memref_slice %arg2[%mul3A_2, %dma_wait3A_12] : memref<10240x48xbf16, #tpu.memory_space<hbm>> -> memref<640x48xbf16, #tpu.memory_space<hbm>>
      tpu.wait_dma2 semaphore(%run_scoped3A : memref<!tpu.dma_semaphore, #tpu.memory_space<semaphore_mem>>) src(%dma_wait3A_13 : memref<640x48xbf16, #tpu.memory_space<hbm>>) dst(%dma_wait3A_11 : memref<640x48xbf16, #tpu.memory_space<vmem_shared>>)
      tpu.yield
    }) : () -> ()
    %barrier3A = arith.constant 0 : index
    tpu.barrier barrier_id(%barrier3A)
    %scan3A = arith.constant 0 : i32
    %scan3A_3 = arith.constant 16 : i32
    %scan3A_4 = arith.addi %scan3A, %scan3A_3 : i32
    %scan3A_5 = arith.constant 1 : i32
    scf.for %scan3A_8 = %scan3A to %scan3A_4 step %scan3A_5  : i32 {
      %mul3A_9 = arith.constant 5 : i32
      %mul3A_10 = arith.muli %scan3A_8, %mul3A_9 : i32
      "tpu.region"() ({
        %run_scoped3A = tpu.sem_alloc : memref<!tpu.dma_semaphore, #tpu.memory_space<semaphore_mem>>
        %dma_start3A_249 = arith.constant 0 : i32
        %dma_start3A_250 = tpu.memref_slice %arg3[%add3A, %mul3A_10, %dma_start3A_249] : memref<32x80x128xi32, #tpu.memory_space<hbm>> -> memref<1x5x128xi32, #tpu.memory_space<hbm>>
        %dma_start3A_251 = tpu.memref_squeeze %dma_start3A_250 : memref<1x5x128xi32, #tpu.memory_space<hbm>> -> memref<5x128xi32, #tpu.memory_space<hbm>>
        %dma_start3A_252 = arith.constant 0 : i32
        %dma_start3A_253 = tpu.memref_slice %arg3[%add3A, %mul3A_10, %dma_start3A_252] : memref<32x80x128xi32, #tpu.memory_space<hbm>> -> memref<1x5x128xi32, #tpu.memory_space<hbm>>
        %dma_start3A_254 = tpu.memref_squeeze %dma_start3A_253 : memref<1x5x128xi32, #tpu.memory_space<hbm>> -> memref<5x128xi32, #tpu.memory_space<hbm>>
        tpu.enqueue_dma source(%dma_start3A_254 : memref<5x128xi32, #tpu.memory_space<hbm>>) target(%arg7 : memref<5x128xi32, #tpu.memory_space<vmem>>) target_semaphore(%run_scoped3A : memref<!tpu.dma_semaphore, #tpu.memory_space<semaphore_mem>>)
        %dma_wait3A_255 = arith.constant 0 : i32
        %dma_wait3A_256 = tpu.memref_slice %arg3[%add3A, %mul3A_10, %dma_wait3A_255] : memref<32x80x128xi32, #tpu.memory_space<hbm>> -> memref<1x5x128xi32, #tpu.memory_space<hbm>>
        %dma_wait3A_257 = tpu.memref_squeeze %dma_wait3A_256 : memref<1x5x128xi32, #tpu.memory_space<hbm>> -> memref<5x128xi32, #tpu.memory_space<hbm>>
        %dma_wait3A_258 = arith.constant 0 : i32
        %dma_wait3A_259 = tpu.memref_slice %arg3[%add3A, %mul3A_10, %dma_wait3A_258] : memref<32x80x128xi32, #tpu.memory_space<hbm>> -> memref<1x5x128xi32, #tpu.memory_space<hbm>>
        %dma_wait3A_260 = tpu.memref_squeeze %dma_wait3A_259 : memref<1x5x128xi32, #tpu.memory_space<hbm>> -> memref<5x128xi32, #tpu.memory_space<hbm>>
        tpu.wait_dma2 semaphore(%run_scoped3A : memref<!tpu.dma_semaphore, #tpu.memory_space<semaphore_mem>>) src(%dma_wait3A_260 : memref<5x128xi32, #tpu.memory_space<hbm>>) dst(%arg7 : memref<5x128xi32, #tpu.memory_space<vmem>>)
        tpu.yield
      }) : () -> ()
      "tpu.region"() ({
        %run_scoped3A = tpu.sem_alloc : memref<!tpu.dma_semaphore, #tpu.memory_space<semaphore_mem>>
        %dma_start3A_249 = arith.constant 0 : i32
        %dma_start3A_250 = tpu.memref_slice %arg4[%add3A, %mul3A_10, %dma_start3A_249] : memref<32x80x128xi32, #tpu.memory_space<hbm>> -> memref<1x5x128xi32, #tpu.memory_space<hbm>>
        %dma_start3A_251 = tpu.memref_squeeze %dma_start3A_250 : memref<1x5x128xi32, #tpu.memory_space<hbm>> -> memref<5x128xi32, #tpu.memory_space<hbm>>
        %dma_start3A_252 = arith.constant 0 : i32
        %dma_start3A_253 = tpu.memref_slice %arg4[%add3A, %mul3A_10, %dma_start3A_252] : memref<32x80x128xi32, #tpu.memory_space<hbm>> -> memref<1x5x128xi32, #tpu.memory_space<hbm>>
        %dma_start3A_254 = tpu.memref_squeeze %dma_start3A_253 : memref<1x5x128xi32, #tpu.memory_space<hbm>> -> memref<5x128xi32, #tpu.memory_space<hbm>>
        tpu.enqueue_dma source(%dma_start3A_254 : memref<5x128xi32, #tpu.memory_space<hbm>>) target(%arg8 : memref<5x128xi32, #tpu.memory_space<vmem>>) target_semaphore(%run_scoped3A : memref<!tpu.dma_semaphore, #tpu.memory_space<semaphore_mem>>)
        %dma_wait3A_255 = arith.constant 0 : i32
        %dma_wait3A_256 = tpu.memref_slice %arg4[%add3A, %mul3A_10, %dma_wait3A_255] : memref<32x80x128xi32, #tpu.memory_space<hbm>> -> memref<1x5x128xi32, #tpu.memory_space<hbm>>
        %dma_wait3A_257 = tpu.memref_squeeze %dma_wait3A_256 : memref<1x5x128xi32, #tpu.memory_space<hbm>> -> memref<5x128xi32, #tpu.memory_space<hbm>>
        %dma_wait3A_258 = arith.constant 0 : i32
        %dma_wait3A_259 = tpu.memref_slice %arg4[%add3A, %mul3A_10, %dma_wait3A_258] : memref<32x80x128xi32, #tpu.memory_space<hbm>> -> memref<1x5x128xi32, #tpu.memory_space<hbm>>
        %dma_wait3A_260 = tpu.memref_squeeze %dma_wait3A_259 : memref<1x5x128xi32, #tpu.memory_space<hbm>> -> memref<5x128xi32, #tpu.memory_space<hbm>>
        tpu.wait_dma2 semaphore(%run_scoped3A : memref<!tpu.dma_semaphore, #tpu.memory_space<semaphore_mem>>) src(%dma_wait3A_260 : memref<5x128xi32, #tpu.memory_space<hbm>>) dst(%arg8 : memref<5x128xi32, #tpu.memory_space<vmem>>)
        tpu.yield
      }) : () -> ()
      %dma_start3A = arith.constant 0 : i32
      %dma_start3A_11 = arith.constant 0 : i32
      %dma_start3A_12 = arith.constant 0 : i32
      %dma_start3A_13 = arith.constant 0 : i32
      %dma_start3A_14 = tpu.memref_slice %arg9[%dma_start3A_11, %dma_start3A_12, %dma_start3A_13] : memref<5x128x48xbf16, #tpu.memory_space<vmem>> -> memref<1x128x48xbf16, #tpu.memory_space<vmem>>
      %dma_start3A_15 = tpu.memref_squeeze %dma_start3A_14 : memref<1x128x48xbf16, #tpu.memory_space<vmem>> -> memref<128x48xbf16, #tpu.memory_space<vmem>>
      %dma_start3A_16 = arith.constant 0 : i32
      %dma_start3A_17 = tpu.memref_slice %arg7[%dma_start3A, %dma_start3A_16] : memref<5x128xi32, #tpu.memory_space<vmem>> -> memref<1x128xi32, #tpu.memory_space<vmem>>
      %dma_start3A_18 = tpu.memref_squeeze %dma_start3A_17 : memref<1x128xi32, #tpu.memory_space<vmem>> -> memref<128xi32, #tpu.memory_space<vmem>>
      %dma_start3A_19 = arith.constant 0 : i32
      %dma_start3A_20 = arith.constant 0 : i32
      %dma_start3A_21 = tpu.memref_slice %arg11[%dma_start3A_19, %dma_start3A_20] : memref<10240x48xbf16, #tpu.memory_space<vmem_shared>> -> memref<10240x48xbf16, #tpu.memory_space<vmem_shared>>
      tpu.enqueue_indirect_dma source(%dma_start3A_21 : memref<10240x48xbf16, #tpu.memory_space<vmem_shared>>) target(%dma_start3A_15 : memref<128x48xbf16, #tpu.memory_space<vmem>>) offsets(%dma_start3A_18 : memref<128xi32, #tpu.memory_space<vmem>>) semaphore(%arg12 : memref<!tpu.dma_semaphore, #tpu.memory_space<semaphore_mem>>)
      %dma_start3A_22 = arith.constant 1 : i32
      %dma_start3A_23 = arith.constant 1 : i32
      %dma_start3A_24 = arith.constant 0 : i32
      %dma_start3A_25 = arith.constant 0 : i32
      %dma_start3A_26 = tpu.memref_slice %arg9[%dma_start3A_23, %dma_start3A_24, %dma_start3A_25] : memref<5x128x48xbf16, #tpu.memory_space<vmem>> -> memref<1x128x48xbf16, #tpu.memory_space<vmem>>
      %dma_start3A_27 = tpu.memref_squeeze %dma_start3A_26 : memref<1x128x48xbf16, #tpu.memory_space<vmem>> -> memref<128x48xbf16, #tpu.memory_space<vmem>>
      %dma_start3A_28 = arith.constant 0 : i32
      %dma_start3A_29 = tpu.memref_slice %arg7[%dma_start3A_22, %dma_start3A_28] : memref<5x128xi32, #tpu.memory_space<vmem>> -> memref<1x128xi32, #tpu.memory_space<vmem>>
      %dma_start3A_30 = tpu.memref_squeeze %dma_start3A_29 : memref<1x128xi32, #tpu.memory_space<vmem>> -> memref<128xi32, #tpu.memory_space<vmem>>
      %dma_start3A_31 = arith.constant 0 : i32
      %dma_start3A_32 = arith.constant 0 : i32
      %dma_start3A_33 = tpu.memref_slice %arg11[%dma_start3A_31, %dma_start3A_32] : memref<10240x48xbf16, #tpu.memory_space<vmem_shared>> -> memref<10240x48xbf16, #tpu.memory_space<vmem_shared>>
      tpu.enqueue_indirect_dma source(%dma_start3A_33 : memref<10240x48xbf16, #tpu.memory_space<vmem_shared>>) target(%dma_start3A_27 : memref<128x48xbf16, #tpu.memory_space<vmem>>) offsets(%dma_start3A_30 : memref<128xi32, #tpu.memory_space<vmem>>) semaphore(%arg13 : memref<!tpu.dma_semaphore, #tpu.memory_space<semaphore_mem>>)
      %dma_start3A_34 = arith.constant 2 : i32
      %dma_start3A_35 = arith.constant 2 : i32
      %dma_start3A_36 = arith.constant 0 : i32
      %dma_start3A_37 = arith.constant 0 : i32
      %dma_start3A_38 = tpu.memref_slice %arg9[%dma_start3A_35, %dma_start3A_36, %dma_start3A_37] : memref<5x128x48xbf16, #tpu.memory_space<vmem>> -> memref<1x128x48xbf16, #tpu.memory_space<vmem>>
      %dma_start3A_39 = tpu.memref_squeeze %dma_start3A_38 : memref<1x128x48xbf16, #tpu.memory_space<vmem>> -> memref<128x48xbf16, #tpu.memory_space<vmem>>
      %dma_start3A_40 = arith.constant 0 : i32
      %dma_start3A_41 = tpu.memref_slice %arg7[%dma_start3A_34, %dma_start3A_40] : memref<5x128xi32, #tpu.memory_space<vmem>> -> memref<1x128xi32, #tpu.memory_space<vmem>>
      %dma_start3A_42 = tpu.memref_squeeze %dma_start3A_41 : memref<1x128xi32, #tpu.memory_space<vmem>> -> memref<128xi32, #tpu.memory_space<vmem>>
      %dma_start3A_43 = arith.constant 0 : i32
      %dma_start3A_44 = arith.constant 0 : i32
      %dma_start3A_45 = tpu.memref_slice %arg11[%dma_start3A_43, %dma_start3A_44] : memref<10240x48xbf16, #tpu.memory_space<vmem_shared>> -> memref<10240x48xbf16, #tpu.memory_space<vmem_shared>>
      tpu.enqueue_indirect_dma source(%dma_start3A_45 : memref<10240x48xbf16, #tpu.memory_space<vmem_shared>>) target(%dma_start3A_39 : memref<128x48xbf16, #tpu.memory_space<vmem>>) offsets(%dma_start3A_42 : memref<128xi32, #tpu.memory_space<vmem>>) semaphore(%arg14 : memref<!tpu.dma_semaphore, #tpu.memory_space<semaphore_mem>>)
      %dma_start3A_46 = arith.constant 3 : i32
      %dma_start3A_47 = arith.constant 3 : i32
      %dma_start3A_48 = arith.constant 0 : i32
      %dma_start3A_49 = arith.constant 0 : i32
      %dma_start3A_50 = tpu.memref_slice %arg9[%dma_start3A_47, %dma_start3A_48, %dma_start3A_49] : memref<5x128x48xbf16, #tpu.memory_space<vmem>> -> memref<1x128x48xbf16, #tpu.memory_space<vmem>>
      %dma_start3A_51 = tpu.memref_squeeze %dma_start3A_50 : memref<1x128x48xbf16, #tpu.memory_space<vmem>> -> memref<128x48xbf16, #tpu.memory_space<vmem>>
      %dma_start3A_52 = arith.constant 0 : i32
      %dma_start3A_53 = tpu.memref_slice %arg7[%dma_start3A_46, %dma_start3A_52] : memref<5x128xi32, #tpu.memory_space<vmem>> -> memref<1x128xi32, #tpu.memory_space<vmem>>
      %dma_start3A_54 = tpu.memref_squeeze %dma_start3A_53 : memref<1x128xi32, #tpu.memory_space<vmem>> -> memref<128xi32, #tpu.memory_space<vmem>>
      %dma_start3A_55 = arith.constant 0 : i32
      %dma_start3A_56 = arith.constant 0 : i32
      %dma_start3A_57 = tpu.memref_slice %arg11[%dma_start3A_55, %dma_start3A_56] : memref<10240x48xbf16, #tpu.memory_space<vmem_shared>> -> memref<10240x48xbf16, #tpu.memory_space<vmem_shared>>
      tpu.enqueue_indirect_dma source(%dma_start3A_57 : memref<10240x48xbf16, #tpu.memory_space<vmem_shared>>) target(%dma_start3A_51 : memref<128x48xbf16, #tpu.memory_space<vmem>>) offsets(%dma_start3A_54 : memref<128xi32, #tpu.memory_space<vmem>>) semaphore(%arg15 : memref<!tpu.dma_semaphore, #tpu.memory_space<semaphore_mem>>)
      %dma_start3A_58 = arith.constant 4 : i32
      %dma_start3A_59 = arith.constant 4 : i32
      %dma_start3A_60 = arith.constant 0 : i32
      %dma_start3A_61 = arith.constant 0 : i32
      %dma_start3A_62 = tpu.memref_slice %arg9[%dma_start3A_59, %dma_start3A_60, %dma_start3A_61] : memref<5x128x48xbf16, #tpu.memory_space<vmem>> -> memref<1x128x48xbf16, #tpu.memory_space<vmem>>
      %dma_start3A_63 = tpu.memref_squeeze %dma_start3A_62 : memref<1x128x48xbf16, #tpu.memory_space<vmem>> -> memref<128x48xbf16, #tpu.memory_space<vmem>>
      %dma_start3A_64 = arith.constant 0 : i32
      %dma_start3A_65 = tpu.memref_slice %arg7[%dma_start3A_58, %dma_start3A_64] : memref<5x128xi32, #tpu.memory_space<vmem>> -> memref<1x128xi32, #tpu.memory_space<vmem>>
      %dma_start3A_66 = tpu.memref_squeeze %dma_start3A_65 : memref<1x128xi32, #tpu.memory_space<vmem>> -> memref<128xi32, #tpu.memory_space<vmem>>
      %dma_start3A_67 = arith.constant 0 : i32
      %dma_start3A_68 = arith.constant 0 : i32
      %dma_start3A_69 = tpu.memref_slice %arg11[%dma_start3A_67, %dma_start3A_68] : memref<10240x48xbf16, #tpu.memory_space<vmem_shared>> -> memref<10240x48xbf16, #tpu.memory_space<vmem_shared>>
      tpu.enqueue_indirect_dma source(%dma_start3A_69 : memref<10240x48xbf16, #tpu.memory_space<vmem_shared>>) target(%dma_start3A_63 : memref<128x48xbf16, #tpu.memory_space<vmem>>) offsets(%dma_start3A_66 : memref<128xi32, #tpu.memory_space<vmem>>) semaphore(%arg16 : memref<!tpu.dma_semaphore, #tpu.memory_space<semaphore_mem>>)
      %dma_wait3A = arith.constant 0 : i32
      %dma_wait3A_70 = arith.constant 0 : i32
      %dma_wait3A_71 = arith.constant 0 : i32
      %dma_wait3A_72 = arith.constant 0 : i32
      %dma_wait3A_73 = tpu.memref_slice %arg9[%dma_wait3A_70, %dma_wait3A_71, %dma_wait3A_72] : memref<5x128x48xbf16, #tpu.memory_space<vmem>> -> memref<1x128x48xbf16, #tpu.memory_space<vmem>>
      %dma_wait3A_74 = tpu.memref_squeeze %dma_wait3A_73 : memref<1x128x48xbf16, #tpu.memory_space<vmem>> -> memref<128x48xbf16, #tpu.memory_space<vmem>>
      %dma_wait3A_75 = arith.constant 0 : i32
      %dma_wait3A_76 = tpu.memref_slice %arg7[%dma_wait3A, %dma_wait3A_75] : memref<5x128xi32, #tpu.memory_space<vmem>> -> memref<1x128xi32, #tpu.memory_space<vmem>>
      %dma_wait3A_77 = tpu.memref_squeeze %dma_wait3A_76 : memref<1x128xi32, #tpu.memory_space<vmem>> -> memref<128xi32, #tpu.memory_space<vmem>>
      %dma_wait3A_78 = arith.constant 0 : i32
      %dma_wait3A_79 = arith.constant 0 : i32
      %dma_wait3A_80 = tpu.memref_slice %arg11[%dma_wait3A_78, %dma_wait3A_79] : memref<10240x48xbf16, #tpu.memory_space<vmem_shared>> -> memref<10240x48xbf16, #tpu.memory_space<vmem_shared>>
      tpu.wait_indirect_dma semaphore(%arg12 : memref<!tpu.dma_semaphore, #tpu.memory_space<semaphore_mem>>) src(%dma_wait3A_80 : memref<10240x48xbf16, #tpu.memory_space<vmem_shared>>) dst(%dma_wait3A_74 : memref<128x48xbf16, #tpu.memory_space<vmem>>)
      %dma_start3A_81 = arith.constant 0 : i32
      %dma_start3A_82 = arith.constant 0 : i32
      %dma_start3A_83 = arith.constant 0 : i32
      %dma_start3A_84 = arith.constant 0 : i32
      %dma_start3A_85 = tpu.memref_slice %arg9[%dma_start3A_81, %dma_start3A_83, %dma_start3A_84] : memref<5x128x48xbf16, #tpu.memory_space<vmem>> -> memref<1x128x48xbf16, #tpu.memory_space<vmem>>
      %dma_start3A_86 = tpu.memref_squeeze %dma_start3A_85 : memref<1x128x48xbf16, #tpu.memory_space<vmem>> -> memref<128x48xbf16, #tpu.memory_space<vmem>>
      %dma_start3A_87 = arith.constant 0 : i32
      %dma_start3A_88 = tpu.memref_slice %arg8[%dma_start3A_82, %dma_start3A_87] : memref<5x128xi32, #tpu.memory_space<vmem>> -> memref<1x128xi32, #tpu.memory_space<vmem>>
      %dma_start3A_89 = tpu.memref_squeeze %dma_start3A_88 : memref<1x128xi32, #tpu.memory_space<vmem>> -> memref<128xi32, #tpu.memory_space<vmem>>
      %dma_start3A_90 = arith.constant 0 : i32
      %dma_start3A_91 = arith.constant 0 : i32
      %dma_start3A_92 = tpu.memref_slice %arg10[%dma_start3A_90, %dma_start3A_91] : memref<10240x48xbf16, #tpu.memory_space<vmem_shared>> -> memref<10240x48xbf16, #tpu.memory_space<vmem_shared>>
      tpu.enqueue_indirect_dma source(%dma_start3A_86 : memref<128x48xbf16, #tpu.memory_space<vmem>>) target(%dma_start3A_92 : memref<10240x48xbf16, #tpu.memory_space<vmem_shared>>) offsets(%dma_start3A_89 : memref<128xi32, #tpu.memory_space<vmem>>) semaphore(%arg17 : memref<!tpu.dma_semaphore, #tpu.memory_space<semaphore_mem>>) {add = true}
      %dma_wait3A_93 = arith.constant 1 : i32
      %dma_wait3A_94 = arith.constant 1 : i32
      %dma_wait3A_95 = arith.constant 0 : i32
      %dma_wait3A_96 = arith.constant 0 : i32
      %dma_wait3A_97 = tpu.memref_slice %arg9[%dma_wait3A_94, %dma_wait3A_95, %dma_wait3A_96] : memref<5x128x48xbf16, #tpu.memory_space<vmem>> -> memref<1x128x48xbf16, #tpu.memory_space<vmem>>
      %dma_wait3A_98 = tpu.memref_squeeze %dma_wait3A_97 : memref<1x128x48xbf16, #tpu.memory_space<vmem>> -> memref<128x48xbf16, #tpu.memory_space<vmem>>
      %dma_wait3A_99 = arith.constant 0 : i32
      %dma_wait3A_100 = tpu.memref_slice %arg7[%dma_wait3A_93, %dma_wait3A_99] : memref<5x128xi32, #tpu.memory_space<vmem>> -> memref<1x128xi32, #tpu.memory_space<vmem>>
      %dma_wait3A_101 = tpu.memref_squeeze %dma_wait3A_100 : memref<1x128xi32, #tpu.memory_space<vmem>> -> memref<128xi32, #tpu.memory_space<vmem>>
      %dma_wait3A_102 = arith.constant 0 : i32
      %dma_wait3A_103 = arith.constant 0 : i32
      %dma_wait3A_104 = tpu.memref_slice %arg11[%dma_wait3A_102, %dma_wait3A_103] : memref<10240x48xbf16, #tpu.memory_space<vmem_shared>> -> memref<10240x48xbf16, #tpu.memory_space<vmem_shared>>
      tpu.wait_indirect_dma semaphore(%arg13 : memref<!tpu.dma_semaphore, #tpu.memory_space<semaphore_mem>>) src(%dma_wait3A_104 : memref<10240x48xbf16, #tpu.memory_space<vmem_shared>>) dst(%dma_wait3A_98 : memref<128x48xbf16, #tpu.memory_space<vmem>>)
      %dma_start3A_105 = arith.constant 1 : i32
      %dma_start3A_106 = arith.constant 1 : i32
      %dma_start3A_107 = arith.constant 0 : i32
      %dma_start3A_108 = arith.constant 0 : i32
      %dma_start3A_109 = tpu.memref_slice %arg9[%dma_start3A_105, %dma_start3A_107, %dma_start3A_108] : memref<5x128x48xbf16, #tpu.memory_space<vmem>> -> memref<1x128x48xbf16, #tpu.memory_space<vmem>>
      %dma_start3A_110 = tpu.memref_squeeze %dma_start3A_109 : memref<1x128x48xbf16, #tpu.memory_space<vmem>> -> memref<128x48xbf16, #tpu.memory_space<vmem>>
      %dma_start3A_111 = arith.constant 0 : i32
      %dma_start3A_112 = tpu.memref_slice %arg8[%dma_start3A_106, %dma_start3A_111] : memref<5x128xi32, #tpu.memory_space<vmem>> -> memref<1x128xi32, #tpu.memory_space<vmem>>
      %dma_start3A_113 = tpu.memref_squeeze %dma_start3A_112 : memref<1x128xi32, #tpu.memory_space<vmem>> -> memref<128xi32, #tpu.memory_space<vmem>>
      %dma_start3A_114 = arith.constant 0 : i32
      %dma_start3A_115 = arith.constant 0 : i32
      %dma_start3A_116 = tpu.memref_slice %arg10[%dma_start3A_114, %dma_start3A_115] : memref<10240x48xbf16, #tpu.memory_space<vmem_shared>> -> memref<10240x48xbf16, #tpu.memory_space<vmem_shared>>
      tpu.enqueue_indirect_dma source(%dma_start3A_110 : memref<128x48xbf16, #tpu.memory_space<vmem>>) target(%dma_start3A_116 : memref<10240x48xbf16, #tpu.memory_space<vmem_shared>>) offsets(%dma_start3A_113 : memref<128xi32, #tpu.memory_space<vmem>>) semaphore(%arg18 : memref<!tpu.dma_semaphore, #tpu.memory_space<semaphore_mem>>) {add = true}
      %dma_wait3A_117 = arith.constant 2 : i32
      %dma_wait3A_118 = arith.constant 2 : i32
      %dma_wait3A_119 = arith.constant 0 : i32
      %dma_wait3A_120 = arith.constant 0 : i32
      %dma_wait3A_121 = tpu.memref_slice %arg9[%dma_wait3A_118, %dma_wait3A_119, %dma_wait3A_120] : memref<5x128x48xbf16, #tpu.memory_space<vmem>> -> memref<1x128x48xbf16, #tpu.memory_space<vmem>>
      %dma_wait3A_122 = tpu.memref_squeeze %dma_wait3A_121 : memref<1x128x48xbf16, #tpu.memory_space<vmem>> -> memref<128x48xbf16, #tpu.memory_space<vmem>>
      %dma_wait3A_123 = arith.constant 0 : i32
      %dma_wait3A_124 = tpu.memref_slice %arg7[%dma_wait3A_117, %dma_wait3A_123] : memref<5x128xi32, #tpu.memory_space<vmem>> -> memref<1x128xi32, #tpu.memory_space<vmem>>
      %dma_wait3A_125 = tpu.memref_squeeze %dma_wait3A_124 : memref<1x128xi32, #tpu.memory_space<vmem>> -> memref<128xi32, #tpu.memory_space<vmem>>
      %dma_wait3A_126 = arith.constant 0 : i32
      %dma_wait3A_127 = arith.constant 0 : i32
      %dma_wait3A_128 = tpu.memref_slice %arg11[%dma_wait3A_126, %dma_wait3A_127] : memref<10240x48xbf16, #tpu.memory_space<vmem_shared>> -> memref<10240x48xbf16, #tpu.memory_space<vmem_shared>>
      tpu.wait_indirect_dma semaphore(%arg14 : memref<!tpu.dma_semaphore, #tpu.memory_space<semaphore_mem>>) src(%dma_wait3A_128 : memref<10240x48xbf16, #tpu.memory_space<vmem_shared>>) dst(%dma_wait3A_122 : memref<128x48xbf16, #tpu.memory_space<vmem>>)
      %dma_start3A_129 = arith.constant 2 : i32
      %dma_start3A_130 = arith.constant 2 : i32
      %dma_start3A_131 = arith.constant 0 : i32
      %dma_start3A_132 = arith.constant 0 : i32
      %dma_start3A_133 = tpu.memref_slice %arg9[%dma_start3A_129, %dma_start3A_131, %dma_start3A_132] : memref<5x128x48xbf16, #tpu.memory_space<vmem>> -> memref<1x128x48xbf16, #tpu.memory_space<vmem>>
      %dma_start3A_134 = tpu.memref_squeeze %dma_start3A_133 : memref<1x128x48xbf16, #tpu.memory_space<vmem>> -> memref<128x48xbf16, #tpu.memory_space<vmem>>
      %dma_start3A_135 = arith.constant 0 : i32
      %dma_start3A_136 = tpu.memref_slice %arg8[%dma_start3A_130, %dma_start3A_135] : memref<5x128xi32, #tpu.memory_space<vmem>> -> memref<1x128xi32, #tpu.memory_space<vmem>>
      %dma_start3A_137 = tpu.memref_squeeze %dma_start3A_136 : memref<1x128xi32, #tpu.memory_space<vmem>> -> memref<128xi32, #tpu.memory_space<vmem>>
      %dma_start3A_138 = arith.constant 0 : i32
      %dma_start3A_139 = arith.constant 0 : i32
      %dma_start3A_140 = tpu.memref_slice %arg10[%dma_start3A_138, %dma_start3A_139] : memref<10240x48xbf16, #tpu.memory_space<vmem_shared>> -> memref<10240x48xbf16, #tpu.memory_space<vmem_shared>>
      tpu.enqueue_indirect_dma source(%dma_start3A_134 : memref<128x48xbf16, #tpu.memory_space<vmem>>) target(%dma_start3A_140 : memref<10240x48xbf16, #tpu.memory_space<vmem_shared>>) offsets(%dma_start3A_137 : memref<128xi32, #tpu.memory_space<vmem>>) semaphore(%arg19 : memref<!tpu.dma_semaphore, #tpu.memory_space<semaphore_mem>>) {add = true}
      %dma_wait3A_141 = arith.constant 3 : i32
      %dma_wait3A_142 = arith.constant 3 : i32
      %dma_wait3A_143 = arith.constant 0 : i32
      %dma_wait3A_144 = arith.constant 0 : i32
      %dma_wait3A_145 = tpu.memref_slice %arg9[%dma_wait3A_142, %dma_wait3A_143, %dma_wait3A_144] : memref<5x128x48xbf16, #tpu.memory_space<vmem>> -> memref<1x128x48xbf16, #tpu.memory_space<vmem>>
      %dma_wait3A_146 = tpu.memref_squeeze %dma_wait3A_145 : memref<1x128x48xbf16, #tpu.memory_space<vmem>> -> memref<128x48xbf16, #tpu.memory_space<vmem>>
      %dma_wait3A_147 = arith.constant 0 : i32
      %dma_wait3A_148 = tpu.memref_slice %arg7[%dma_wait3A_141, %dma_wait3A_147] : memref<5x128xi32, #tpu.memory_space<vmem>> -> memref<1x128xi32, #tpu.memory_space<vmem>>
      %dma_wait3A_149 = tpu.memref_squeeze %dma_wait3A_148 : memref<1x128xi32, #tpu.memory_space<vmem>> -> memref<128xi32, #tpu.memory_space<vmem>>
      %dma_wait3A_150 = arith.constant 0 : i32
      %dma_wait3A_151 = arith.constant 0 : i32
      %dma_wait3A_152 = tpu.memref_slice %arg11[%dma_wait3A_150, %dma_wait3A_151] : memref<10240x48xbf16, #tpu.memory_space<vmem_shared>> -> memref<10240x48xbf16, #tpu.memory_space<vmem_shared>>
      tpu.wait_indirect_dma semaphore(%arg15 : memref<!tpu.dma_semaphore, #tpu.memory_space<semaphore_mem>>) src(%dma_wait3A_152 : memref<10240x48xbf16, #tpu.memory_space<vmem_shared>>) dst(%dma_wait3A_146 : memref<128x48xbf16, #tpu.memory_space<vmem>>)
      %dma_start3A_153 = arith.constant 3 : i32
      %dma_start3A_154 = arith.constant 3 : i32
      %dma_start3A_155 = arith.constant 0 : i32
      %dma_start3A_156 = arith.constant 0 : i32
      %dma_start3A_157 = tpu.memref_slice %arg9[%dma_start3A_153, %dma_start3A_155, %dma_start3A_156] : memref<5x128x48xbf16, #tpu.memory_space<vmem>> -> memref<1x128x48xbf16, #tpu.memory_space<vmem>>
      %dma_start3A_158 = tpu.memref_squeeze %dma_start3A_157 : memref<1x128x48xbf16, #tpu.memory_space<vmem>> -> memref<128x48xbf16, #tpu.memory_space<vmem>>
      %dma_start3A_159 = arith.constant 0 : i32
      %dma_start3A_160 = tpu.memref_slice %arg8[%dma_start3A_154, %dma_start3A_159] : memref<5x128xi32, #tpu.memory_space<vmem>> -> memref<1x128xi32, #tpu.memory_space<vmem>>
      %dma_start3A_161 = tpu.memref_squeeze %dma_start3A_160 : memref<1x128xi32, #tpu.memory_space<vmem>> -> memref<128xi32, #tpu.memory_space<vmem>>
      %dma_start3A_162 = arith.constant 0 : i32
      %dma_start3A_163 = arith.constant 0 : i32
      %dma_start3A_164 = tpu.memref_slice %arg10[%dma_start3A_162, %dma_start3A_163] : memref<10240x48xbf16, #tpu.memory_space<vmem_shared>> -> memref<10240x48xbf16, #tpu.memory_space<vmem_shared>>
      tpu.enqueue_indirect_dma source(%dma_start3A_158 : memref<128x48xbf16, #tpu.memory_space<vmem>>) target(%dma_start3A_164 : memref<10240x48xbf16, #tpu.memory_space<vmem_shared>>) offsets(%dma_start3A_161 : memref<128xi32, #tpu.memory_space<vmem>>) semaphore(%arg20 : memref<!tpu.dma_semaphore, #tpu.memory_space<semaphore_mem>>) {add = true}
      %dma_wait3A_165 = arith.constant 4 : i32
      %dma_wait3A_166 = arith.constant 4 : i32
      %dma_wait3A_167 = arith.constant 0 : i32
      %dma_wait3A_168 = arith.constant 0 : i32
      %dma_wait3A_169 = tpu.memref_slice %arg9[%dma_wait3A_166, %dma_wait3A_167, %dma_wait3A_168] : memref<5x128x48xbf16, #tpu.memory_space<vmem>> -> memref<1x128x48xbf16, #tpu.memory_space<vmem>>
      %dma_wait3A_170 = tpu.memref_squeeze %dma_wait3A_169 : memref<1x128x48xbf16, #tpu.memory_space<vmem>> -> memref<128x48xbf16, #tpu.memory_space<vmem>>
      %dma_wait3A_171 = arith.constant 0 : i32
      %dma_wait3A_172 = tpu.memref_slice %arg7[%dma_wait3A_165, %dma_wait3A_171] : memref<5x128xi32, #tpu.memory_space<vmem>> -> memref<1x128xi32, #tpu.memory_space<vmem>>
      %dma_wait3A_173 = tpu.memref_squeeze %dma_wait3A_172 : memref<1x128xi32, #tpu.memory_space<vmem>> -> memref<128xi32, #tpu.memory_space<vmem>>
      %dma_wait3A_174 = arith.constant 0 : i32
      %dma_wait3A_175 = arith.constant 0 : i32
      %dma_wait3A_176 = tpu.memref_slice %arg11[%dma_wait3A_174, %dma_wait3A_175] : memref<10240x48xbf16, #tpu.memory_space<vmem_shared>> -> memref<10240x48xbf16, #tpu.memory_space<vmem_shared>>
      tpu.wait_indirect_dma semaphore(%arg16 : memref<!tpu.dma_semaphore, #tpu.memory_space<semaphore_mem>>) src(%dma_wait3A_176 : memref<10240x48xbf16, #tpu.memory_space<vmem_shared>>) dst(%dma_wait3A_170 : memref<128x48xbf16, #tpu.memory_space<vmem>>)
      %dma_start3A_177 = arith.constant 4 : i32
      %dma_start3A_178 = arith.constant 4 : i32
      %dma_start3A_179 = arith.constant 0 : i32
      %dma_start3A_180 = arith.constant 0 : i32
      %dma_start3A_181 = tpu.memref_slice %arg9[%dma_start3A_177, %dma_start3A_179, %dma_start3A_180] : memref<5x128x48xbf16, #tpu.memory_space<vmem>> -> memref<1x128x48xbf16, #tpu.memory_space<vmem>>
      %dma_start3A_182 = tpu.memref_squeeze %dma_start3A_181 : memref<1x128x48xbf16, #tpu.memory_space<vmem>> -> memref<128x48xbf16, #tpu.memory_space<vmem>>
      %dma_start3A_183 = arith.constant 0 : i32
      %dma_start3A_184 = tpu.memref_slice %arg8[%dma_start3A_178, %dma_start3A_183] : memref<5x128xi32, #tpu.memory_space<vmem>> -> memref<1x128xi32, #tpu.memory_space<vmem>>
      %dma_start3A_185 = tpu.memref_squeeze %dma_start3A_184 : memref<1x128xi32, #tpu.memory_space<vmem>> -> memref<128xi32, #tpu.memory_space<vmem>>
      %dma_start3A_186 = arith.constant 0 : i32
      %dma_start3A_187 = arith.constant 0 : i32
      %dma_start3A_188 = tpu.memref_slice %arg10[%dma_start3A_186, %dma_start3A_187] : memref<10240x48xbf16, #tpu.memory_space<vmem_shared>> -> memref<10240x48xbf16, #tpu.memory_space<vmem_shared>>
      tpu.enqueue_indirect_dma source(%dma_start3A_182 : memref<128x48xbf16, #tpu.memory_space<vmem>>) target(%dma_start3A_188 : memref<10240x48xbf16, #tpu.memory_space<vmem_shared>>) offsets(%dma_start3A_185 : memref<128xi32, #tpu.memory_space<vmem>>) semaphore(%arg21 : memref<!tpu.dma_semaphore, #tpu.memory_space<semaphore_mem>>) {add = true}
      %dma_wait3A_189 = arith.constant 0 : i32
      %dma_wait3A_190 = arith.constant 0 : i32
      %dma_wait3A_191 = arith.constant 0 : i32
      %dma_wait3A_192 = arith.constant 0 : i32
      %dma_wait3A_193 = tpu.memref_slice %arg9[%dma_wait3A_189, %dma_wait3A_191, %dma_wait3A_192] : memref<5x128x48xbf16, #tpu.memory_space<vmem>> -> memref<1x128x48xbf16, #tpu.memory_space<vmem>>
      %dma_wait3A_194 = tpu.memref_squeeze %dma_wait3A_193 : memref<1x128x48xbf16, #tpu.memory_space<vmem>> -> memref<128x48xbf16, #tpu.memory_space<vmem>>
      %dma_wait3A_195 = arith.constant 0 : i32
      %dma_wait3A_196 = tpu.memref_slice %arg8[%dma_wait3A_190, %dma_wait3A_195] : memref<5x128xi32, #tpu.memory_space<vmem>> -> memref<1x128xi32, #tpu.memory_space<vmem>>
      %dma_wait3A_197 = tpu.memref_squeeze %dma_wait3A_196 : memref<1x128xi32, #tpu.memory_space<vmem>> -> memref<128xi32, #tpu.memory_space<vmem>>
      %dma_wait3A_198 = arith.constant 0 : i32
      %dma_wait3A_199 = arith.constant 0 : i32
      %dma_wait3A_200 = tpu.memref_slice %arg10[%dma_wait3A_198, %dma_wait3A_199] : memref<10240x48xbf16, #tpu.memory_space<vmem_shared>> -> memref<10240x48xbf16, #tpu.memory_space<vmem_shared>>
      tpu.wait_indirect_dma semaphore(%arg17 : memref<!tpu.dma_semaphore, #tpu.memory_space<semaphore_mem>>) src(%dma_wait3A_194 : memref<128x48xbf16, #tpu.memory_space<vmem>>) dst(%dma_wait3A_200 : memref<10240x48xbf16, #tpu.memory_space<vmem_shared>>)
      %dma_wait3A_201 = arith.constant 1 : i32
      %dma_wait3A_202 = arith.constant 1 : i32
      %dma_wait3A_203 = arith.constant 0 : i32
      %dma_wait3A_204 = arith.constant 0 : i32
      %dma_wait3A_205 = tpu.memref_slice %arg9[%dma_wait3A_201, %dma_wait3A_203, %dma_wait3A_204] : memref<5x128x48xbf16, #tpu.memory_space<vmem>> -> memref<1x128x48xbf16, #tpu.memory_space<vmem>>
      %dma_wait3A_206 = tpu.memref_squeeze %dma_wait3A_205 : memref<1x128x48xbf16, #tpu.memory_space<vmem>> -> memref<128x48xbf16, #tpu.memory_space<vmem>>
      %dma_wait3A_207 = arith.constant 0 : i32
      %dma_wait3A_208 = tpu.memref_slice %arg8[%dma_wait3A_202, %dma_wait3A_207] : memref<5x128xi32, #tpu.memory_space<vmem>> -> memref<1x128xi32, #tpu.memory_space<vmem>>
      %dma_wait3A_209 = tpu.memref_squeeze %dma_wait3A_208 : memref<1x128xi32, #tpu.memory_space<vmem>> -> memref<128xi32, #tpu.memory_space<vmem>>
      %dma_wait3A_210 = arith.constant 0 : i32
      %dma_wait3A_211 = arith.constant 0 : i32
      %dma_wait3A_212 = tpu.memref_slice %arg10[%dma_wait3A_210, %dma_wait3A_211] : memref<10240x48xbf16, #tpu.memory_space<vmem_shared>> -> memref<10240x48xbf16, #tpu.memory_space<vmem_shared>>
      tpu.wait_indirect_dma semaphore(%arg18 : memref<!tpu.dma_semaphore, #tpu.memory_space<semaphore_mem>>) src(%dma_wait3A_206 : memref<128x48xbf16, #tpu.memory_space<vmem>>) dst(%dma_wait3A_212 : memref<10240x48xbf16, #tpu.memory_space<vmem_shared>>)
      %dma_wait3A_213 = arith.constant 2 : i32
      %dma_wait3A_214 = arith.constant 2 : i32
      %dma_wait3A_215 = arith.constant 0 : i32
      %dma_wait3A_216 = arith.constant 0 : i32
      %dma_wait3A_217 = tpu.memref_slice %arg9[%dma_wait3A_213, %dma_wait3A_215, %dma_wait3A_216] : memref<5x128x48xbf16, #tpu.memory_space<vmem>> -> memref<1x128x48xbf16, #tpu.memory_space<vmem>>
      %dma_wait3A_218 = tpu.memref_squeeze %dma_wait3A_217 : memref<1x128x48xbf16, #tpu.memory_space<vmem>> -> memref<128x48xbf16, #tpu.memory_space<vmem>>
      %dma_wait3A_219 = arith.constant 0 : i32
      %dma_wait3A_220 = tpu.memref_slice %arg8[%dma_wait3A_214, %dma_wait3A_219] : memref<5x128xi32, #tpu.memory_space<vmem>> -> memref<1x128xi32, #tpu.memory_space<vmem>>
      %dma_wait3A_221 = tpu.memref_squeeze %dma_wait3A_220 : memref<1x128xi32, #tpu.memory_space<vmem>> -> memref<128xi32, #tpu.memory_space<vmem>>
      %dma_wait3A_222 = arith.constant 0 : i32
      %dma_wait3A_223 = arith.constant 0 : i32
      %dma_wait3A_224 = tpu.memref_slice %arg10[%dma_wait3A_222, %dma_wait3A_223] : memref<10240x48xbf16, #tpu.memory_space<vmem_shared>> -> memref<10240x48xbf16, #tpu.memory_space<vmem_shared>>
      tpu.wait_indirect_dma semaphore(%arg19 : memref<!tpu.dma_semaphore, #tpu.memory_space<semaphore_mem>>) src(%dma_wait3A_218 : memref<128x48xbf16, #tpu.memory_space<vmem>>) dst(%dma_wait3A_224 : memref<10240x48xbf16, #tpu.memory_space<vmem_shared>>)
      %dma_wait3A_225 = arith.constant 3 : i32
      %dma_wait3A_226 = arith.constant 3 : i32
      %dma_wait3A_227 = arith.constant 0 : i32
      %dma_wait3A_228 = arith.constant 0 : i32
      %dma_wait3A_229 = tpu.memref_slice %arg9[%dma_wait3A_225, %dma_wait3A_227, %dma_wait3A_228] : memref<5x128x48xbf16, #tpu.memory_space<vmem>> -> memref<1x128x48xbf16, #tpu.memory_space<vmem>>
      %dma_wait3A_230 = tpu.memref_squeeze %dma_wait3A_229 : memref<1x128x48xbf16, #tpu.memory_space<vmem>> -> memref<128x48xbf16, #tpu.memory_space<vmem>>
      %dma_wait3A_231 = arith.constant 0 : i32
      %dma_wait3A_232 = tpu.memref_slice %arg8[%dma_wait3A_226, %dma_wait3A_231] : memref<5x128xi32, #tpu.memory_space<vmem>> -> memref<1x128xi32, #tpu.memory_space<vmem>>
      %dma_wait3A_233 = tpu.memref_squeeze %dma_wait3A_232 : memref<1x128xi32, #tpu.memory_space<vmem>> -> memref<128xi32, #tpu.memory_space<vmem>>
      %dma_wait3A_234 = arith.constant 0 : i32
      %dma_wait3A_235 = arith.constant 0 : i32
      %dma_wait3A_236 = tpu.memref_slice %arg10[%dma_wait3A_234, %dma_wait3A_235] : memref<10240x48xbf16, #tpu.memory_space<vmem_shared>> -> memref<10240x48xbf16, #tpu.memory_space<vmem_shared>>
      tpu.wait_indirect_dma semaphore(%arg20 : memref<!tpu.dma_semaphore, #tpu.memory_space<semaphore_mem>>) src(%dma_wait3A_230 : memref<128x48xbf16, #tpu.memory_space<vmem>>) dst(%dma_wait3A_236 : memref<10240x48xbf16, #tpu.memory_space<vmem_shared>>)
      %dma_wait3A_237 = arith.constant 4 : i32
      %dma_wait3A_238 = arith.constant 4 : i32
      %dma_wait3A_239 = arith.constant 0 : i32
      %dma_wait3A_240 = arith.constant 0 : i32
      %dma_wait3A_241 = tpu.memref_slice %arg9[%dma_wait3A_237, %dma_wait3A_239, %dma_wait3A_240] : memref<5x128x48xbf16, #tpu.memory_space<vmem>> -> memref<1x128x48xbf16, #tpu.memory_space<vmem>>
      %dma_wait3A_242 = tpu.memref_squeeze %dma_wait3A_241 : memref<1x128x48xbf16, #tpu.memory_space<vmem>> -> memref<128x48xbf16, #tpu.memory_space<vmem>>
      %dma_wait3A_243 = arith.constant 0 : i32
      %dma_wait3A_244 = tpu.memref_slice %arg8[%dma_wait3A_238, %dma_wait3A_243] : memref<5x128xi32, #tpu.memory_space<vmem>> -> memref<1x128xi32, #tpu.memory_space<vmem>>
      %dma_wait3A_245 = tpu.memref_squeeze %dma_wait3A_244 : memref<1x128xi32, #tpu.memory_space<vmem>> -> memref<128xi32, #tpu.memory_space<vmem>>
      %dma_wait3A_246 = arith.constant 0 : i32
      %dma_wait3A_247 = arith.constant 0 : i32
      %dma_wait3A_248 = tpu.memref_slice %arg10[%dma_wait3A_246, %dma_wait3A_247] : memref<10240x48xbf16, #tpu.memory_space<vmem_shared>> -> memref<10240x48xbf16, #tpu.memory_space<vmem_shared>>
      tpu.wait_indirect_dma semaphore(%arg21 : memref<!tpu.dma_semaphore, #tpu.memory_space<semaphore_mem>>) src(%dma_wait3A_242 : memref<128x48xbf16, #tpu.memory_space<vmem>>) dst(%dma_wait3A_248 : memref<10240x48xbf16, #tpu.memory_space<vmem_shared>>)
    }
    %scan3A_6 = arith.constant 16 : i32
    %barrier3A_7 = arith.constant 0 : index
    tpu.barrier barrier_id(%barrier3A_7)
    "tpu.region"() ({
      %run_scoped3A = tpu.sem_alloc : memref<!tpu.dma_semaphore, #tpu.memory_space<semaphore_mem>>
      %dma_start3A = arith.constant 0 : i32
      %dma_start3A_8 = arith.constant 0 : i32
      %dma_start3A_9 = tpu.memref_slice %arg6[%arg0, %dma_start3A, %dma_start3A_8] : memref<2x10240x48xbf16, #tpu.memory_space<hbm>> -> memref<1x10240x48xbf16, #tpu.memory_space<hbm>>
      %dma_start3A_10 = tpu.memref_squeeze %dma_start3A_9 : memref<1x10240x48xbf16, #tpu.memory_space<hbm>> -> memref<10240x48xbf16, #tpu.memory_space<hbm>>
      %dma_start3A_11 = arith.constant 0 : i32
      %dma_start3A_12 = tpu.memref_slice %dma_start3A_10[%mul3A_2, %dma_start3A_11] : memref<10240x48xbf16, #tpu.memory_space<hbm>> -> memref<640x48xbf16, #tpu.memory_space<hbm>>
      %dma_start3A_13 = arith.constant 0 : i32
      %dma_start3A_14 = tpu.memref_slice %arg10[%mul3A_2, %dma_start3A_13] : memref<10240x48xbf16, #tpu.memory_space<vmem_shared>> -> memref<640x48xbf16, #tpu.memory_space<vmem_shared>>
      tpu.enqueue_dma source(%dma_start3A_14 : memref<640x48xbf16, #tpu.memory_space<vmem_shared>>) target(%dma_start3A_12 : memref<640x48xbf16, #tpu.memory_space<hbm>>) target_semaphore(%run_scoped3A : memref<!tpu.dma_semaphore, #tpu.memory_space<semaphore_mem>>)
      %dma_wait3A = arith.constant 0 : i32
      %dma_wait3A_15 = arith.constant 0 : i32
      %dma_wait3A_16 = tpu.memref_slice %arg6[%arg0, %dma_wait3A, %dma_wait3A_15] : memref<2x10240x48xbf16, #tpu.memory_space<hbm>> -> memref<1x10240x48xbf16, #tpu.memory_space<hbm>>
      %dma_wait3A_17 = tpu.memref_squeeze %dma_wait3A_16 : memref<1x10240x48xbf16, #tpu.memory_space<hbm>> -> memref<10240x48xbf16, #tpu.memory_space<hbm>>
      %dma_wait3A_18 = arith.constant 0 : i32
      %dma_wait3A_19 = tpu.memref_slice %dma_wait3A_17[%mul3A_2, %dma_wait3A_18] : memref<10240x48xbf16, #tpu.memory_space<hbm>> -> memref<640x48xbf16, #tpu.memory_space<hbm>>
      %dma_wait3A_20 = arith.constant 0 : i32
      %dma_wait3A_21 = tpu.memref_slice %arg10[%mul3A_2, %dma_wait3A_20] : memref<10240x48xbf16, #tpu.memory_space<vmem_shared>> -> memref<640x48xbf16, #tpu.memory_space<vmem_shared>>
      tpu.wait_dma2 semaphore(%run_scoped3A : memref<!tpu.dma_semaphore, #tpu.memory_space<semaphore_mem>>) src(%dma_wait3A_21 : memref<640x48xbf16, #tpu.memory_space<vmem_shared>>) dst(%dma_wait3A_19 : memref<640x48xbf16, #tpu.memory_space<hbm>>)
      tpu.yield
    }) : () -> ()
    return
  }
}

module attributes {stable_mosaic.version = 14 : i64} {
  func.func @_tc1_body(%arg0: i32, %arg1: memref<2x2x2000x1xf32, #tpu.memory_space<vmem>>, %arg2: memref<2000x128xf32, #tpu.memory_space<vmem>>, %arg3: memref<2000x128xbf16, #tpu.memory_space<vmem>>, %arg4: memref<2x2000x1xf32, #tpu.memory_space<vmem>>) attributes {dimension_semantics = [#tpu.dimension_semantics<arbitrary>], iteration_bounds = array<i64: 5>, scalar_prefetch = 0 : i64, scratch_operands = 0 : i64, tpu.core_type = #tpu.core_type<tc>, window_params = [{transform_indices = @transform_0, window_bounds = array<i64: 2, 2, 2000, 1>}, {transform_indices = @transform_1, window_bounds = array<i64: 2000, 128>}, {transform_indices = @transform_2, window_bounds = array<i64: 2000, 128>}, {transform_indices = @transform_3, window_bounds = array<i64: 2, 2000, 1>}]} {
    %get3A = arith.constant 0 : index
    %get3A_0 = arith.constant 0 : index
    %get3A_1 = arith.constant 0 : index
    %get3A_2 = arith.constant 0 : index
    %get3A_3 = vector.load %arg1[%get3A, %get3A_0, %get3A_1, %get3A_2] : memref<2x2x2000x1xf32, #tpu.memory_space<vmem>>, vector<1x2x2000x1xf32>
    %get3A_4 = vector.shape_cast %get3A_3 : vector<1x2x2000x1xf32> to vector<2x2000x1xf32>
    %get3A_5 = arith.constant 1 : index
    %get3A_6 = arith.constant 0 : index
    %get3A_7 = arith.constant 0 : index
    %get3A_8 = arith.constant 0 : index
    %get3A_9 = vector.load %arg1[%get3A_5, %get3A_6, %get3A_7, %get3A_8] : memref<2x2x2000x1xf32, #tpu.memory_space<vmem>>, vector<1x2x2000x1xf32>
    %get3A_10 = vector.shape_cast %get3A_9 : vector<1x2x2000x1xf32> to vector<2x2000x1xf32>
    %add3A = arith.addf %get3A_4, %get3A_10 : vector<2x2000x1xf32>
    %slice3A = vector.extract_strided_slice %add3A {offsets = [0, 0, 0], sizes = [1, 2000, 1], strides = [1, 1, 1]} : vector<2x2000x1xf32> to vector<1x2000x1xf32>
    %squeeze3A = vector.shape_cast %slice3A : vector<1x2000x1xf32> to vector<2000x1xf32>
    %max3A = arith.constant 1.000000e+00 : f32
    %max3A_11 = vector.broadcast %max3A : f32 to vector<2000x1xf32>
    %max3A_12 = arith.maximumf %squeeze3A, %max3A_11 : vector<2000x1xf32>
    %rsqrt3A = math.rsqrt %max3A_12 : vector<2000x1xf32>
    %slice3A_13 = vector.extract_strided_slice %add3A {offsets = [1, 0, 0], sizes = [1, 2000, 1], strides = [1, 1, 1]} : vector<2x2000x1xf32> to vector<1x2000x1xf32>
    %squeeze3A_14 = vector.shape_cast %slice3A_13 : vector<1x2000x1xf32> to vector<2000x1xf32>
    %max3A_15 = arith.constant 1.000000e+00 : f32
    %max3A_16 = vector.broadcast %max3A_15 : f32 to vector<2000x1xf32>
    %max3A_17 = arith.maximumf %squeeze3A_14, %max3A_16 : vector<2000x1xf32>
    %rsqrt3A_18 = math.rsqrt %max3A_17 : vector<2000x1xf32>
    %swap3A = arith.constant 0 : index
    %swap3A_19 = arith.constant 0 : index
    %swap3A_20 = arith.constant 0 : index
    %swap3A_21 = vector.load %arg4[%swap3A, %swap3A_19, %swap3A_20] : memref<2x2000x1xf32, #tpu.memory_space<vmem>>, vector<1x2000x1xf32>
    %swap3A_22 = vector.shape_cast %swap3A_21 : vector<1x2000x1xf32> to vector<2000x1xf32>
    %swap3A_23 = vector.shape_cast %rsqrt3A : vector<2000x1xf32> to vector<1x2000x1xf32>
    tpu.vector_store %arg4[%swap3A, %swap3A_19, %swap3A_20], %swap3A_23 {strides = array<i32>} : memref<2x2000x1xf32, #tpu.memory_space<vmem>>, vector<1x2000x1xf32>,
    %swap3A_24 = arith.constant 1 : index
    %swap3A_25 = arith.constant 0 : index
    %swap3A_26 = arith.constant 0 : index
    %swap3A_27 = vector.load %arg4[%swap3A_24, %swap3A_25, %swap3A_26] : memref<2x2000x1xf32, #tpu.memory_space<vmem>>, vector<1x2000x1xf32>
    %swap3A_28 = vector.shape_cast %swap3A_27 : vector<1x2000x1xf32> to vector<2000x1xf32>
    %swap3A_29 = vector.shape_cast %rsqrt3A_18 : vector<2000x1xf32> to vector<1x2000x1xf32>
    tpu.vector_store %arg4[%swap3A_24, %swap3A_25, %swap3A_26], %swap3A_29 {strides = array<i32>} : memref<2x2000x1xf32, #tpu.memory_space<vmem>>, vector<1x2000x1xf32>,
    %get3A_30 = arith.constant 0 : index
    %get3A_31 = arith.constant 0 : index
    %get3A_32 = vector.load %arg2[%get3A_30, %get3A_31] : memref<2000x128xf32, #tpu.memory_space<vmem>>, vector<2000x128xf32>
    %mul3A = vector.broadcast %rsqrt3A : vector<2000x1xf32> to vector<2000x128xf32>
    %mul3A_33 = arith.mulf %get3A_32, %mul3A : vector<2000x128xf32>
    %convert_element_type3A = arith.truncf %mul3A_33 : vector<2000x128xf32> to vector<2000x128xbf16>
    %swap3A_34 = arith.constant 0 : index
    %swap3A_35 = arith.constant 0 : index
    %swap3A_36 = vector.load %arg3[%swap3A_34, %swap3A_35] : memref<2000x128xbf16, #tpu.memory_space<vmem>>, vector<2000x128xbf16>
    tpu.vector_store %arg3[%swap3A_34, %swap3A_35], %convert_element_type3A {strides = array<i32>} : memref<2000x128xbf16, #tpu.memory_space<vmem>>, vector<2000x128xbf16>,
    return
  }
  func.func @transform_0(%arg0: i32) -> (i32, i32, i32, i32) {
    %c0_i32 = arith.constant 0 : i32
    %c0_i32_0 = arith.constant 0 : i32
    %c0_i32_1 = arith.constant 0 : i32
    %c0_i32_2 = arith.constant 0 : i32
    return %c0_i32, %c0_i32_0, %arg0, %c0_i32_1 : i32, i32, i32, i32
  }
  func.func @transform_1(%arg0: i32) -> (i32, i32) {
    %c0_i32 = arith.constant 0 : i32
    %c0_i32_0 = arith.constant 0 : i32
    return %arg0, %c0_i32 : i32, i32
  }
  func.func @transform_2(%arg0: i32) -> (i32, i32) {
    %c0_i32 = arith.constant 0 : i32
    %c0_i32_0 = arith.constant 0 : i32
    return %arg0, %c0_i32 : i32, i32
  }
  func.func @transform_3(%arg0: i32) -> (i32, i32, i32) {
    %c0_i32 = arith.constant 0 : i32
    %c0_i32_0 = arith.constant 0 : i32
    %c0_i32_1 = arith.constant 0 : i32
    return %c0_i32, %arg0, %c0_i32_0 : i32, i32, i32
  }
}

module attributes {stable_mosaic.version = 14 : i64} {
  func.func @_tc2_body(%arg0: i32, %arg1: memref<2x2000x128xbf16, #tpu.memory_space<vmem>>, %arg2: memref<2x2000x1xf32, #tpu.memory_space<vmem>>, %arg3: memref<128x128xf32, #tpu.memory_space<vmem>>, %arg4: memref<128x48xf32, #tpu.memory_space<vmem>>, %arg5: memref<2000x48xbf16, #tpu.memory_space<vmem>>) attributes {dimension_semantics = [#tpu.dimension_semantics<arbitrary>], iteration_bounds = array<i64: 5>, scalar_prefetch = 0 : i64, scratch_operands = 0 : i64, tpu.core_type = #tpu.core_type<tc>, window_params = [{transform_indices = @transform_0, window_bounds = array<i64: 2, 2000, 128>}, {transform_indices = @transform_1, window_bounds = array<i64: 2, 2000, 1>}, {pipeline_mode = #tpu.pipeline_mode<synchronous>, transform_indices = @transform_2, window_bounds = array<i64: 128, 128>}, {pipeline_mode = #tpu.pipeline_mode<synchronous>, transform_indices = @transform_3, window_bounds = array<i64: 128, 48>}, {transform_indices = @transform_4, window_bounds = array<i64: 2000, 48>}]} {
    %get3A = arith.constant 0 : index
    %get3A_0 = arith.constant 0 : index
    %get3A_1 = arith.constant 0 : index
    %get3A_2 = vector.load %arg1[%get3A, %get3A_0, %get3A_1] : memref<2x2000x128xbf16, #tpu.memory_space<vmem>>, vector<1x2000x128xbf16>
    %get3A_3 = vector.shape_cast %get3A_2 : vector<1x2000x128xbf16> to vector<2000x128xbf16>
    %convert_element_type3A = arith.extf %get3A_3 : vector<2000x128xbf16> to vector<2000x128xf32>
    %get3A_4 = arith.constant 1 : index
    %get3A_5 = arith.constant 0 : index
    %get3A_6 = arith.constant 0 : index
    %get3A_7 = vector.load %arg1[%get3A_4, %get3A_5, %get3A_6] : memref<2x2000x128xbf16, #tpu.memory_space<vmem>>, vector<1x2000x128xbf16>
    %get3A_8 = vector.shape_cast %get3A_7 : vector<1x2000x128xbf16> to vector<2000x128xbf16>
    %convert_element_type3A_9 = arith.extf %get3A_8 : vector<2000x128xbf16> to vector<2000x128xf32>
    %add3A = arith.addf %convert_element_type3A, %convert_element_type3A_9 : vector<2000x128xf32>
    %get3A_10 = arith.constant 1 : index
    %get3A_11 = arith.constant 0 : index
    %get3A_12 = arith.constant 0 : index
    %get3A_13 = vector.load %arg2[%get3A_10, %get3A_11, %get3A_12] : memref<2x2000x1xf32, #tpu.memory_space<vmem>>, vector<1x2000x1xf32>
    %get3A_14 = vector.shape_cast %get3A_13 : vector<1x2000x1xf32> to vector<2000x1xf32>
    %get3A_15 = arith.constant 0 : index
    %get3A_16 = arith.constant 0 : index
    %get3A_17 = arith.constant 0 : index
    %get3A_18 = vector.load %arg2[%get3A_15, %get3A_16, %get3A_17] : memref<2x2000x1xf32, #tpu.memory_space<vmem>>, vector<1x2000x1xf32>
    %get3A_19 = vector.shape_cast %get3A_18 : vector<1x2000x1xf32> to vector<2000x1xf32>
    %get3A_20 = arith.constant 0 : index
    %get3A_21 = arith.constant 0 : index
    %get3A_22 = vector.load %arg3[%get3A_20, %get3A_21] : memref<128x128xf32, #tpu.memory_space<vmem>>, vector<128x128xf32>
    %dot_general3A = arith.constant dense<0.000000e+00> : vector<2000x128xf32>
    %dot_general3A_23 = tpu.matmul %add3A, %get3A_22, %dot_general3A {dimension_numbers = #tpu.dot_dimension_numbers<[1], [0], [0], [1], [0, 0, 1, 1], [], []>, transpose_lhs_hint = false} : vector<2000x128xf32>, vector<128x128xf32>, vector<2000x128xf32> -> vector<2000x128xf32>
    %mul3A = vector.broadcast %get3A_14 : vector<2000x1xf32> to vector<2000x128xf32>
    %mul3A_24 = arith.mulf %dot_general3A_23, %mul3A : vector<2000x128xf32>
    %max3A = arith.constant 0.000000e+00 : f32
    %max3A_25 = vector.broadcast %max3A : f32 to vector<2000x128xf32>
    %max3A_26 = arith.maximumf %mul3A_24, %max3A_25 : vector<2000x128xf32>
    %mul3A_27 = vector.broadcast %get3A_19 : vector<2000x1xf32> to vector<2000x128xf32>
    %mul3A_28 = arith.mulf %max3A_26, %mul3A_27 : vector<2000x128xf32>
    %get3A_29 = arith.constant 0 : index
    %get3A_30 = arith.constant 0 : index
    %get3A_31 = vector.load %arg4[%get3A_29, %get3A_30] : memref<128x48xf32, #tpu.memory_space<vmem>>, vector<128x48xf32>
    %dot_general3A_32 = arith.constant dense<0.000000e+00> : vector<2000x48xf32>
    %dot_general3A_33 = tpu.matmul %mul3A_28, %get3A_31, %dot_general3A_32 {dimension_numbers = #tpu.dot_dimension_numbers<[1], [0], [0], [1], [0, 0, 1, 1], [], []>, transpose_lhs_hint = false} : vector<2000x128xf32>, vector<128x48xf32>, vector<2000x48xf32> -> vector<2000x48xf32>
    %convert_element_type3A_34 = arith.truncf %dot_general3A_33 : vector<2000x48xf32> to vector<2000x48xbf16>
    %swap3A = arith.constant 0 : index
    %swap3A_35 = arith.constant 0 : index
    %swap3A_36 = vector.load %arg5[%swap3A, %swap3A_35] : memref<2000x48xbf16, #tpu.memory_space<vmem>>, vector<2000x48xbf16>
    tpu.vector_store %arg5[%swap3A, %swap3A_35], %convert_element_type3A_34 {strides = array<i32>} : memref<2000x48xbf16, #tpu.memory_space<vmem>>, vector<2000x48xbf16>,
    return
  }
  func.func @transform_0(%arg0: i32) -> (i32, i32, i32) {
    %c0_i32 = arith.constant 0 : i32
    %c0_i32_0 = arith.constant 0 : i32
    %c0_i32_1 = arith.constant 0 : i32
    return %c0_i32, %arg0, %c0_i32_0 : i32, i32, i32
  }
  func.func @transform_1(%arg0: i32) -> (i32, i32, i32) {
    %c0_i32 = arith.constant 0 : i32
    %c0_i32_0 = arith.constant 0 : i32
    %c0_i32_1 = arith.constant 0 : i32
    return %c0_i32, %arg0, %c0_i32_0 : i32, i32, i32
  }
  func.func @transform_2(%arg0: i32) -> (i32, i32) {
    %c0_i32 = arith.constant 0 : i32
    %c0_i32_0 = arith.constant 0 : i32
    %c0_i32_1 = arith.constant 0 : i32
    return %c0_i32, %c0_i32_0 : i32, i32
  }
  func.func @transform_3(%arg0: i32) -> (i32, i32) {
    %c0_i32 = arith.constant 0 : i32
    %c0_i32_0 = arith.constant 0 : i32
    %c0_i32_1 = arith.constant 0 : i32
    return %c0_i32, %c0_i32_0 : i32, i32
  }
  func.func @transform_4(%arg0: i32) -> (i32, i32) {
    %c0_i32 = arith.constant 0 : i32
    %c0_i32_0 = arith.constant 0 : i32
    return %arg0, %c0_i32 : i32, i32
  }
}

module attributes {stable_mosaic.version = 14 : i64} {
  func.func @_tc3_body(%arg0: i32, %arg1: memref<2x2000x48xbf16, #tpu.memory_space<vmem>>, %arg2: memref<2x2000x1xf32, #tpu.memory_space<vmem>>, %arg3: memref<2000x40xf32, #tpu.memory_space<vmem>>) attributes {dimension_semantics = [#tpu.dimension_semantics<arbitrary>], iteration_bounds = array<i64: 5>, scalar_prefetch = 0 : i64, scratch_operands = 0 : i64, tpu.core_type = #tpu.core_type<tc>, window_params = [{transform_indices = @transform_0, window_bounds = array<i64: 2, 2000, 48>}, {transform_indices = @transform_1, window_bounds = array<i64: 2, 2000, 1>}, {transform_indices = @transform_2, window_bounds = array<i64: 2000, 40>}]} {
    %get3A = arith.constant 1 : index
    %get3A_0 = arith.constant 0 : index
    %get3A_1 = arith.constant 0 : index
    %get3A_2 = vector.load %arg2[%get3A, %get3A_0, %get3A_1] : memref<2x2000x1xf32, #tpu.memory_space<vmem>>, vector<1x2000x1xf32>
    %get3A_3 = vector.shape_cast %get3A_2 : vector<1x2000x1xf32> to vector<2000x1xf32>
    %get3A_4 = arith.constant 0 : index
    %get3A_5 = arith.constant 0 : index
    %get3A_6 = arith.constant 0 : index
    %get3A_7 = vector.load %arg1[%get3A_4, %get3A_5, %get3A_6] : memref<2x2000x48xbf16, #tpu.memory_space<vmem>>, vector<1x2000x48xbf16>
    %get3A_8 = vector.shape_cast %get3A_7 : vector<1x2000x48xbf16> to vector<2000x48xbf16>
    %convert_element_type3A = arith.extf %get3A_8 : vector<2000x48xbf16> to vector<2000x48xf32>
    %get3A_9 = arith.constant 1 : index
    %get3A_10 = arith.constant 0 : index
    %get3A_11 = arith.constant 0 : index
    %get3A_12 = vector.load %arg1[%get3A_9, %get3A_10, %get3A_11] : memref<2x2000x48xbf16, #tpu.memory_space<vmem>>, vector<1x2000x48xbf16>
    %get3A_13 = vector.shape_cast %get3A_12 : vector<1x2000x48xbf16> to vector<2000x48xbf16>
    %convert_element_type3A_14 = arith.extf %get3A_13 : vector<2000x48xbf16> to vector<2000x48xf32>
    %add3A = arith.addf %convert_element_type3A, %convert_element_type3A_14 : vector<2000x48xf32>
    %slice3A = vector.extract_strided_slice %add3A {offsets = [0, 0], sizes = [2000, 40], strides = [1, 1]} : vector<2000x48xf32> to vector<2000x40xf32>
    %mul3A = vector.broadcast %get3A_3 : vector<2000x1xf32> to vector<2000x40xf32>
    %mul3A_15 = arith.mulf %slice3A, %mul3A : vector<2000x40xf32>
    %swap3A = arith.constant 0 : index
    %swap3A_16 = arith.constant 0 : index
    %swap3A_17 = vector.load %arg3[%swap3A, %swap3A_16] : memref<2000x40xf32, #tpu.memory_space<vmem>>, vector<2000x40xf32>
    tpu.vector_store %arg3[%swap3A, %swap3A_16], %mul3A_15 {strides = array<i32>} : memref<2000x40xf32, #tpu.memory_space<vmem>>, vector<2000x40xf32>,
    return
  }
  func.func @transform_0(%arg0: i32) -> (i32, i32, i32) {
    %c0_i32 = arith.constant 0 : i32
    %c0_i32_0 = arith.constant 0 : i32
    %c0_i32_1 = arith.constant 0 : i32
    return %c0_i32, %arg0, %c0_i32_0 : i32, i32, i32
  }
  func.func @transform_1(%arg0: i32) -> (i32, i32, i32) {
    %c0_i32 = arith.constant 0 : i32
    %c0_i32_0 = arith.constant 0 : i32
    %c0_i32_1 = arith.constant 0 : i32
    return %c0_i32, %arg0, %c0_i32_0 : i32, i32, i32
  }
  func.func @transform_2(%arg0: i32) -> (i32, i32) {
    %c0_i32 = arith.constant 0 : i32
    %c0_i32_0 = arith.constant 0 : i32
    return %arg0, %c0_i32 : i32, i32
  }
}

</mosaic_0001>

<sc_bundles>
// kernel: kernel.11.cloned.1.call-start
scs
__scs_entry_jumppad:
0x0: {  	(pc) =	sbr.rel $0x88, $3  }
0x1: {  	(tag) =	ssettag $0x0;
	lr =	simm.s32 $0x1  }
0x2: {  	[smem:$0x3F9D] =	sst lr;
	_ =	strace $0xD0000000  }
0x3: {  	_ = 	snop  }
0x4: {  	_ = 	snop  }
0x5: {  	_ = 	snop  }
0x6: {  	_ = 	snop  }
0x7: {  	_ = 	snop  }
__scs_overlays_trampoline_lowered:
0x8: {  	[smem:$0x3FAC] =	sst s0  }
0x9: {  	[smem:$0x3FAD] =	sst s1  }
0xa: {  	[smem:$0x3FAE] =	sst s2  }
0xb: {  	[smem:$0x3FAF] =	sst s3  }
0xc: {  	[smem:$0x3FB0] =	sst s4  }
0xd: {  	[smem:$0x3FB1] =	sst s5  }
0xe: {  	[smem:$0x3FB2] =	sst s6  }
0xf: {  	[smem:$0x3FB3] =	sst s7  }
0x10: {  	[smem:$0x3FB4] =	sst s8  }
0x11: {  	[smem:$0x3FB5] =	sst s9;
	s0 =	simm.s32 @!p0 $0x0  }
0x12: {  	s1 =	sld [smem:$0x3F9B];
	s0 =	simm.s32 @p0 $0x1  }
0x13: {  	[smem:$0x3FB6] =	sst s0;
	s0 =	simm.s32 @!p1 $0x0  }
0x14: {  	s2 =	sld [smem:$0x3F9A];
	s0 =	simm.s32 @p1 $0x1  }
0x15: {  	[smem:$0x3FB7] =	sst s0;
	s0 =	simm.s32 @!p2 $0x0  }
0x16: {  	s3 =	sld [smem:$0x3FDB];
	s0 =	simm.s32 @p2 $0x1  }
0x17: {  	s4 =	simm.s32 $0x1BF5;
	[smem:$0x3FB9] =	sst s0  }
0x18: {  	s0 =	sld [smem:$0x3F9C];
	_ =	swait.ge [sflag:s4], $0x0  }
0x19: {  	s7 =	sld [smem:$0x3F9D]  }
0x1a: {  	s8 =	sadd.s32 $0xFFFFE003, lr  }
0x1b: {  	s9 =	sadd.s32 $0xFFFFFEF7, lr;
	s5 =	simm.s32 $0xFFFFFFFF;
	p2 =	slt.u32 s8, $0xFFFFF086  }
0x1c: {  	p1 =	slt.u32 s9, $0xF7A;
	s5 =	simm.s32 @!p2 $0x0  }
0x1d: {  	s5 =	simm.s32 @p1 $0x1;
	p0 =	seq.s32 s7, s2  }
0x1e: {  	s7 =	smul.u32 @!p0 $0xF7A, s2;
	p2 =	seq.s32 @!p0 s5, $0x0  }
0x1f: {  	s9 =	smul.u32 $0xF7A, s1;
	s8 =	simm.s32 @!p0 $0x1BF5;
	p2 =	por !p2, p0  }
0x20: {  	[sflag:s8] =	ssyncset.s32 @!p0 $0xFFFFF086;
	s6 =	sadd.s32 @!p0 s3, s7;
	s7 =	simm.s32 @!p0 $0x108  }
0x21: {  	s3 =	sadd.s32 s3, s9;
	s6 =	sadd.s32 @!p0 $0x88, s6;
	s7 =	simm.s32 @p2 $0x1082  }
0x22: {  	[simem:s7], [sflag:s8] =	dma.local @!p0 [hbm:s6], $0xF7A  }
0x23: {  	s9 =	sor.u32 $0xD0000000, s2;
	s6 =	simm.s32 $0x108;
	_ =	swait.ge @!p0 [sflag:s8], $0x0  }
0x24: {  	s3 =	sadd.s32 $0x88, s3;
	s6 =	simm.s32 @!p1 $0x1082;
	[sflag:s4] =	ssyncset.s32 $0xFFFFF086  }
0x25: {  	[simem:s6], [sflag:s4] =	dma.local [hbm:s3], $0xF7A  }
0x26: {  	[smem:$0x3F9D] =	sst s1;
	(tag) =	ssettag s2;
	_ =	strace s9  }
0x27: {  	s1 =	sld [smem:$0x3FAD]  }
0x28: {  	s2 =	sld [smem:$0x3FAE]  }
0x29: {  	s4 =	sld [smem:$0x3FB0]  }
0x2a: {  	p0 =	seq.s32 s5, $0x0;
	s5 =	sld [smem:$0x3FB1]  }
0x2b: {  	s6 =	sld [smem:$0x3FB2]  }
0x2c: {  	s7 =	sld [smem:$0x3FB3]  }
0x2d: {  	s3 =	simm.s32 $0x108;
	s8 =	sld [smem:$0x3FB4]  }
0x2e: {  	s3 =	simm.s32 @!p0 $0x1082;
	s9 =	sld [smem:$0x3FB5]  }
0x2f: {  	lr =	sadd.s32 s0, s3;
	s0 =	sld [smem:$0x3FAC]  }
0x30: {  	s3 =	sld [smem:$0x3FAF]  }
0x31: {  	[smem:$0x3FB8] =	sst s10  }
0x32: {  	s10 =	sld [smem:$0x3FB6];
	_ =	sdelay $0x3  }
0x33: {  	p0 =	seq.s32 s10, $0x1;
	s10 =	sld [smem:$0x3FB8];
	_ =	sdelay $0x3  }
0x34: {  	[smem:$0x3FB8] =	sst s10  }
0x35: {  	s10 =	sld [smem:$0x3FB7];
	_ =	sdelay $0x3  }
0x36: {  	p1 =	seq.s32 s10, $0x1;
	s10 =	sld [smem:$0x3FB8];
	_ =	sdelay $0x3  }
0x37: {  	[smem:$0x3FB8] =	sst s10  }
0x38: {  	s10 =	sld [smem:$0x3FB9]  }
0x39: {  	_ = 	snop;
	(pc) =	sbr.ind lr, $3  }
0x3a: {  	_ = 	snop  }
0x3b: {  	_ = 	snop  }
0x3c: {  	p2 =	seq.s32 s10, $0x1;
	s10 =	sld [smem:$0x3FB8]  }
0x3d: {  	_ =	shalt  }
0x3e: {  	_ =	shalt  }
0x3f: {  	_ =	shalt  }
0x40: {  	_ =	shalt  }
0x41: {  	_ =	shalt  }
0x42: {  	_ =	shalt  }
0x43: {  	_ =	shalt  }
0x44: {  	_ =	shalt  }
0x45: {  	_ =	shalt  }
0x46: {  	_ =	shalt  }
0x47: {  	_ =	shalt  }
0x48: {  	_ =	shalt  }
0x49: {  	_ =	shalt  }
0x4a: {  	_ =	shalt  }
0x4b: {  	_ =	shalt  }
0x4c: {  	_ =	shalt  }
0x4d: {  	_ =	shalt  }
0x4e: {  	_ =	shalt  }
0x4f: {  	_ =	shalt  }
0x50: {  	_ =	shalt  }
0x51: {  	_ =	shalt  }
0x52: {  	_ =	shalt  }
0x53: {  	_ =	shalt  }
0x54: {  	_ =	shalt  }
0x55: {  	_ =	shalt  }
0x56: {  	_ =	shalt  }
0x57: {  	_ =	shalt  }
0x58: {  	_ =	shalt  }
0x59: {  	_ =	shalt  }
0x5a: {  	_ =	shalt  }
0x5b: {  	_ =	shalt  }
0x5c: {  	_ =	shalt  }
0x5d: {  	_ =	shalt  }
0x5e: {  	_ =	shalt  }
0x5f: {  	_ =	shalt  }
0x60: {  	_ =	shalt  }
0x61: {  	_ =	shalt  }
0x62: {  	_ =	shalt  }
0x63: {  	_ =	shalt  }
0x64: {  	_ =	shalt  }
0x65: {  	_ =	shalt  }
0x66: {  	_ =	shalt  }
0x67: {  	_ =	shalt  }
0x68: {  	_ =	shalt  }
0x69: {  	_ =	shalt  }
0x6a: {  	_ =	shalt  }
0x6b: {  	_ =	shalt  }
0x6c: {  	_ =	shalt  }
0x6d: {  	_ =	shalt  }
0x6e: {  	_ =	shalt  }
0x6f: {  	_ =	shalt  }
0x70: {  	_ =	shalt  }
0x71: {  	_ =	shalt  }
0x72: {  	_ =	shalt  }
0x73: {  	_ =	shalt  }
0x74: {  	_ =	shalt  }
0x75: {  	_ =	shalt  }
0x76: {  	_ =	shalt  }
0x77: {  	_ =	shalt  }
0x78: {  	_ =	shalt  }
0x79: {  	_ =	shalt  }
0x7a: {  	_ =	shalt  }
0x7b: {  	_ =	shalt  }
0x7c: {  	_ =	shalt  }
0x7d: {  	_ =	shalt  }
0x7e: {  	_ =	shalt  }
0x7f: {  	_ =	shalt  }
0x80: {  	_ =	shalt  }
0x81: {  	_ =	shalt  }
0x82: {  	_ =	shalt  }
0x83: {  	_ =	shalt  }
0x84: {  	_ =	shalt  }
0x85: {  	_ =	shalt  }
0x86: {  	_ =	shalt  }
0x87: {  	_ =	shalt  }
.Lfunc_end0:
.L_simem_size_0:
called_computation.1_lowered:
.L_overlay_start_0:
0x88: {  	s2 =	sld [smem:$0x3FD9]  }
0x89: {  	s3 =	sld [smem:$0x3FFE];
	_ =	sdelay $0x1  }
0x8a: {  	s1 =	srdreg.scid  }
0x8b: {  	s0 =	sand.u32 $0x1, s1  }
0x8c: {  	s17 =	sshll.u32 s0, $0xA;
	s2 =	sadd.s32 s3, s2  }
0x8d: {  	s2 =	sadd.s32 s2, s17  }
0x8e: {  	[smem:$0x3FC4] =	sst s2  }
0x8f: {  	_ = 	snop  }
0x90: {  	s2 =	sld [smem:$0x3FD0];
	(tm) =	ssettm $0x1  }
0x91: {  	s18 =	sld [smem:$0x3FFB];
	_ =	sdelay $0x3  }
0x92: {  	_ =	strace s18  }
0x93: {  	s3 =	sld [smem:$0x3FFC];
	_ =	sdelay $0x3  }
0x94: {  	_ =	strace s3  }
0x95: {  	s3 =	sld [smem:$0x3FFD];
	_ =	sdelay $0x3  }
0x96: {  	_ =	strace s3  }
0x97: {  	_ =	strace $0x8FFFFFFF  }
0x98: {  	s19 =	sld [smem:$0x3FDB];
	_ =	sdelay $0x1  }
0x99: {  	s4 =	simm.s32 $_scs_section_size  }
0x9a: {  	s5 =	simm.s32 $_size__tile_overlayer_lowered;
	s6 =	simm.s32 $_tile_overlayer_lowered  }
0x9b: {  	s22 =	simm.s32 $0x1BFF;
	s21 =	sshll.u32 s6, $0x1;
	s3 =	sadd.s32 s4, s19  }
0x9c: {  	s7 =	simm.s32 $0x0;
	s20 =	sshll.u32 s5, $0x1;
	s5 =	sadd.s32 s21, s3  }
0x9d: {  	[timem:s7], [sflag:s22] =	dma.local [hbm:s5], s20  }
0x9e: {  	_ =	swait.ge [sflag:s22], s20  }
0x9f: {  	s4 =	ssub.s32 $0x0, s20;
	[sflag:s22] =	ssyncset.done $0x0  }
0xa0: {  	[sflag:s22] =	ssyncadd.s32 s4;
	_ =	sdelay $0x1  }
0xa1: {  	s23 =	simm.s32 $0x1B8B  }
0xa2: {  	_ =	swait.ge [sflag:s23], $0x1  }
0xa3: {  	[sflag:s23] =	ssyncset.done $0x0  }
0xa4: {  	s25 =	simm.s32 $0x1B8E;
	s24 =	sld [smem:$0x3FFE];
	[sflag:s23] =	ssyncadd.s32 $0xFFFFFFFF  }
0xa5: {  	s26 =	simm.s32 $execute0_lowered;
	[smem:$0x3FD2] =	sst s25  }
0xa6: {  	s5 =	sshll.u32 s26, $0x1;
	_ =	strace $0x80000049;
	[dreg:$0x1] =	wrdreg $0xFFFFFFFF  }
0xa7: {  	s28 =	simm.s32 $_size_execute0_lowered;
	s3 =	sadd.s32 s3, s5;
	[dreg:$0x0] =	wrdreg $0x0  }
0xa8: {  	s5 =	sshll.u32 s28, $0x1;
	[dreg:$0x2] =	wrdreg s3  }
0xa9: {  	[dreg:$0x3] =	wrdreg s5  }
0xaa: {  	[dreg:$0x4] =	wrdreg $0xC0  }
0xab: {  	_ =	task [dreg:s7], $0x5FFFF  }
0xac: {  	[dreg:$0x1] =	wrdreg $0xFFFFFFFF  }
0xad: {  	[dreg:$0x0] =	wrdreg $0x60  }
0xae: {  	[dreg:$0x2] =	wrdreg s24  }
0xaf: {  	[dreg:$0x3] =	wrdreg s2  }
0xb0: {  	[dreg:$0x4] =	wrdreg $0xA5000  }
0xb1: {  	[dreg:$0x5] =	wrdreg $0x145000  }
0xb2: {  	[dreg:$0x6] =	wrdreg $0x9  }
0xb3: {  	_ =	task.clear_ibuf [dreg:s7], $0x7FFFF;
	_ =	strace $0x90000049  }
0xb4: {  	s29 =	simm.s32 $0x9;
	_ =	strace $0x8000004B  }
0xb5: {  	_ =	swait.ge [sflag:s29], $0x1  }
0xb6: {  	[sflag:s29] =	ssyncadd.s32 $0xFFFFFFFF  }
0xb7: {  	_ =	strace $0x9000004B  }
0xb8: {  	_ =	sfence  }
0xb9: {  	s30 =	sld [smem:$0x0];
	_ =	sdelay $0x2  }
0xba: {  	s31 =	sshll.u32 s1, $0xD;
	s1 =	sshrl.u32 s1, $0x2  }
0xbb: {  	s3 =	sand.u32 $0x4000, s31;
	s1 =	sadd.s32 s1, s30  }
0xbc: {  	s0 =	sor.u32 s3, s0;
	s1 =	sshll.u32 s1, $0x11  }
0xbd: {  	s0 =	sor.u32 s1, s0  }
0xbe: {  	s0 =	sadd.s32 $0x8F2B, s0  }
0xbf: {  	[sflag:s0] =	ssyncadd.remote.s32 $0x1  }
0xc0: {  	_ =	sfence.sel $0xFFFF  }
0xc1: {  	[dreg:$0x0] =	wrdreg $0xFFFFFFFF;
	(pc) =	sbr.abs _section_cstart, $3  }
0xc2: {  	[dreg:$0x1] =	wrdreg $0xFFFFFFFF  }
0xc3: {  	_ =	task.clear_ibuf [dreg:s7], $0x2FFFF;
	_ =	strace $0x9FFFFFFF  }
0xc4: {  	(tm) =	ssettm $0x7FFFFFFF  }
0xc5: {  	_ =	shalt  }
tec
execute0_lowered:
.L_overlay_start_1:
0x0: {  	(tag) =	ssettag $0x1  }
0x1: {  	s0 =	rddreg [dreg:$0x0]  }
0x2: {  	s1 =	rddreg [dreg:$0x1]  }
0x3: {  	s12 =	stileid.u32;
	s3 =	srdreg.scid  }
0x4: {  	s2 =	rddreg [dreg:$0x2];
	s4 =	simm.s32 $0x0;
	s26 =	simm.s32 $0x100  }
0x5: {  	s14 =	simm.s32 $0x500;
	s15 =	simm.s32 $0x2500;
	s16 =	simm.s32 $0x4500  }
0x6: {  	s17 =	simm.s32 $0x180;
	s18 =	simm.s32 $0x6500;
	s19 =	simm.s32 $0x200  }
0x7: {  	s20 =	simm.s32 $0x8500;
	s28 =	simm.s32 $0x4;
	s29 =	simm.s32 $0x400  }
0x8: {  	s30 =	simm.s32 $0x5;
	s31 =	simm.s32 $0x480;
	s5 =	smul.u32 $0x14000, s12  }
0x9: {  	s6 =	sand.u32 $0x1, s3;
	s3 =	rddreg [dreg:$0x3];
	s8 =	smul.u32 $0x2800, s12  }
0xa: {  	[smem:$0x7FF] =	sst s4;
	s13 =	sadd.s32 $0xC600, s0;
	s7 =	smul.u32 $0x28000, s6  }
0xb: {  	s12 =	sshll.u32 s12, $0x6;
	_ =	strace $0x8000004A;
	s10 =	smul.u32 $0x14000, s6  }
0xc: {  	[dreg:$0x8] =	wrdreg s13;
	s6 =	ssub.s32 $0x2, s6;
	s24 =	sor.u32 $0x1C0B, s12  }
0xd: {  	s12 =	simm.s32 $0x280;
	s13 =	simm.s32 $0x80;
	[dreg:$0x7] =	wrdreg s26  }
0xe: {  	s26 =	simm.s32 $0x380;
	s9 =	sshrl.u32 s5, $0x4;
	s22 =	sshrl.u32 s6, $0x1  }
0xf: {  	s5 =	sshrl.u32 s5, $0x1;
	[dreg:$0x9] =	wrdreg s24;
	s7 =	sadd.s32 s8, s7  }
0x10: {  	s21 =	sadd.s32 s9, s0;
	s6 =	ssub.s32 s6, s22;
	s23 =	sadd.s32 s5, s2  }
0x11: {  	s5 =	sadd.s32 s5, s3;
	s22 =	simm.s32 $0x2;
	s7 =	sshrl.u32 s7, $0x3  }
0x12: {  	s8 =	sadd.s32 $0xDA00, s21;
	s6 =	smax.u32 s6, $0x1;
	s25 =	sshrl.u32 s5, $0x3  }
0x13: {  	s21 =	simm.s32 $0x1;
	s5 =	simm.s32 $0x8;
	[dreg:$0xa] =	wrdreg s8  }
0x14: {  	s11 =	sadd.s32 s7, s0;
	s0 =	sadd.s32 s10, s0;
	[dreg:$0xb] =	wrdreg s6  }
0x15: {  	s1 =	sadd.s32 s7, s1;
	s10 =	simm.s32 $0xB;
	[dreg:$0xd] =	wrdreg s25  }
0x16: {  	s25 =	simm.s32 $0x3;
	s7 =	simm.s32 $0x9;
	s8 =	simm.s32 $0xA  }
0x17: {  	s11 =	sadd.s32 $0x1200, s11;
	s0 =	sadd.s32 $0x21A00, s0;
	[dreg:$0x6] =	wrdreg s1  }
0x18: {  	s1 =	simm.s32 $0x6;
	[dreg:$0x5] =	wrdreg s11;
	s0 =	sadd.s32 s9, s0  }
0x19: {  	s11 =	sshrl.u32 s23, $0x3;
	s23 =	simm.s32 $0x300;
	[dreg:$0xe] =	wrdreg s0  }
0x1a: {  	s9 =	simm.s32 $0x0;
	s0 =	simm.s32 $0x7;
	[dreg:$0xc] =	wrdreg s11  }
.LBB2_1:
0x1b: {  	[dreg:$0xf] =	wrdreg s9  }
0x1c: {  	s6 =	rddreg [dreg:$0x8]  }
0x1d: {  	[spmem:s11], [sflag:s24] =	dma.local [hbm:s6], $0x1400  }
0x1e: {  	_ =	swait.ge [sflag:s10], $0x1400  }
0x1f: {  	[sflag:s10] =	ssyncset.done $0x0;
	s9 =	rddreg [dreg:$0xa]  }
0x20: {  	s11 =	rddreg [dreg:$0xd];
	[sflag:s10] =	ssyncadd.s32 $0xFFFFEC00  }
0x21: {  	[spmem:s11], [sflag:s24] =	dma.local [hbm:s9], $0x1400  }
0x22: {  	_ =	swait.ge [sflag:s10], $0x1400  }
0x23: {  	[sflag:s10] =	ssyncset.done $0x0  }
0x24: {  	[sflag:s10] =	ssyncadd.s32 $0xFFFFEC00  }
0x25: {  	[bflag:$0x0] =	sbarrier.arrive $0xFFFF  }
0x26: {  	s9 =	rddreg [dreg:$0x6]  }
0x27: {  	s6 =	sadd.s32 $0x0, s9  }
0x28: {  	[tilespmem:s4], [sflag:$0xB] =	stream.linear.gather [hbm4b:s6+s4], $0x280, $0x38;
	[tilespmem:$0x1E500] =	vst v63  }
0x29: {  	_ =	swait.ge [sflag:s10], $0x280  }
0x2a: {  	s11 =	rddreg [dreg:$0x5];
	[sflag:s10] =	ssyncset.done $0x0  }
0x2b: {  	[sflag:s10] =	ssyncadd.s32 $0xFFFFFD80;
	s6 =	sadd.s32 $0x0, s11  }
0x2c: {  	[tilespmem:s12], [sflag:$0xB] =	stream.linear.gather [hbm4b:s6+s4], $0x280, $0x38;
	[tilespmem:$0x1E500] =	vst v63  }
0x2d: {  	_ =	swait.ge [sflag:s10], $0x280  }
0x2e: {  	[sflag:s10] =	ssyncset.done $0x0  }
0x2f: {  	[sflag:s10] =	ssyncadd.s32 $0xFFFFFD80  }
0x30: {  	[tilespmem:s14], [sflag:$0x1] =	stream.indirect.gather [spmem:s3], $0x40, s4, s13, $0xb8;
	[tilespmem:$0x1E500] =	vst v63  }
0x31: {  	_ = 	snop  }
0x32: {  	[tilespmem:s15], [sflag:$0x2] =	stream.indirect.gather [spmem:s3], $0x40, s13, s13, $0xb8;
	[tilespmem:$0x1E500] =	vst v63  }
0x33: {  	s24 =	rddreg [dreg:$0x7]  }
0x34: {  	[tilespmem:s16], [sflag:$0x3] =	stream.indirect.gather [spmem:s3], $0x40, s24, s13, $0xb8;
	[tilespmem:$0x1E500] =	vst v63  }
0x35: {  	_ = 	snop  }
0x36: {  	[tilespmem:s18], [sflag:$0x4] =	stream.indirect.gather [spmem:s3], $0x40, s17, s13, $0xb8;
	[tilespmem:$0x1E500] =	vst v63  }
0x37: {  	_ = 	snop  }
0x38: {  	[tilespmem:s20], [sflag:$0x5] =	stream.indirect.gather [spmem:s3], $0x40, s19, s13, $0xb8;
	[tilespmem:$0x1E500] =	vst v63  }
0x39: {  	_ =	swait.ge [sflag:s21], $0x2000  }
0x3a: {  	[sflag:s21] =	ssyncset.done $0x0  }
0x3b: {  	[sflag:s21] =	ssyncadd.s32 $0xFFFFE000  }
0x3c: {  	[spmem:s2] =	stream.indirect.scatter.add.bf16 [tilespmem:s14], [sflag:$0x6], $0x40, s12, s13, $0xb8;
	[tilespmem:$0x1E500] =	vst v63  }
0x3d: {  	_ =	swait.ge [sflag:s22], $0x2000  }
0x3e: {  	[sflag:s22] =	ssyncset.done $0x0  }
0x3f: {  	[sflag:s22] =	ssyncadd.s32 $0xFFFFE000  }
0x40: {  	[spmem:s2] =	stream.indirect.scatter.add.bf16 [tilespmem:s15], [sflag:$0x7], $0x40, s23, s13, $0xb8;
	[tilespmem:$0x1E500] =	vst v63  }
0x41: {  	_ =	swait.ge [sflag:s25], $0x2000  }
0x42: {  	[sflag:s25] =	ssyncset.done $0x0  }
0x43: {  	[sflag:s25] =	ssyncadd.s32 $0xFFFFE000  }
0x44: {  	[spmem:s2] =	stream.indirect.scatter.add.bf16 [tilespmem:s16], [sflag:$0x8], $0x40, s26, s13, $0xb8;
	[tilespmem:$0x1E500] =	vst v63  }
0x45: {  	_ =	swait.ge [sflag:s28], $0x2000  }
0x46: {  	[sflag:s28] =	ssyncset.done $0x0  }
0x47: {  	[sflag:s28] =	ssyncadd.s32 $0xFFFFE000  }
0x48: {  	[spmem:s2] =	stream.indirect.scatter.add.bf16 [tilespmem:s18], [sflag:$0x9], $0x40, s29, s13, $0xb8;
	[tilespmem:$0x1E500] =	vst v63  }
0x49: {  	_ =	swait.ge [sflag:s30], $0x2000  }
0x4a: {  	[sflag:s30] =	ssyncset.done $0x0  }
0x4b: {  	[sflag:s30] =	ssyncadd.s32 $0xFFFFE000  }
0x4c: {  	[spmem:s2] =	stream.indirect.scatter.add.bf16 [tilespmem:s20], [sflag:$0xA], $0x40, s31, s13, $0xb8;
	[tilespmem:$0x1E500] =	vst v63  }
0x4d: {  	_ =	swait.ge [sflag:s1], $0x2000  }
0x4e: {  	[sflag:s1] =	ssyncset.done $0x0  }
0x4f: {  	[sflag:s1] =	ssyncadd.s32 $0xFFFFE000  }
0x50: {  	_ =	swait.ge [sflag:s0], $0x2000  }
0x51: {  	[sflag:s0] =	ssyncset.done $0x0  }
0x52: {  	[sflag:s0] =	ssyncadd.s32 $0xFFFFE000  }
0x53: {  	_ =	swait.ge [sflag:s5], $0x2000  }
0x54: {  	[sflag:s5] =	ssyncset.done $0x0  }
0x55: {  	[sflag:s5] =	ssyncadd.s32 $0xFFFFE000  }
0x56: {  	_ =	swait.ge [sflag:s7], $0x2000  }
0x57: {  	[sflag:s7] =	ssyncset.done $0x0  }
0x58: {  	[sflag:s7] =	ssyncadd.s32 $0xFFFFE000  }
0x59: {  	s9 =	simm.s32 $0xA0;
	_ =	swait.ge [sflag:s8], $0x2000  }
0x5a: {  	s24 =	simm.s32 $0x50;
	s6 =	rddreg [dreg:$0x6];
	[sflag:s8] =	ssyncset.done $0x0  }
.LBB2_2:
0x5b: {  	[sflag:s8] =	ssyncadd.s32 $0xFFFFE000;
	s6 =	sadd.s32 s24, s6  }
0x5c: {  	[tilespmem:s4], [sflag:$0xB] =	stream.linear.gather [hbm4b:s6+s4], $0x280, $0x38;
	[tilespmem:$0x1E500] =	vst v63  }
0x5d: {  	_ =	swait.ge [sflag:s10], $0x280  }
0x5e: {  	s6 =	rddreg [dreg:$0x5];
	[sflag:s10] =	ssyncset.done $0x0  }
0x5f: {  	[sflag:s10] =	ssyncadd.s32 $0xFFFFFD80;
	s6 =	sadd.s32 s24, s6  }
0x60: {  	[tilespmem:s12], [sflag:$0xB] =	stream.linear.gather [hbm4b:s6+s4], $0x280, $0x38;
	[tilespmem:$0x1E500] =	vst v63  }
0x61: {  	_ =	swait.ge [sflag:s10], $0x280  }
0x62: {  	[sflag:s10] =	ssyncset.done $0x0  }
0x63: {  	[sflag:s10] =	ssyncadd.s32 $0xFFFFFD80  }
0x64: {  	[tilespmem:s14], [sflag:$0x1] =	stream.indirect.gather [spmem:s3], $0x40, s4, s13, $0xb8;
	[tilespmem:$0x1E500] =	vst v63  }
0x65: {  	s11 =	smov.u32 s9  }
0x66: {  	[tilespmem:s15], [sflag:$0x2] =	stream.indirect.gather [spmem:s3], $0x40, s13, s13, $0xb8;
	[tilespmem:$0x1E500] =	vst v63  }
0x67: {  	s24 =	smov.u32 s11;
	s11 =	rddreg [dreg:$0x7]  }
0x68: {  	[tilespmem:s16], [sflag:$0x3] =	stream.indirect.gather [spmem:s3], $0x40, s11, s13, $0xb8;
	[tilespmem:$0x1E500] =	vst v63  }
0x69: {  	_ = 	snop  }
0x6a: {  	[tilespmem:s18], [sflag:$0x4] =	stream.indirect.gather [spmem:s3], $0x40, s17, s13, $0xb8;
	[tilespmem:$0x1E500] =	vst v63  }
0x6b: {  	_ = 	snop  }
0x6c: {  	[tilespmem:s20], [sflag:$0x5] =	stream.indirect.gather [spmem:s3], $0x40, s19, s13, $0xb8;
	[tilespmem:$0x1E500] =	vst v63  }
0x6d: {  	_ =	swait.ge [sflag:s21], $0x2000  }
0x6e: {  	[sflag:s21] =	ssyncset.done $0x0  }
0x6f: {  	[sflag:s21] =	ssyncadd.s32 $0xFFFFE000  }
0x70: {  	[spmem:s2] =	stream.indirect.scatter.add.bf16 [tilespmem:s14], [sflag:$0x6], $0x40, s12, s13, $0xb8;
	[tilespmem:$0x1E500] =	vst v63  }
0x71: {  	_ =	swait.ge [sflag:s22], $0x2000  }
0x72: {  	[sflag:s22] =	ssyncset.done $0x0  }
0x73: {  	[sflag:s22] =	ssyncadd.s32 $0xFFFFE000  }
0x74: {  	[spmem:s2] =	stream.indirect.scatter.add.bf16 [tilespmem:s15], [sflag:$0x7], $0x40, s23, s13, $0xb8;
	[tilespmem:$0x1E500] =	vst v63  }
0x75: {  	_ =	swait.ge [sflag:s25], $0x2000  }
0x76: {  	[sflag:s25] =	ssyncset.done $0x0  }
0x77: {  	[sflag:s25] =	ssyncadd.s32 $0xFFFFE000  }
0x78: {  	[spmem:s2] =	stream.indirect.scatter.add.bf16 [tilespmem:s16], [sflag:$0x8], $0x40, s26, s13, $0xb8;
	[tilespmem:$0x1E500] =	vst v63  }
0x79: {  	_ =	swait.ge [sflag:s28], $0x2000  }
0x7a: {  	[sflag:s28] =	ssyncset.done $0x0  }
0x7b: {  	[sflag:s28] =	ssyncadd.s32 $0xFFFFE000  }
0x7c: {  	[spmem:s2] =	stream.indirect.scatter.add.bf16 [tilespmem:s18], [sflag:$0x9], $0x40, s29, s13, $0xb8;
	[tilespmem:$0x1E500] =	vst v63  }
0x7d: {  	_ =	swait.ge [sflag:s30], $0x2000  }
0x7e: {  	[sflag:s30] =	ssyncset.done $0x0  }
0x7f: {  	[sflag:s30] =	ssyncadd.s32 $0xFFFFE000  }
0x80: {  	[spmem:s2] =	stream.indirect.scatter.add.bf16 [tilespmem:s20], [sflag:$0xA], $0x40, s31, s13, $0xb8;
	[tilespmem:$0x1E500] =	vst v63  }
0x81: {  	_ =	swait.ge [sflag:s1], $0x2000  }
0x82: {  	[sflag:s1] =	ssyncset.done $0x0  }
0x83: {  	[sflag:s1] =	ssyncadd.s32 $0xFFFFE000  }
0x84: {  	_ =	swait.ge [sflag:s0], $0x2000  }
0x85: {  	[sflag:s0] =	ssyncset.done $0x0  }
0x86: {  	[sflag:s0] =	ssyncadd.s32 $0xFFFFE000  }
0x87: {  	_ =	swait.ge [sflag:s5], $0x2000  }
0x88: {  	[sflag:s5] =	ssyncset.done $0x0  }
0x89: {  	p0 =	sne.s32 s9, $0x4B0;
	[sflag:s5] =	ssyncadd.s32 $0xFFFFE000  }
.Ltmp0:
0x8a: {  	_ =	swait.ge [sflag:s7], $0x2000;
	(pc) =	sbr.rel @p0 .LBB2_2-.Ltmp0, $4  }
0x8b: {  	[sflag:s7] =	ssyncset.done $0x0  }
0x8c: {  	[sflag:s7] =	ssyncadd.s32 $0xFFFFE000  }
0x8d: {  	_ =	swait.ge [sflag:s8], $0x2000  }
0x8e: {  	s9 =	sadd.s32 $0x50, s9;
	s6 =	rddreg [dreg:$0x6];
	[sflag:s8] =	ssyncset.done $0x0  }
0x8f: {  	[sflag:s8] =	ssyncadd.s32 $0xFFFFE000;
	s6 =	sadd.s32 s24, s6  }
0x90: {  	[tilespmem:s4], [sflag:$0xB] =	stream.linear.gather [hbm4b:s6+s4], $0x280, $0x38;
	[tilespmem:$0x1E500] =	vst v63  }
0x91: {  	_ =	swait.ge [sflag:s10], $0x280  }
0x92: {  	s11 =	rddreg [dreg:$0x5];
	[sflag:s10] =	ssyncset.done $0x0  }
0x93: {  	s6 =	sadd.s32 s24, s11;
	[sflag:s10] =	ssyncadd.s32 $0xFFFFFD80  }
0x94: {  	[tilespmem:s12], [sflag:$0xB] =	stream.linear.gather [hbm4b:s6+s4], $0x280, $0x38;
	[tilespmem:$0x1E500] =	vst v63  }
0x95: {  	_ =	swait.ge [sflag:s10], $0x280  }
0x96: {  	[sflag:s10] =	ssyncset.done $0x0  }
0x97: {  	[sflag:s10] =	ssyncadd.s32 $0xFFFFFD80  }
0x98: {  	[tilespmem:s14], [sflag:$0x1] =	stream.indirect.gather [spmem:s3], $0x40, s4, s13, $0xb8;
	[tilespmem:$0x1E500] =	vst v63  }
0x99: {  	_ = 	snop  }
0x9a: {  	[tilespmem:s15], [sflag:$0x2] =	stream.indirect.gather [spmem:s3], $0x40, s13, s13, $0xb8;
	[tilespmem:$0x1E500] =	vst v63  }
0x9b: {  	s24 =	rddreg [dreg:$0x7]  }
0x9c: {  	[tilespmem:s16], [sflag:$0x3] =	stream.indirect.gather [spmem:s3], $0x40, s24, s13, $0xb8;
	[tilespmem:$0x1E500] =	vst v63  }
0x9d: {  	_ = 	snop  }
0x9e: {  	[tilespmem:s18], [sflag:$0x4] =	stream.indirect.gather [spmem:s3], $0x40, s17, s13, $0xb8;
	[tilespmem:$0x1E500] =	vst v63  }
0x9f: {  	_ = 	snop  }
0xa0: {  	[tilespmem:s20], [sflag:$0x5] =	stream.indirect.gather [spmem:s3], $0x40, s19, s13, $0xb8;
	[tilespmem:$0x1E500] =	vst v63  }
0xa1: {  	_ =	swait.ge [sflag:s21], $0x2000  }
0xa2: {  	[sflag:s21] =	ssyncset.done $0x0  }
0xa3: {  	[sflag:s21] =	ssyncadd.s32 $0xFFFFE000  }
0xa4: {  	[spmem:s2] =	stream.indirect.scatter.add.bf16 [tilespmem:s14], [sflag:$0x6], $0x40, s12, s13, $0xb8;
	[tilespmem:$0x1E500] =	vst v63  }
0xa5: {  	_ =	swait.ge [sflag:s22], $0x2000  }
0xa6: {  	[sflag:s22] =	ssyncset.done $0x0  }
0xa7: {  	[sflag:s22] =	ssyncadd.s32 $0xFFFFE000  }
0xa8: {  	[spmem:s2] =	stream.indirect.scatter.add.bf16 [tilespmem:s15], [sflag:$0x7], $0x40, s23, s13, $0xb8;
	[tilespmem:$0x1E500] =	vst v63  }
0xa9: {  	_ =	swait.ge [sflag:s25], $0x2000  }
0xaa: {  	[sflag:s25] =	ssyncset.done $0x0  }
0xab: {  	[sflag:s25] =	ssyncadd.s32 $0xFFFFE000  }
0xac: {  	[spmem:s2] =	stream.indirect.scatter.add.bf16 [tilespmem:s16], [sflag:$0x8], $0x40, s26, s13, $0xb8;
	[tilespmem:$0x1E500] =	vst v63  }
0xad: {  	_ =	swait.ge [sflag:s28], $0x2000  }
0xae: {  	[sflag:s28] =	ssyncset.done $0x0  }
0xaf: {  	[sflag:s28] =	ssyncadd.s32 $0xFFFFE000  }
0xb0: {  	[spmem:s2] =	stream.indirect.scatter.add.bf16 [tilespmem:s18], [sflag:$0x9], $0x40, s29, s13, $0xb8;
	[tilespmem:$0x1E500] =	vst v63  }
0xb1: {  	_ =	swait.ge [sflag:s30], $0x2000  }
0xb2: {  	[sflag:s30] =	ssyncset.done $0x0  }
0xb3: {  	[sflag:s30] =	ssyncadd.s32 $0xFFFFE000  }
0xb4: {  	[spmem:s2] =	stream.indirect.scatter.add.bf16 [tilespmem:s20], [sflag:$0xA], $0x40, s31, s13, $0xb8;
	[tilespmem:$0x1E500] =	vst v63  }
0xb5: {  	_ =	swait.ge [sflag:s1], $0x2000  }
0xb6: {  	[sflag:s1] =	ssyncset.done $0x0  }
0xb7: {  	[sflag:s1] =	ssyncadd.s32 $0xFFFFE000  }
0xb8: {  	_ =	swait.ge [sflag:s0], $0x2000  }
0xb9: {  	[sflag:s0] =	ssyncset.done $0x0  }
0xba: {  	[sflag:s0] =	ssyncadd.s32 $0xFFFFE000  }
0xbb: {  	_ =	swait.ge [sflag:s5], $0x2000  }
0xbc: {  	[sflag:s5] =	ssyncset.done $0x0  }
0xbd: {  	[sflag:s5] =	ssyncadd.s32 $0xFFFFE000  }
0xbe: {  	_ =	swait.ge [sflag:s7], $0x2000  }
0xbf: {  	[sflag:s7] =	ssyncset.done $0x0  }
0xc0: {  	[sflag:s7] =	ssyncadd.s32 $0xFFFFE000  }
0xc1: {  	_ =	swait.ge [sflag:s8], $0x2000  }
0xc2: {  	[sflag:s8] =	ssyncset.done $0x0  }
0xc3: {  	[sflag:s8] =	ssyncadd.s32 $0xFFFFE000  }
0xc4: {  	[bflag:$0x0] =	sbarrier.arrive $0xFFFF  }
0xc5: {  	s24 =	rddreg [dreg:$0x9]  }
0xc6: {  	s11 =	rddreg [dreg:$0xc]  }
0xc7: {  	s9 =	rddreg [dreg:$0xe]  }
0xc8: {  	[hbm:s9], [sflag:s24] =	dma.local [spmem:s11], $0x1400  }
0xc9: {  	_ =	swait.ge [sflag:s10], $0x1400  }
0xca: {  	s9 =	rddreg [dreg:$0xf]  }
0xcb: {  	s6 =	rddreg [dreg:$0xb];
	s9 =	sadd.s32 $0x1, s9  }
0xcc: {  	p0 =	sne.s32 s9, s6  }
.Ltmp1:
0xcd: {  	_ = 	snop;
	(pc) =	sbr.rel @p0 .LBB2_1-.Ltmp1, $3  }
0xce: {  	_ =	sdelay $0x1  }
0xcf: {  	[sflag:s10] =	ssyncset.done $0x0  }
0xd0: {  	[sflag:s10] =	ssyncadd.s32 $0xFFFFEC00  }
0xd1: {  	_ =	sfence.sel $0x180000  }
0xd2: {  	[bflag:$0x0] =	sbarrier.arrive $0xFFFF  }
0xd3: {  	_ =	strace $0x9000004A  }
0xd4: {  	s0 =	stileid.u32;
	[bflag:$0x2] =	sbarrier.arrive $0xFFFF  }
0xd5: {  	p0 =	sne.s32 s0, $0x0;
	s0 =	rddreg [dreg:$0x4]  }
0xd6: {  	s0 =	sadd.s32 @!p0 $0x100000, s0  }
0xd7: {  	[sflag:s0] =	ssyncadd.tile.s32 @!p0 $0x1;
	_ =	shalt  }
.Lfunc_end2:
_tile_overlayer_lowered:
.L_overlay_start_2:
0xd8: {  	(tag) =	ssettag $0x2  }
0xd9: {  	s0 =	rddreg [dreg:$0x0];
	s2 =	stileid.u32  }
0xda: {  	s1 =	rddreg [dreg:$0x1];
	p0 =	sne.s32 s2, $0x0  }
0xdb: {  	s3 =	rddreg [dreg:$0x2];
	[bflag:$0x3] =	sbarrier.arrive $0xFFFF;
	s2 =	simm.s32 @!p0 $0x1C0B  }
0xdc: {  	[timem:s3], [sflag:s2] =	dma.local @!p0 [hbm:s0], s1  }
0xdd: {  	s0 =	simm.s32 @!p0 $0xB  }
0xde: {  	_ =	swait.ge @!p0 [sflag:s0], s1  }
0xdf: {  	s1 =	ssub.s32 @!p0 $0x0, s1;
	[sflag:s0] =	ssyncset.done @!p0 $0x0  }
0xe0: {  	[sflag:s0] =	ssyncadd.s32 @!p0 s1  }
0xe1: {  	[bflag:$0x3] =	sbarrier.arrive $0xFFFF  }
0xe2: {  	_ =	shalt  }

// kernel: kernel.14.cloned.1.call-start
scs
__scs_entry_jumppad:
0x0: {  	(pc) =	sbr.rel $0x88, $3  }
0x1: {  	(tag) =	ssettag $0x0;
	lr =	simm.s32 $0x1  }
0x2: {  	[smem:$0x3F9D] =	sst lr;
	_ =	strace $0xD0000000  }
0x3: {  	_ = 	snop  }
0x4: {  	_ = 	snop  }
0x5: {  	_ = 	snop  }
0x6: {  	_ = 	snop  }
0x7: {  	_ = 	snop  }
__scs_overlays_trampoline_lowered:
0x8: {  	[smem:$0x3FAC] =	sst s0  }
0x9: {  	[smem:$0x3FAD] =	sst s1  }
0xa: {  	[smem:$0x3FAE] =	sst s2  }
0xb: {  	[smem:$0x3FAF] =	sst s3  }
0xc: {  	[smem:$0x3FB0] =	sst s4  }
0xd: {  	[smem:$0x3FB1] =	sst s5  }
0xe: {  	[smem:$0x3FB2] =	sst s6  }
0xf: {  	[smem:$0x3FB3] =	sst s7  }
0x10: {  	[smem:$0x3FB4] =	sst s8  }
0x11: {  	[smem:$0x3FB5] =	sst s9;
	s0 =	simm.s32 @!p0 $0x0  }
0x12: {  	s1 =	sld [smem:$0x3F9B];
	s0 =	simm.s32 @p0 $0x1  }
0x13: {  	[smem:$0x3FB6] =	sst s0;
	s0 =	simm.s32 @!p1 $0x0  }
0x14: {  	s2 =	sld [smem:$0x3F9A];
	s0 =	simm.s32 @p1 $0x1  }
0x15: {  	[smem:$0x3FB7] =	sst s0;
	s0 =	simm.s32 @!p2 $0x0  }
0x16: {  	s3 =	sld [smem:$0x3FDB];
	s0 =	simm.s32 @p2 $0x1  }
0x17: {  	s4 =	simm.s32 $0x1BF5;
	[smem:$0x3FB9] =	sst s0  }
0x18: {  	s0 =	sld [smem:$0x3F9C];
	_ =	swait.ge [sflag:s4], $0x0  }
0x19: {  	s7 =	sld [smem:$0x3F9D]  }
0x1a: {  	s8 =	sadd.s32 $0xFFFFE003, lr  }
0x1b: {  	s9 =	sadd.s32 $0xFFFFFEF7, lr;
	s5 =	simm.s32 $0xFFFFFFFF;
	p2 =	slt.u32 s8, $0xFFFFF086  }
0x1c: {  	p1 =	slt.u32 s9, $0xF7A;
	s5 =	simm.s32 @!p2 $0x0  }
0x1d: {  	s5 =	simm.s32 @p1 $0x1;
	p0 =	seq.s32 s7, s2  }
0x1e: {  	s7 =	smul.u32 @!p0 $0xF7A, s2;
	p2 =	seq.s32 @!p0 s5, $0x0  }
0x1f: {  	s9 =	smul.u32 $0xF7A, s1;
	s8 =	simm.s32 @!p0 $0x1BF5;
	p2 =	por !p2, p0  }
0x20: {  	[sflag:s8] =	ssyncset.s32 @!p0 $0xFFFFF086;
	s6 =	sadd.s32 @!p0 s3, s7;
	s7 =	simm.s32 @!p0 $0x108  }
0x21: {  	s3 =	sadd.s32 s3, s9;
	s6 =	sadd.s32 @!p0 $0x88, s6;
	s7 =	simm.s32 @p2 $0x1082  }
0x22: {  	[simem:s7], [sflag:s8] =	dma.local @!p0 [hbm:s6], $0xF7A  }
0x23: {  	s9 =	sor.u32 $0xD0000000, s2;
	s6 =	simm.s32 $0x108;
	_ =	swait.ge @!p0 [sflag:s8], $0x0  }
0x24: {  	s3 =	sadd.s32 $0x88, s3;
	s6 =	simm.s32 @!p1 $0x1082;
	[sflag:s4] =	ssyncset.s32 $0xFFFFF086  }
0x25: {  	[simem:s6], [sflag:s4] =	dma.local [hbm:s3], $0xF7A  }
0x26: {  	[smem:$0x3F9D] =	sst s1;
	(tag) =	ssettag s2;
	_ =	strace s9  }
0x27: {  	s1 =	sld [smem:$0x3FAD]  }
0x28: {  	s2 =	sld [smem:$0x3FAE]  }
0x29: {  	s4 =	sld [smem:$0x3FB0]  }
0x2a: {  	p0 =	seq.s32 s5, $0x0;
	s5 =	sld [smem:$0x3FB1]  }
0x2b: {  	s6 =	sld [smem:$0x3FB2]  }
0x2c: {  	s7 =	sld [smem:$0x3FB3]  }
0x2d: {  	s3 =	simm.s32 $0x108;
	s8 =	sld [smem:$0x3FB4]  }
0x2e: {  	s3 =	simm.s32 @!p0 $0x1082;
	s9 =	sld [smem:$0x3FB5]  }
0x2f: {  	lr =	sadd.s32 s0, s3;
	s0 =	sld [smem:$0x3FAC]  }
0x30: {  	s3 =	sld [smem:$0x3FAF]  }
0x31: {  	[smem:$0x3FB8] =	sst s10  }
0x32: {  	s10 =	sld [smem:$0x3FB6];
	_ =	sdelay $0x3  }
0x33: {  	p0 =	seq.s32 s10, $0x1;
	s10 =	sld [smem:$0x3FB8];
	_ =	sdelay $0x3  }
0x34: {  	[smem:$0x3FB8] =	sst s10  }
0x35: {  	s10 =	sld [smem:$0x3FB7];
	_ =	sdelay $0x3  }
0x36: {  	p1 =	seq.s32 s10, $0x1;
	s10 =	sld [smem:$0x3FB8];
	_ =	sdelay $0x3  }
0x37: {  	[smem:$0x3FB8] =	sst s10  }
0x38: {  	s10 =	sld [smem:$0x3FB9]  }
0x39: {  	_ = 	snop;
	(pc) =	sbr.ind lr, $3  }
0x3a: {  	_ = 	snop  }
0x3b: {  	_ = 	snop  }
0x3c: {  	p2 =	seq.s32 s10, $0x1;
	s10 =	sld [smem:$0x3FB8]  }
0x3d: {  	_ =	shalt  }
0x3e: {  	_ =	shalt  }
0x3f: {  	_ =	shalt  }
0x40: {  	_ =	shalt  }
0x41: {  	_ =	shalt  }
0x42: {  	_ =	shalt  }
0x43: {  	_ =	shalt  }
0x44: {  	_ =	shalt  }
0x45: {  	_ =	shalt  }
0x46: {  	_ =	shalt  }
0x47: {  	_ =	shalt  }
0x48: {  	_ =	shalt  }
0x49: {  	_ =	shalt  }
0x4a: {  	_ =	shalt  }
0x4b: {  	_ =	shalt  }
0x4c: {  	_ =	shalt  }
0x4d: {  	_ =	shalt  }
0x4e: {  	_ =	shalt  }
0x4f: {  	_ =	shalt  }
0x50: {  	_ =	shalt  }
0x51: {  	_ =	shalt  }
0x52: {  	_ =	shalt  }
0x53: {  	_ =	shalt  }
0x54: {  	_ =	shalt  }
0x55: {  	_ =	shalt  }
0x56: {  	_ =	shalt  }
0x57: {  	_ =	shalt  }
0x58: {  	_ =	shalt  }
0x59: {  	_ =	shalt  }
0x5a: {  	_ =	shalt  }
0x5b: {  	_ =	shalt  }
0x5c: {  	_ =	shalt  }
0x5d: {  	_ =	shalt  }
0x5e: {  	_ =	shalt  }
0x5f: {  	_ =	shalt  }
0x60: {  	_ =	shalt  }
0x61: {  	_ =	shalt  }
0x62: {  	_ =	shalt  }
0x63: {  	_ =	shalt  }
0x64: {  	_ =	shalt  }
0x65: {  	_ =	shalt  }
0x66: {  	_ =	shalt  }
0x67: {  	_ =	shalt  }
0x68: {  	_ =	shalt  }
0x69: {  	_ =	shalt  }
0x6a: {  	_ =	shalt  }
0x6b: {  	_ =	shalt  }
0x6c: {  	_ =	shalt  }
0x6d: {  	_ =	shalt  }
0x6e: {  	_ =	shalt  }
0x6f: {  	_ =	shalt  }
0x70: {  	_ =	shalt  }
0x71: {  	_ =	shalt  }
0x72: {  	_ =	shalt  }
0x73: {  	_ =	shalt  }
0x74: {  	_ =	shalt  }
0x75: {  	_ =	shalt  }
0x76: {  	_ =	shalt  }
0x77: {  	_ =	shalt  }
0x78: {  	_ =	shalt  }
0x79: {  	_ =	shalt  }
0x7a: {  	_ =	shalt  }
0x7b: {  	_ =	shalt  }
0x7c: {  	_ =	shalt  }
0x7d: {  	_ =	shalt  }
0x7e: {  	_ =	shalt  }
0x7f: {  	_ =	shalt  }
0x80: {  	_ =	shalt  }
0x81: {  	_ =	shalt  }
0x82: {  	_ =	shalt  }
0x83: {  	_ =	shalt  }
0x84: {  	_ =	shalt  }
0x85: {  	_ =	shalt  }
0x86: {  	_ =	shalt  }
0x87: {  	_ =	shalt  }
.Lfunc_end0:
.L_simem_size_0:
called_computation.2_lowered:
.L_overlay_start_0:
0x88: {  	s2 =	sld [smem:$0x3FD9]  }
0x89: {  	s3 =	sld [smem:$0x3FFE];
	_ =	sdelay $0x1  }
0x8a: {  	s1 =	srdreg.scid  }
0x8b: {  	s0 =	sand.u32 $0x1, s1  }
0x8c: {  	s17 =	sshll.u32 s0, $0xA;
	s2 =	sadd.s32 s3, s2  }
0x8d: {  	s2 =	sadd.s32 s2, s17  }
0x8e: {  	[smem:$0x3FC4] =	sst s2  }
0x8f: {  	_ = 	snop  }
0x90: {  	s2 =	sld [smem:$0x3FD0];
	(tm) =	ssettm $0x1  }
0x91: {  	s18 =	sld [smem:$0x3FFB];
	_ =	sdelay $0x3  }
0x92: {  	_ =	strace s18  }
0x93: {  	s3 =	sld [smem:$0x3FFC];
	_ =	sdelay $0x3  }
0x94: {  	_ =	strace s3  }
0x95: {  	s3 =	sld [smem:$0x3FFD];
	_ =	sdelay $0x3  }
0x96: {  	_ =	strace s3  }
0x97: {  	_ =	strace $0x8FFFFFFF  }
0x98: {  	s19 =	sld [smem:$0x3FDB];
	_ =	sdelay $0x1  }
0x99: {  	s4 =	simm.s32 $_scs_section_size  }
0x9a: {  	s5 =	simm.s32 $_size__tile_overlayer_lowered;
	s6 =	simm.s32 $_tile_overlayer_lowered  }
0x9b: {  	s22 =	simm.s32 $0x1BFF;
	s21 =	sshll.u32 s6, $0x1;
	s3 =	sadd.s32 s4, s19  }
0x9c: {  	s7 =	simm.s32 $0x0;
	s20 =	sshll.u32 s5, $0x1;
	s5 =	sadd.s32 s21, s3  }
0x9d: {  	[timem:s7], [sflag:s22] =	dma.local [hbm:s5], s20  }
0x9e: {  	_ =	swait.ge [sflag:s22], s20  }
0x9f: {  	s4 =	ssub.s32 $0x0, s20;
	[sflag:s22] =	ssyncset.done $0x0  }
0xa0: {  	[sflag:s22] =	ssyncadd.s32 s4;
	_ =	sdelay $0x1  }
0xa1: {  	s23 =	simm.s32 $0x1B8B  }
0xa2: {  	_ =	swait.ge [sflag:s23], $0x1  }
0xa3: {  	[sflag:s23] =	ssyncset.done $0x0  }
0xa4: {  	s25 =	simm.s32 $0x1B8E;
	s24 =	sld [smem:$0x3FFE];
	[sflag:s23] =	ssyncadd.s32 $0xFFFFFFFF  }
0xa5: {  	s26 =	simm.s32 $execute0_lowered;
	[smem:$0x3FD2] =	sst s25  }
0xa6: {  	s5 =	sshll.u32 s26, $0x1;
	_ =	strace $0x8000004C;
	[dreg:$0x1] =	wrdreg $0xFFFFFFFF  }
0xa7: {  	s28 =	simm.s32 $_size_execute0_lowered;
	s3 =	sadd.s32 s3, s5;
	[dreg:$0x0] =	wrdreg $0x0  }
0xa8: {  	s5 =	sshll.u32 s28, $0x1;
	[dreg:$0x2] =	wrdreg s3  }
0xa9: {  	[dreg:$0x3] =	wrdreg s5  }
0xaa: {  	[dreg:$0x4] =	wrdreg $0xC0  }
0xab: {  	_ =	task [dreg:s7], $0x5FFFF  }
0xac: {  	[dreg:$0x1] =	wrdreg $0xFFFFFFFF  }
0xad: {  	[dreg:$0x0] =	wrdreg $0x60  }
0xae: {  	[dreg:$0x2] =	wrdreg s24  }
0xaf: {  	[dreg:$0x3] =	wrdreg s2  }
0xb0: {  	[dreg:$0x4] =	wrdreg $0x41000  }
0xb1: {  	[dreg:$0x5] =	wrdreg $0x7D000  }
0xb2: {  	[dreg:$0x6] =	wrdreg $0x9  }
0xb3: {  	_ =	task.clear_ibuf [dreg:s7], $0x7FFFF;
	_ =	strace $0x9000004C  }
0xb4: {  	s29 =	simm.s32 $0x9;
	_ =	strace $0x8000004E  }
0xb5: {  	_ =	swait.ge [sflag:s29], $0x1  }
0xb6: {  	[sflag:s29] =	ssyncadd.s32 $0xFFFFFFFF  }
0xb7: {  	_ =	strace $0x9000004E  }
0xb8: {  	_ =	sfence  }
0xb9: {  	s30 =	sld [smem:$0x0];
	_ =	sdelay $0x2  }
0xba: {  	s31 =	sshll.u32 s1, $0xD;
	s1 =	sshrl.u32 s1, $0x2  }
0xbb: {  	s3 =	sand.u32 $0x4000, s31;
	s1 =	sadd.s32 s1, s30  }
0xbc: {  	s0 =	sor.u32 s3, s0;
	s1 =	sshll.u32 s1, $0x11  }
0xbd: {  	s0 =	sor.u32 s1, s0  }
0xbe: {  	s0 =	sadd.s32 $0x8F2B, s0  }
0xbf: {  	[sflag:s0] =	ssyncadd.remote.s32 $0x1  }
0xc0: {  	_ =	sfence.sel $0xFFFF  }
0xc1: {  	[dreg:$0x0] =	wrdreg $0xFFFFFFFF;
	(pc) =	sbr.abs _section_cstart, $3  }
0xc2: {  	[dreg:$0x1] =	wrdreg $0xFFFFFFFF  }
0xc3: {  	_ =	task.clear_ibuf [dreg:s7], $0x2FFFF;
	_ =	strace $0x9FFFFFFF  }
0xc4: {  	(tm) =	ssettm $0x7FFFFFFF  }
0xc5: {  	_ =	shalt  }
tec
execute0_lowered:
.L_overlay_start_1:
0x0: {  	(tag) =	ssettag $0x1  }
0x1: {  	s0 =	rddreg [dreg:$0x0]  }
0x2: {  	s1 =	rddreg [dreg:$0x1]  }
0x3: {  	s12 =	stileid.u32;
	s3 =	srdreg.scid  }
0x4: {  	s2 =	rddreg [dreg:$0x2];
	s4 =	simm.s32 $0x0;
	s26 =	simm.s32 $0x100  }
0x5: {  	s14 =	simm.s32 $0x500;
	s15 =	simm.s32 $0x1100;
	s16 =	simm.s32 $0x1D00  }
0x6: {  	s17 =	simm.s32 $0x180;
	s18 =	simm.s32 $0x2900;
	s19 =	simm.s32 $0x200  }
0x7: {  	s20 =	simm.s32 $0x3500;
	s28 =	simm.s32 $0x4;
	s29 =	simm.s32 $0x400  }
0x8: {  	s30 =	simm.s32 $0x5;
	s31 =	simm.s32 $0x480;
	s5 =	smul.u32 $0x7800, s12  }
0x9: {  	s6 =	sand.u32 $0x1, s3;
	s3 =	rddreg [dreg:$0x3];
	s8 =	smul.u32 $0x2800, s12  }
0xa: {  	[smem:$0x7FF] =	sst s4;
	s13 =	sadd.s32 $0xB200, s0;
	s7 =	smul.u32 $0x28000, s6  }
0xb: {  	s12 =	sshll.u32 s12, $0x6;
	_ =	strace $0x8000004D;
	s10 =	smul.u32 $0x7800, s6  }
0xc: {  	[dreg:$0x8] =	wrdreg s13;
	s6 =	ssub.s32 $0x2, s6;
	s24 =	sor.u32 $0x1C0B, s12  }
0xd: {  	s12 =	simm.s32 $0x280;
	s13 =	simm.s32 $0x80;
	[dreg:$0x7] =	wrdreg s26  }
0xe: {  	s26 =	simm.s32 $0x380;
	s9 =	sshrl.u32 s5, $0x4;
	s22 =	sshrl.u32 s6, $0x1  }
0xf: {  	s5 =	sshrl.u32 s5, $0x1;
	[dreg:$0x9] =	wrdreg s24;
	s7 =	sadd.s32 s8, s7  }
0x10: {  	s21 =	sadd.s32 s9, s0;
	s6 =	ssub.s32 s6, s22;
	s23 =	sadd.s32 s5, s2  }
0x11: {  	s5 =	sadd.s32 s5, s3;
	s22 =	simm.s32 $0x2;
	s7 =	sshrl.u32 s7, $0x3  }
0x12: {  	s8 =	sadd.s32 $0xBA00, s21;
	s6 =	smax.u32 s6, $0x1;
	s25 =	sshrl.u32 s5, $0x3  }
0x13: {  	s21 =	simm.s32 $0x1;
	s5 =	simm.s32 $0x8;
	[dreg:$0xa] =	wrdreg s8  }
0x14: {  	s11 =	sadd.s32 s7, s0;
	s0 =	sadd.s32 s10, s0;
	[dreg:$0xb] =	wrdreg s6  }
0x15: {  	s1 =	sadd.s32 s7, s1;
	s10 =	simm.s32 $0xB;
	[dreg:$0xd] =	wrdreg s25  }
0x16: {  	s25 =	simm.s32 $0x3;
	s7 =	simm.s32 $0x9;
	s8 =	simm.s32 $0xA  }
0x17: {  	s11 =	sadd.s32 $0x1200, s11;
	s0 =	sadd.s32 $0x13200, s0;
	[dreg:$0x6] =	wrdreg s1  }
0x18: {  	s1 =	simm.s32 $0x6;
	[dreg:$0x5] =	wrdreg s11;
	s0 =	sadd.s32 s9, s0  }
0x19: {  	s11 =	sshrl.u32 s23, $0x3;
	s23 =	simm.s32 $0x300;
	[dreg:$0xe] =	wrdreg s0  }
0x1a: {  	s9 =	simm.s32 $0x0;
	s0 =	simm.s32 $0x7;
	[dreg:$0xc] =	wrdreg s11  }
.LBB2_1:
0x1b: {  	[dreg:$0xf] =	wrdreg s9  }
0x1c: {  	s6 =	rddreg [dreg:$0x8]  }
0x1d: {  	[spmem:s11], [sflag:s24] =	dma.local [hbm:s6], $0x780  }
0x1e: {  	_ =	swait.ge [sflag:s10], $0x780  }
0x1f: {  	[sflag:s10] =	ssyncset.done $0x0;
	s9 =	rddreg [dreg:$0xa]  }
0x20: {  	s11 =	rddreg [dreg:$0xd];
	[sflag:s10] =	ssyncadd.s32 $0xFFFFF880  }
0x21: {  	[spmem:s11], [sflag:s24] =	dma.local [hbm:s9], $0x780  }
0x22: {  	_ =	swait.ge [sflag:s10], $0x780  }
0x23: {  	[sflag:s10] =	ssyncset.done $0x0  }
0x24: {  	[sflag:s10] =	ssyncadd.s32 $0xFFFFF880  }
0x25: {  	[bflag:$0x0] =	sbarrier.arrive $0xFFFF  }
0x26: {  	s9 =	rddreg [dreg:$0x6]  }
0x27: {  	s6 =	sadd.s32 $0x0, s9  }
0x28: {  	[tilespmem:s4], [sflag:$0xB] =	stream.linear.gather [hbm4b:s6+s4], $0x280, $0x38;
	[tilespmem:$0xB900] =	vst v63  }
0x29: {  	_ =	swait.ge [sflag:s10], $0x280  }
0x2a: {  	s11 =	rddreg [dreg:$0x5];
	[sflag:s10] =	ssyncset.done $0x0  }
0x2b: {  	[sflag:s10] =	ssyncadd.s32 $0xFFFFFD80;
	s6 =	sadd.s32 $0x0, s11  }
0x2c: {  	[tilespmem:s12], [sflag:$0xB] =	stream.linear.gather [hbm4b:s6+s4], $0x280, $0x38;
	[tilespmem:$0xB900] =	vst v63  }
0x2d: {  	_ =	swait.ge [sflag:s10], $0x280  }
0x2e: {  	[sflag:s10] =	ssyncset.done $0x0  }
0x2f: {  	[sflag:s10] =	ssyncadd.s32 $0xFFFFFD80  }
0x30: {  	[tilespmem:s14], [sflag:$0x1] =	stream.indirect.gather [spmem:s3], $0x18, s4, s13, $0xb8;
	[tilespmem:$0xB900] =	vst v63  }
0x31: {  	_ = 	snop  }
0x32: {  	[tilespmem:s15], [sflag:$0x2] =	stream.indirect.gather [spmem:s3], $0x18, s13, s13, $0xb8;
	[tilespmem:$0xB900] =	vst v63  }
0x33: {  	s24 =	rddreg [dreg:$0x7]  }
0x34: {  	[tilespmem:s16], [sflag:$0x3] =	stream.indirect.gather [spmem:s3], $0x18, s24, s13, $0xb8;
	[tilespmem:$0xB900] =	vst v63  }
0x35: {  	_ = 	snop  }
0x36: {  	[tilespmem:s18], [sflag:$0x4] =	stream.indirect.gather [spmem:s3], $0x18, s17, s13, $0xb8;
	[tilespmem:$0xB900] =	vst v63  }
0x37: {  	_ = 	snop  }
0x38: {  	[tilespmem:s20], [sflag:$0x5] =	stream.indirect.gather [spmem:s3], $0x18, s19, s13, $0xb8;
	[tilespmem:$0xB900] =	vst v63  }
0x39: {  	_ =	swait.ge [sflag:s21], $0xC00  }
0x3a: {  	[sflag:s21] =	ssyncset.done $0x0  }
0x3b: {  	[sflag:s21] =	ssyncadd.s32 $0xFFFFF400  }
0x3c: {  	[spmem:s2] =	stream.indirect.scatter.add.bf16 [tilespmem:s14], [sflag:$0x6], $0x18, s12, s13, $0xb8;
	[tilespmem:$0xB900] =	vst v63  }
0x3d: {  	_ =	swait.ge [sflag:s22], $0xC00  }
0x3e: {  	[sflag:s22] =	ssyncset.done $0x0  }
0x3f: {  	[sflag:s22] =	ssyncadd.s32 $0xFFFFF400  }
0x40: {  	[spmem:s2] =	stream.indirect.scatter.add.bf16 [tilespmem:s15], [sflag:$0x7], $0x18, s23, s13, $0xb8;
	[tilespmem:$0xB900] =	vst v63  }
0x41: {  	_ =	swait.ge [sflag:s25], $0xC00  }
0x42: {  	[sflag:s25] =	ssyncset.done $0x0  }
0x43: {  	[sflag:s25] =	ssyncadd.s32 $0xFFFFF400  }
0x44: {  	[spmem:s2] =	stream.indirect.scatter.add.bf16 [tilespmem:s16], [sflag:$0x8], $0x18, s26, s13, $0xb8;
	[tilespmem:$0xB900] =	vst v63  }
0x45: {  	_ =	swait.ge [sflag:s28], $0xC00  }
0x46: {  	[sflag:s28] =	ssyncset.done $0x0  }
0x47: {  	[sflag:s28] =	ssyncadd.s32 $0xFFFFF400  }
0x48: {  	[spmem:s2] =	stream.indirect.scatter.add.bf16 [tilespmem:s18], [sflag:$0x9], $0x18, s29, s13, $0xb8;
	[tilespmem:$0xB900] =	vst v63  }
0x49: {  	_ =	swait.ge [sflag:s30], $0xC00  }
0x4a: {  	[sflag:s30] =	ssyncset.done $0x0  }
0x4b: {  	[sflag:s30] =	ssyncadd.s32 $0xFFFFF400  }
0x4c: {  	[spmem:s2] =	stream.indirect.scatter.add.bf16 [tilespmem:s20], [sflag:$0xA], $0x18, s31, s13, $0xb8;
	[tilespmem:$0xB900] =	vst v63  }
0x4d: {  	_ =	swait.ge [sflag:s1], $0xC00  }
0x4e: {  	[sflag:s1] =	ssyncset.done $0x0  }
0x4f: {  	[sflag:s1] =	ssyncadd.s32 $0xFFFFF400  }
0x50: {  	_ =	swait.ge [sflag:s0], $0xC00  }
0x51: {  	[sflag:s0] =	ssyncset.done $0x0  }
0x52: {  	[sflag:s0] =	ssyncadd.s32 $0xFFFFF400  }
0x53: {  	_ =	swait.ge [sflag:s5], $0xC00  }
0x54: {  	[sflag:s5] =	ssyncset.done $0x0  }
0x55: {  	[sflag:s5] =	ssyncadd.s32 $0xFFFFF400  }
0x56: {  	_ =	swait.ge [sflag:s7], $0xC00  }
0x57: {  	[sflag:s7] =	ssyncset.done $0x0  }
0x58: {  	[sflag:s7] =	ssyncadd.s32 $0xFFFFF400  }
0x59: {  	s9 =	simm.s32 $0xA0;
	_ =	swait.ge [sflag:s8], $0xC00  }
0x5a: {  	s24 =	simm.s32 $0x50;
	s6 =	rddreg [dreg:$0x6];
	[sflag:s8] =	ssyncset.done $0x0  }
.LBB2_2:
0x5b: {  	[sflag:s8] =	ssyncadd.s32 $0xFFFFF400;
	s6 =	sadd.s32 s24, s6  }
0x5c: {  	[tilespmem:s4], [sflag:$0xB] =	stream.linear.gather [hbm4b:s6+s4], $0x280, $0x38;
	[tilespmem:$0xB900] =	vst v63  }
0x5d: {  	_ =	swait.ge [sflag:s10], $0x280  }
0x5e: {  	s6 =	rddreg [dreg:$0x5];
	[sflag:s10] =	ssyncset.done $0x0  }
0x5f: {  	[sflag:s10] =	ssyncadd.s32 $0xFFFFFD80;
	s6 =	sadd.s32 s24, s6  }
0x60: {  	[tilespmem:s12], [sflag:$0xB] =	stream.linear.gather [hbm4b:s6+s4], $0x280, $0x38;
	[tilespmem:$0xB900] =	vst v63  }
0x61: {  	_ =	swait.ge [sflag:s10], $0x280  }
0x62: {  	[sflag:s10] =	ssyncset.done $0x0  }
0x63: {  	[sflag:s10] =	ssyncadd.s32 $0xFFFFFD80  }
0x64: {  	[tilespmem:s14], [sflag:$0x1] =	stream.indirect.gather [spmem:s3], $0x18, s4, s13, $0xb8;
	[tilespmem:$0xB900] =	vst v63  }
0x65: {  	s11 =	smov.u32 s9  }
0x66: {  	[tilespmem:s15], [sflag:$0x2] =	stream.indirect.gather [spmem:s3], $0x18, s13, s13, $0xb8;
	[tilespmem:$0xB900] =	vst v63  }
0x67: {  	s24 =	smov.u32 s11;
	s11 =	rddreg [dreg:$0x7]  }
0x68: {  	[tilespmem:s16], [sflag:$0x3] =	stream.indirect.gather [spmem:s3], $0x18, s11, s13, $0xb8;
	[tilespmem:$0xB900] =	vst v63  }
0x69: {  	_ = 	snop  }
0x6a: {  	[tilespmem:s18], [sflag:$0x4] =	stream.indirect.gather [spmem:s3], $0x18, s17, s13, $0xb8;
	[tilespmem:$0xB900] =	vst v63  }
0x6b: {  	_ = 	snop  }
0x6c: {  	[tilespmem:s20], [sflag:$0x5] =	stream.indirect.gather [spmem:s3], $0x18, s19, s13, $0xb8;
	[tilespmem:$0xB900] =	vst v63  }
0x6d: {  	_ =	swait.ge [sflag:s21], $0xC00  }
0x6e: {  	[sflag:s21] =	ssyncset.done $0x0  }
0x6f: {  	[sflag:s21] =	ssyncadd.s32 $0xFFFFF400  }
0x70: {  	[spmem:s2] =	stream.indirect.scatter.add.bf16 [tilespmem:s14], [sflag:$0x6], $0x18, s12, s13, $0xb8;
	[tilespmem:$0xB900] =	vst v63  }
0x71: {  	_ =	swait.ge [sflag:s22], $0xC00  }
0x72: {  	[sflag:s22] =	ssyncset.done $0x0  }
0x73: {  	[sflag:s22] =	ssyncadd.s32 $0xFFFFF400  }
0x74: {  	[spmem:s2] =	stream.indirect.scatter.add.bf16 [tilespmem:s15], [sflag:$0x7], $0x18, s23, s13, $0xb8;
	[tilespmem:$0xB900] =	vst v63  }
0x75: {  	_ =	swait.ge [sflag:s25], $0xC00  }
0x76: {  	[sflag:s25] =	ssyncset.done $0x0  }
0x77: {  	[sflag:s25] =	ssyncadd.s32 $0xFFFFF400  }
0x78: {  	[spmem:s2] =	stream.indirect.scatter.add.bf16 [tilespmem:s16], [sflag:$0x8], $0x18, s26, s13, $0xb8;
	[tilespmem:$0xB900] =	vst v63  }
0x79: {  	_ =	swait.ge [sflag:s28], $0xC00  }
0x7a: {  	[sflag:s28] =	ssyncset.done $0x0  }
0x7b: {  	[sflag:s28] =	ssyncadd.s32 $0xFFFFF400  }
0x7c: {  	[spmem:s2] =	stream.indirect.scatter.add.bf16 [tilespmem:s18], [sflag:$0x9], $0x18, s29, s13, $0xb8;
	[tilespmem:$0xB900] =	vst v63  }
0x7d: {  	_ =	swait.ge [sflag:s30], $0xC00  }
0x7e: {  	[sflag:s30] =	ssyncset.done $0x0  }
0x7f: {  	[sflag:s30] =	ssyncadd.s32 $0xFFFFF400  }
0x80: {  	[spmem:s2] =	stream.indirect.scatter.add.bf16 [tilespmem:s20], [sflag:$0xA], $0x18, s31, s13, $0xb8;
	[tilespmem:$0xB900] =	vst v63  }
0x81: {  	_ =	swait.ge [sflag:s1], $0xC00  }
0x82: {  	[sflag:s1] =	ssyncset.done $0x0  }
0x83: {  	[sflag:s1] =	ssyncadd.s32 $0xFFFFF400  }
0x84: {  	_ =	swait.ge [sflag:s0], $0xC00  }
0x85: {  	[sflag:s0] =	ssyncset.done $0x0  }
0x86: {  	[sflag:s0] =	ssyncadd.s32 $0xFFFFF400  }
0x87: {  	_ =	swait.ge [sflag:s5], $0xC00  }
0x88: {  	[sflag:s5] =	ssyncset.done $0x0  }
0x89: {  	p0 =	sne.s32 s9, $0x4B0;
	[sflag:s5] =	ssyncadd.s32 $0xFFFFF400  }
.Ltmp0:
0x8a: {  	_ =	swait.ge [sflag:s7], $0xC00;
	(pc) =	sbr.rel @p0 .LBB2_2-.Ltmp0, $4  }
0x8b: {  	[sflag:s7] =	ssyncset.done $0x0  }
0x8c: {  	[sflag:s7] =	ssyncadd.s32 $0xFFFFF400  }
0x8d: {  	_ =	swait.ge [sflag:s8], $0xC00  }
0x8e: {  	s9 =	sadd.s32 $0x50, s9;
	s6 =	rddreg [dreg:$0x6];
	[sflag:s8] =	ssyncset.done $0x0  }
0x8f: {  	[sflag:s8] =	ssyncadd.s32 $0xFFFFF400;
	s6 =	sadd.s32 s24, s6  }
0x90: {  	[tilespmem:s4], [sflag:$0xB] =	stream.linear.gather [hbm4b:s6+s4], $0x280, $0x38;
	[tilespmem:$0xB900] =	vst v63  }
0x91: {  	_ =	swait.ge [sflag:s10], $0x280  }
0x92: {  	s11 =	rddreg [dreg:$0x5];
	[sflag:s10] =	ssyncset.done $0x0  }
0x93: {  	s6 =	sadd.s32 s24, s11;
	[sflag:s10] =	ssyncadd.s32 $0xFFFFFD80  }
0x94: {  	[tilespmem:s12], [sflag:$0xB] =	stream.linear.gather [hbm4b:s6+s4], $0x280, $0x38;
	[tilespmem:$0xB900] =	vst v63  }
0x95: {  	_ =	swait.ge [sflag:s10], $0x280  }
0x96: {  	[sflag:s10] =	ssyncset.done $0x0  }
0x97: {  	[sflag:s10] =	ssyncadd.s32 $0xFFFFFD80  }
0x98: {  	[tilespmem:s14], [sflag:$0x1] =	stream.indirect.gather [spmem:s3], $0x18, s4, s13, $0xb8;
	[tilespmem:$0xB900] =	vst v63  }
0x99: {  	_ = 	snop  }
0x9a: {  	[tilespmem:s15], [sflag:$0x2] =	stream.indirect.gather [spmem:s3], $0x18, s13, s13, $0xb8;
	[tilespmem:$0xB900] =	vst v63  }
0x9b: {  	s24 =	rddreg [dreg:$0x7]  }
0x9c: {  	[tilespmem:s16], [sflag:$0x3] =	stream.indirect.gather [spmem:s3], $0x18, s24, s13, $0xb8;
	[tilespmem:$0xB900] =	vst v63  }
0x9d: {  	_ = 	snop  }
0x9e: {  	[tilespmem:s18], [sflag:$0x4] =	stream.indirect.gather [spmem:s3], $0x18, s17, s13, $0xb8;
	[tilespmem:$0xB900] =	vst v63  }
0x9f: {  	_ = 	snop  }
0xa0: {  	[tilespmem:s20], [sflag:$0x5] =	stream.indirect.gather [spmem:s3], $0x18, s19, s13, $0xb8;
	[tilespmem:$0xB900] =	vst v63  }
0xa1: {  	_ =	swait.ge [sflag:s21], $0xC00  }
0xa2: {  	[sflag:s21] =	ssyncset.done $0x0  }
0xa3: {  	[sflag:s21] =	ssyncadd.s32 $0xFFFFF400  }
0xa4: {  	[spmem:s2] =	stream.indirect.scatter.add.bf16 [tilespmem:s14], [sflag:$0x6], $0x18, s12, s13, $0xb8;
	[tilespmem:$0xB900] =	vst v63  }
0xa5: {  	_ =	swait.ge [sflag:s22], $0xC00  }
0xa6: {  	[sflag:s22] =	ssyncset.done $0x0  }
0xa7: {  	[sflag:s22] =	ssyncadd.s32 $0xFFFFF400  }
0xa8: {  	[spmem:s2] =	stream.indirect.scatter.add.bf16 [tilespmem:s15], [sflag:$0x7], $0x18, s23, s13, $0xb8;
	[tilespmem:$0xB900] =	vst v63  }
0xa9: {  	_ =	swait.ge [sflag:s25], $0xC00  }
0xaa: {  	[sflag:s25] =	ssyncset.done $0x0  }
0xab: {  	[sflag:s25] =	ssyncadd.s32 $0xFFFFF400  }
0xac: {  	[spmem:s2] =	stream.indirect.scatter.add.bf16 [tilespmem:s16], [sflag:$0x8], $0x18, s26, s13, $0xb8;
	[tilespmem:$0xB900] =	vst v63  }
0xad: {  	_ =	swait.ge [sflag:s28], $0xC00  }
0xae: {  	[sflag:s28] =	ssyncset.done $0x0  }
0xaf: {  	[sflag:s28] =	ssyncadd.s32 $0xFFFFF400  }
0xb0: {  	[spmem:s2] =	stream.indirect.scatter.add.bf16 [tilespmem:s18], [sflag:$0x9], $0x18, s29, s13, $0xb8;
	[tilespmem:$0xB900] =	vst v63  }
0xb1: {  	_ =	swait.ge [sflag:s30], $0xC00  }
0xb2: {  	[sflag:s30] =	ssyncset.done $0x0  }
0xb3: {  	[sflag:s30] =	ssyncadd.s32 $0xFFFFF400  }
0xb4: {  	[spmem:s2] =	stream.indirect.scatter.add.bf16 [tilespmem:s20], [sflag:$0xA], $0x18, s31, s13, $0xb8;
	[tilespmem:$0xB900] =	vst v63  }
0xb5: {  	_ =	swait.ge [sflag:s1], $0xC00  }
0xb6: {  	[sflag:s1] =	ssyncset.done $0x0  }
0xb7: {  	[sflag:s1] =	ssyncadd.s32 $0xFFFFF400  }
0xb8: {  	_ =	swait.ge [sflag:s0], $0xC00  }
0xb9: {  	[sflag:s0] =	ssyncset.done $0x0  }
0xba: {  	[sflag:s0] =	ssyncadd.s32 $0xFFFFF400  }
0xbb: {  	_ =	swait.ge [sflag:s5], $0xC00  }
0xbc: {  	[sflag:s5] =	ssyncset.done $0x0  }
0xbd: {  	[sflag:s5] =	ssyncadd.s32 $0xFFFFF400  }
0xbe: {  	_ =	swait.ge [sflag:s7], $0xC00  }
0xbf: {  	[sflag:s7] =	ssyncset.done $0x0  }
0xc0: {  	[sflag:s7] =	ssyncadd.s32 $0xFFFFF400  }
0xc1: {  	_ =	swait.ge [sflag:s8], $0xC00  }
0xc2: {  	[sflag:s8] =	ssyncset.done $0x0  }
0xc3: {  	[sflag:s8] =	ssyncadd.s32 $0xFFFFF400  }
0xc4: {  	[bflag:$0x0] =	sbarrier.arrive $0xFFFF  }
0xc5: {  	s24 =	rddreg [dreg:$0x9]  }
0xc6: {  	s11 =	rddreg [dreg:$0xc]  }
0xc7: {  	s9 =	rddreg [dreg:$0xe]  }
0xc8: {  	[hbm:s9], [sflag:s24] =	dma.local [spmem:s11], $0x780  }
0xc9: {  	_ =	swait.ge [sflag:s10], $0x780  }
0xca: {  	s9 =	rddreg [dreg:$0xf]  }
0xcb: {  	s6 =	rddreg [dreg:$0xb];
	s9 =	sadd.s32 $0x1, s9  }
0xcc: {  	p0 =	sne.s32 s9, s6  }
.Ltmp1:
0xcd: {  	_ = 	snop;
	(pc) =	sbr.rel @p0 .LBB2_1-.Ltmp1, $3  }
0xce: {  	_ =	sdelay $0x1  }
0xcf: {  	[sflag:s10] =	ssyncset.done $0x0  }
0xd0: {  	[sflag:s10] =	ssyncadd.s32 $0xFFFFF880  }
0xd1: {  	_ =	sfence.sel $0x180000  }
0xd2: {  	[bflag:$0x0] =	sbarrier.arrive $0xFFFF  }
0xd3: {  	_ =	strace $0x9000004D  }
0xd4: {  	s0 =	stileid.u32;
	[bflag:$0x2] =	sbarrier.arrive $0xFFFF  }
0xd5: {  	p0 =	sne.s32 s0, $0x0;
	s0 =	rddreg [dreg:$0x4]  }
0xd6: {  	s0 =	sadd.s32 @!p0 $0x100000, s0  }
0xd7: {  	[sflag:s0] =	ssyncadd.tile.s32 @!p0 $0x1;
	_ =	shalt  }
.Lfunc_end2:
_tile_overlayer_lowered:
.L_overlay_start_2:
0xd8: {  	(tag) =	ssettag $0x2  }
0xd9: {  	s0 =	rddreg [dreg:$0x0];
	s2 =	stileid.u32  }
0xda: {  	s1 =	rddreg [dreg:$0x1];
	p0 =	sne.s32 s2, $0x0  }
0xdb: {  	s3 =	rddreg [dreg:$0x2];
	[bflag:$0x3] =	sbarrier.arrive $0xFFFF;
	s2 =	simm.s32 @!p0 $0x1C0B  }
0xdc: {  	[timem:s3], [sflag:s2] =	dma.local @!p0 [hbm:s0], s1  }
0xdd: {  	s0 =	simm.s32 @!p0 $0xB  }
0xde: {  	_ =	swait.ge @!p0 [sflag:s0], s1  }
0xdf: {  	s1 =	ssub.s32 @!p0 $0x0, s1;
	[sflag:s0] =	ssyncset.done @!p0 $0x0  }
0xe0: {  	[sflag:s0] =	ssyncadd.s32 @!p0 s1  }
0xe1: {  	[bflag:$0x3] =	sbarrier.arrive $0xFFFF  }
0xe2: {  	_ =	shalt  }

// kernel: kernel.8.cloned.1.call-start
scs
__scs_entry_jumppad:
0x0: {  	(pc) =	sbr.rel $0x88, $3  }
0x1: {  	(tag) =	ssettag $0x0;
	lr =	simm.s32 $0x1  }
0x2: {  	[smem:$0x3F9D] =	sst lr;
	_ =	strace $0xD0000000  }
0x3: {  	_ = 	snop  }
0x4: {  	_ = 	snop  }
0x5: {  	_ = 	snop  }
0x6: {  	_ = 	snop  }
0x7: {  	_ = 	snop  }
__scs_overlays_trampoline_lowered:
0x8: {  	[smem:$0x3FAC] =	sst s0  }
0x9: {  	[smem:$0x3FAD] =	sst s1  }
0xa: {  	[smem:$0x3FAE] =	sst s2  }
0xb: {  	[smem:$0x3FAF] =	sst s3  }
0xc: {  	[smem:$0x3FB0] =	sst s4  }
0xd: {  	[smem:$0x3FB1] =	sst s5  }
0xe: {  	[smem:$0x3FB2] =	sst s6  }
0xf: {  	[smem:$0x3FB3] =	sst s7  }
0x10: {  	[smem:$0x3FB4] =	sst s8  }
0x11: {  	[smem:$0x3FB5] =	sst s9;
	s0 =	simm.s32 @!p0 $0x0  }
0x12: {  	s1 =	sld [smem:$0x3F9B];
	s0 =	simm.s32 @p0 $0x1  }
0x13: {  	[smem:$0x3FB6] =	sst s0;
	s0 =	simm.s32 @!p1 $0x0  }
0x14: {  	s2 =	sld [smem:$0x3F9A];
	s0 =	simm.s32 @p1 $0x1  }
0x15: {  	[smem:$0x3FB7] =	sst s0;
	s0 =	simm.s32 @!p2 $0x0  }
0x16: {  	s3 =	sld [smem:$0x3FDB];
	s0 =	simm.s32 @p2 $0x1  }
0x17: {  	s4 =	simm.s32 $0x1BF5;
	[smem:$0x3FB9] =	sst s0  }
0x18: {  	s0 =	sld [smem:$0x3F9C];
	_ =	swait.ge [sflag:s4], $0x0  }
0x19: {  	s7 =	sld [smem:$0x3F9D]  }
0x1a: {  	s8 =	sadd.s32 $0xFFFFE003, lr  }
0x1b: {  	s9 =	sadd.s32 $0xFFFFFEF7, lr;
	s5 =	simm.s32 $0xFFFFFFFF;
	p2 =	slt.u32 s8, $0xFFFFF086  }
0x1c: {  	p1 =	slt.u32 s9, $0xF7A;
	s5 =	simm.s32 @!p2 $0x0  }
0x1d: {  	s5 =	simm.s32 @p1 $0x1;
	p0 =	seq.s32 s7, s2  }
0x1e: {  	s7 =	smul.u32 @!p0 $0xF7A, s2;
	p2 =	seq.s32 @!p0 s5, $0x0  }
0x1f: {  	s9 =	smul.u32 $0xF7A, s1;
	s8 =	simm.s32 @!p0 $0x1BF5;
	p2 =	por !p2, p0  }
0x20: {  	[sflag:s8] =	ssyncset.s32 @!p0 $0xFFFFF086;
	s6 =	sadd.s32 @!p0 s3, s7;
	s7 =	simm.s32 @!p0 $0x108  }
0x21: {  	s3 =	sadd.s32 s3, s9;
	s6 =	sadd.s32 @!p0 $0x88, s6;
	s7 =	simm.s32 @p2 $0x1082  }
0x22: {  	[simem:s7], [sflag:s8] =	dma.local @!p0 [hbm:s6], $0xF7A  }
0x23: {  	s9 =	sor.u32 $0xD0000000, s2;
	s6 =	simm.s32 $0x108;
	_ =	swait.ge @!p0 [sflag:s8], $0x0  }
0x24: {  	s3 =	sadd.s32 $0x88, s3;
	s6 =	simm.s32 @!p1 $0x1082;
	[sflag:s4] =	ssyncset.s32 $0xFFFFF086  }
0x25: {  	[simem:s6], [sflag:s4] =	dma.local [hbm:s3], $0xF7A  }
0x26: {  	[smem:$0x3F9D] =	sst s1;
	(tag) =	ssettag s2;
	_ =	strace s9  }
0x27: {  	s1 =	sld [smem:$0x3FAD]  }
0x28: {  	s2 =	sld [smem:$0x3FAE]  }
0x29: {  	s4 =	sld [smem:$0x3FB0]  }
0x2a: {  	p0 =	seq.s32 s5, $0x0;
	s5 =	sld [smem:$0x3FB1]  }
0x2b: {  	s6 =	sld [smem:$0x3FB2]  }
0x2c: {  	s7 =	sld [smem:$0x3FB3]  }
0x2d: {  	s3 =	simm.s32 $0x108;
	s8 =	sld [smem:$0x3FB4]  }
0x2e: {  	s3 =	simm.s32 @!p0 $0x1082;
	s9 =	sld [smem:$0x3FB5]  }
0x2f: {  	lr =	sadd.s32 s0, s3;
	s0 =	sld [smem:$0x3FAC]  }
0x30: {  	s3 =	sld [smem:$0x3FAF]  }
0x31: {  	[smem:$0x3FB8] =	sst s10  }
0x32: {  	s10 =	sld [smem:$0x3FB6];
	_ =	sdelay $0x3  }
0x33: {  	p0 =	seq.s32 s10, $0x1;
	s10 =	sld [smem:$0x3FB8];
	_ =	sdelay $0x3  }
0x34: {  	[smem:$0x3FB8] =	sst s10  }
0x35: {  	s10 =	sld [smem:$0x3FB7];
	_ =	sdelay $0x3  }
0x36: {  	p1 =	seq.s32 s10, $0x1;
	s10 =	sld [smem:$0x3FB8];
	_ =	sdelay $0x3  }
0x37: {  	[smem:$0x3FB8] =	sst s10  }
0x38: {  	s10 =	sld [smem:$0x3FB9]  }
0x39: {  	_ = 	snop;
	(pc) =	sbr.ind lr, $3  }
0x3a: {  	_ = 	snop  }
0x3b: {  	_ = 	snop  }
0x3c: {  	p2 =	seq.s32 s10, $0x1;
	s10 =	sld [smem:$0x3FB8]  }
0x3d: {  	_ =	shalt  }
0x3e: {  	_ =	shalt  }
0x3f: {  	_ =	shalt  }
0x40: {  	_ =	shalt  }
0x41: {  	_ =	shalt  }
0x42: {  	_ =	shalt  }
0x43: {  	_ =	shalt  }
0x44: {  	_ =	shalt  }
0x45: {  	_ =	shalt  }
0x46: {  	_ =	shalt  }
0x47: {  	_ =	shalt  }
0x48: {  	_ =	shalt  }
0x49: {  	_ =	shalt  }
0x4a: {  	_ =	shalt  }
0x4b: {  	_ =	shalt  }
0x4c: {  	_ =	shalt  }
0x4d: {  	_ =	shalt  }
0x4e: {  	_ =	shalt  }
0x4f: {  	_ =	shalt  }
0x50: {  	_ =	shalt  }
0x51: {  	_ =	shalt  }
0x52: {  	_ =	shalt  }
0x53: {  	_ =	shalt  }
0x54: {  	_ =	shalt  }
0x55: {  	_ =	shalt  }
0x56: {  	_ =	shalt  }
0x57: {  	_ =	shalt  }
0x58: {  	_ =	shalt  }
0x59: {  	_ =	shalt  }
0x5a: {  	_ =	shalt  }
0x5b: {  	_ =	shalt  }
0x5c: {  	_ =	shalt  }
0x5d: {  	_ =	shalt  }
0x5e: {  	_ =	shalt  }
0x5f: {  	_ =	shalt  }
0x60: {  	_ =	shalt  }
0x61: {  	_ =	shalt  }
0x62: {  	_ =	shalt  }
0x63: {  	_ =	shalt  }
0x64: {  	_ =	shalt  }
0x65: {  	_ =	shalt  }
0x66: {  	_ =	shalt  }
0x67: {  	_ =	shalt  }
0x68: {  	_ =	shalt  }
0x69: {  	_ =	shalt  }
0x6a: {  	_ =	shalt  }
0x6b: {  	_ =	shalt  }
0x6c: {  	_ =	shalt  }
0x6d: {  	_ =	shalt  }
0x6e: {  	_ =	shalt  }
0x6f: {  	_ =	shalt  }
0x70: {  	_ =	shalt  }
0x71: {  	_ =	shalt  }
0x72: {  	_ =	shalt  }
0x73: {  	_ =	shalt  }
0x74: {  	_ =	shalt  }
0x75: {  	_ =	shalt  }
0x76: {  	_ =	shalt  }
0x77: {  	_ =	shalt  }
0x78: {  	_ =	shalt  }
0x79: {  	_ =	shalt  }
0x7a: {  	_ =	shalt  }
0x7b: {  	_ =	shalt  }
0x7c: {  	_ =	shalt  }
0x7d: {  	_ =	shalt  }
0x7e: {  	_ =	shalt  }
0x7f: {  	_ =	shalt  }
0x80: {  	_ =	shalt  }
0x81: {  	_ =	shalt  }
0x82: {  	_ =	shalt  }
0x83: {  	_ =	shalt  }
0x84: {  	_ =	shalt  }
0x85: {  	_ =	shalt  }
0x86: {  	_ =	shalt  }
0x87: {  	_ =	shalt  }
.Lfunc_end0:
.L_simem_size_0:
called_computation_lowered:
.L_overlay_start_0:
0x88: {  	s2 =	sld [smem:$0x3FD9]  }
0x89: {  	s3 =	sld [smem:$0x3FFE];
	_ =	sdelay $0x1  }
0x8a: {  	s1 =	srdreg.scid  }
0x8b: {  	s0 =	sand.u32 $0x1, s1  }
0x8c: {  	s17 =	sshll.u32 s0, $0xA;
	s2 =	sadd.s32 s3, s2  }
0x8d: {  	s2 =	sadd.s32 s2, s17  }
0x8e: {  	[smem:$0x3FC4] =	sst s2  }
0x8f: {  	_ = 	snop  }
0x90: {  	s2 =	sld [smem:$0x3FD0];
	(tm) =	ssettm $0x1  }
0x91: {  	s18 =	sld [smem:$0x3FFB];
	_ =	sdelay $0x3  }
0x92: {  	_ =	strace s18  }
0x93: {  	s3 =	sld [smem:$0x3FFC];
	_ =	sdelay $0x3  }
0x94: {  	_ =	strace s3  }
0x95: {  	s3 =	sld [smem:$0x3FFD];
	_ =	sdelay $0x3  }
0x96: {  	_ =	strace s3  }
0x97: {  	_ =	strace $0x8FFFFFFF  }
0x98: {  	s19 =	sld [smem:$0x3FDB];
	_ =	sdelay $0x1  }
0x99: {  	s4 =	simm.s32 $_scs_section_size  }
0x9a: {  	s5 =	simm.s32 $_size__tile_overlayer_lowered;
	s6 =	simm.s32 $_tile_overlayer_lowered  }
0x9b: {  	s22 =	simm.s32 $0x1BFF;
	s21 =	sshll.u32 s6, $0x1;
	s3 =	sadd.s32 s4, s19  }
0x9c: {  	s7 =	simm.s32 $0x0;
	s20 =	sshll.u32 s5, $0x1;
	s5 =	sadd.s32 s21, s3  }
0x9d: {  	[timem:s7], [sflag:s22] =	dma.local [hbm:s5], s20  }
0x9e: {  	_ =	swait.ge [sflag:s22], s20  }
0x9f: {  	s4 =	ssub.s32 $0x0, s20;
	[sflag:s22] =	ssyncset.done $0x0  }
0xa0: {  	[sflag:s22] =	ssyncadd.s32 s4;
	_ =	sdelay $0x1  }
0xa1: {  	s23 =	simm.s32 $0x1B8B  }
0xa2: {  	_ =	swait.ge [sflag:s23], $0x1  }
0xa3: {  	[sflag:s23] =	ssyncset.done $0x0  }
0xa4: {  	s25 =	simm.s32 $0x1B8E;
	s24 =	sld [smem:$0x3FFE];
	[sflag:s23] =	ssyncadd.s32 $0xFFFFFFFF  }
0xa5: {  	s26 =	simm.s32 $execute0_lowered;
	[smem:$0x3FD2] =	sst s25  }
0xa6: {  	s5 =	sshll.u32 s26, $0x1;
	_ =	strace $0x80000046;
	[dreg:$0x1] =	wrdreg $0xFFFFFFFF  }
0xa7: {  	s28 =	simm.s32 $_size_execute0_lowered;
	s3 =	sadd.s32 s3, s5;
	[dreg:$0x0] =	wrdreg $0x0  }
0xa8: {  	s5 =	sshll.u32 s28, $0x1;
	[dreg:$0x2] =	wrdreg s3  }
0xa9: {  	[dreg:$0x3] =	wrdreg s5  }
0xaa: {  	[dreg:$0x4] =	wrdreg $0xC0  }
0xab: {  	_ =	task [dreg:s7], $0x5FFFF  }
0xac: {  	[dreg:$0x1] =	wrdreg $0xFFFFFFFF  }
0xad: {  	[dreg:$0x0] =	wrdreg $0x60  }
0xae: {  	[dreg:$0x2] =	wrdreg s2  }
0xaf: {  	[dreg:$0x3] =	wrdreg s24  }
0xb0: {  	[dreg:$0x4] =	wrdreg $0xAA000  }
0xb1: {  	[dreg:$0x5] =	wrdreg $0x9  }
0xb2: {  	_ =	task.clear_ibuf [dreg:s7], $0x6FFFF;
	_ =	strace $0x90000046  }
0xb3: {  	s29 =	simm.s32 $0x9;
	_ =	strace $0x80000048  }
0xb4: {  	_ =	swait.ge [sflag:s29], $0x1  }
0xb5: {  	[sflag:s29] =	ssyncadd.s32 $0xFFFFFFFF  }
0xb6: {  	_ =	strace $0x90000048  }
0xb7: {  	_ =	sfence  }
0xb8: {  	s30 =	sld [smem:$0x0];
	_ =	sdelay $0x2  }
0xb9: {  	s31 =	sshll.u32 s1, $0xD;
	s1 =	sshrl.u32 s1, $0x2  }
0xba: {  	s3 =	sand.u32 $0x4000, s31;
	s1 =	sadd.s32 s1, s30  }
0xbb: {  	s0 =	sor.u32 s3, s0;
	s1 =	sshll.u32 s1, $0x11  }
0xbc: {  	s0 =	sor.u32 s1, s0  }
0xbd: {  	s0 =	sadd.s32 $0x8F2B, s0  }
0xbe: {  	[sflag:s0] =	ssyncadd.remote.s32 $0x1  }
0xbf: {  	_ =	sfence.sel $0xFFFF  }
0xc0: {  	[dreg:$0x0] =	wrdreg $0xFFFFFFFF;
	(pc) =	sbr.abs _section_cstart, $3  }
0xc1: {  	[dreg:$0x1] =	wrdreg $0xFFFFFFFF  }
0xc2: {  	_ =	task.clear_ibuf [dreg:s7], $0x2FFFF;
	_ =	strace $0x9FFFFFFF  }
0xc3: {  	(tm) =	ssettm $0x7FFFFFFF  }
tec
execute0_lowered:
.L_overlay_start_1:
0x0: {  	(tag) =	ssettag $0x1  }
0x1: {  	s3 =	rddreg [dreg:$0x0]  }
0x2: {  	s4 =	rddreg [dreg:$0x1]  }
0x3: {  	s5 =	rddreg [dreg:$0x2];
	s2 =	srdreg.scid  }
0x4: {  	s0 =	rddreg [dreg:$0x3];
	s1 =	stileid.u32  }
0x5: {  	s14 =	simm.s32 $0x5000;
	s15 =	simm.s32 $0x7800;
	s16 =	simm.s32 $0xA000  }
0x6: {  	s17 =	simm.s32 $0xA280;
	s18 =	simm.s32 $0xA500;
	s19 =	simm.s32 $0xA780  }
0x7: {  	s20 =	simm.s32 $0x0;
	s6 =	sand.u32 $0x1, s2;
	s8 =	smul.u32 $0x280, s1  }
0x8: {  	s2 =	simm.s32 $0x0;
	s10 =	smul.u32 $0x14000, s1;
	s7 =	sshll.u32 s6, $0x4  }
0x9: {  	[smem:$0x7FF] =	sst s2;
	s9 =	smul.u32 $0x5000, s6;
	s7 =	sor.u32 s1, s7  }
0xa: {  	s6 =	ssub.s32 $0x2, s6;
	_ =	strace $0x80000047;
	s7 =	smul.u32 $0x500, s7  }
0xb: {  	s12 =	sshrl.u32 s6, $0x1;
	s31 =	sshrl.u32 s10, $0x2;
	s9 =	sadd.s32 s8, s9  }
0xc: {  	s12 =	ssub.s32 s6, s12;
	s9 =	sshrl.u32 s9, $0x3;
	s11 =	sadd.s32 s7, s4  }
0xd: {  	s13 =	sadd.s32 s9, s4;
	s3 =	sadd.s32 s3, s7;
	s4 =	sadd.s32 s31, s5  }
0xe: {  	s5 =	sadd.s32 s8, s5;
	s6 =	sadd.s32 $0x1200, s11;
	s7 =	sadd.s32 $0x2800, s4  }
0xf: {  	s8 =	sadd.s32 $0x2800, s5;
	s9 =	sadd.s32 $0xB200, s13;
	s10 =	sadd.s32 $0xB700, s13  }
0x10: {  	v0 =	vimm.f32 $0.0e+00;
	v1 =	vimm.f32 $1.000000000e+00;
	s11 =	smax.u32 s12, $0x1;
	s12 =	simm.s32 $0x1;
	s13 =	simm.s32 $0x2800  }
.LBB2_1:
0x11: {  	[tilespmem:s2], [sflag:$0x1] =	stream.linear.gather [hbm4b:s3+s2], $0x2800, $0x38;
	[tilespmem:$0xFA00] =	vst v63  }
0x12: {  	_ =	swait.ge [sflag:s12], $0x2800  }
0x13: {  	[sflag:s12] =	ssyncset.done $0x0  }
0x14: {  	[sflag:s12] =	ssyncadd.s32 $0xFFFFD800  }
0x15: {  	[tilespmem:s13], [sflag:$0x1] =	stream.linear.gather [hbm4b:s6+s2], $0x2800, $0x38;
	[tilespmem:$0xFA00] =	vst v63  }
0x16: {  	_ =	swait.ge [sflag:s12], $0x2800  }
0x17: {  	[sflag:s12] =	ssyncset.done $0x0  }
0x18: {  	s21 =	simm.s32 $0x0;
	[sflag:s12] =	ssyncadd.s32 $0xFFFFD800  }
.LBB2_2:
0x19: {  	p0 =	sne.s32 s21, $0x9FC0  }
.Ltmp0:
0x1a: {  	_ = 	snop;
	(pc) =	sbr.rel @p0 .LBB2_2-.Ltmp0, $4  }
0x1b: {  	_ = 	snop  }
0x1c: {  	s22 =	sshra.s32 s21, $0x2  }
0x1d: {  	[tilespmem:s22+$0x5000] =	vst v0  }
0x1e: {  	s21 =	sadd.s32 $0x40, s21;
	[tilespmem:s22+$0x7800] =	vst v0  }
0x1f: {  	s22 =	simm.s32 $0x0;
	s21 =	simm.s32 $0x40  }
.LBB2_4:
0x20: {  	p0 =	sne.s32 s21, $0x9FC0;
	v2 =	vld [tilespmem:s22+$0x0];
	_ =	sdelay $0x7  }
0x21: {  	[tilespmem:v2+s14+$0x0] =	vst.idx.add.f32.msk $0xffff, v1  }
0x22: {  	v2 =	vld [tilespmem:s22+$0x2800];
	_ =	sdelay $0x3  }
.Ltmp1:
0x23: {  	(pc) =	sbr.rel @p0 .LBB2_4-.Ltmp1, $2  }
0x24: {  	_ =	sdelay $0x2  }
0x25: {  	s22 =	sshra.s32 s21, $0x2;
	s21 =	sadd.s32 $0x40, s21;
	[tilespmem:v2+s15+$0x0] =	vst.idx.add.f32.msk $0xffff, v1  }
0x26: {  	v2 =	vld [tilespmem:s22+$0x0];
	_ =	sdelay $0x7  }
0x27: {  	[tilespmem:v2+s14+$0x0] =	vst.idx.add.f32.msk $0xffff, v1  }
0x28: {  	v2 =	vld [tilespmem:s22+$0x2800];
	_ =	sdelay $0x7  }
0x29: {  	s21 =	simm.s32 $0x1;
	[tilespmem:v2+s15+$0x0] =	vst.idx.add.f32.msk $0xffff, v1  }
0x2a: {  	[spmem:s4] =	stream.linear.scatter [tilespmem:s14], [sflag:$0x1], $0x2800, $0x38;
	[tilespmem:$0xFA00] =	vst v63  }
0x2b: {  	_ =	swait.ge [sflag:s21], $0x2800  }
0x2c: {  	[sflag:s21] =	ssyncset.done $0x0  }
0x2d: {  	[sflag:s21] =	ssyncadd.s32 $0xFFFFD800  }
0x2e: {  	[spmem:s7] =	stream.linear.scatter [tilespmem:s15], [sflag:$0x1], $0x2800, $0x38;
	[tilespmem:$0xFA00] =	vst v63  }
0x2f: {  	_ =	swait.ge [sflag:s21], $0x2800  }
0x30: {  	[sflag:s21] =	ssyncset.done $0x0  }
0x31: {  	[sflag:s21] =	ssyncadd.s32 $0xFFFFD800  }
0x32: {  	[bflag:$0x0] =	sbarrier.arrive $0xFFFF  }
0x33: {  	[tilespmem:s16], [sflag:$0x1] =	stream.linear.gather [spmem:s5], $0x280, $0x38;
	[tilespmem:$0xFA00] =	vst v63  }
0x34: {  	_ =	swait.ge [sflag:s21], $0x280  }
0x35: {  	[sflag:s21] =	ssyncset.done $0x0  }
0x36: {  	[sflag:s21] =	ssyncadd.s32 $0xFFFFFD80  }
0x37: {  	[tilespmem:s17], [sflag:$0x1] =	stream.linear.gather [spmem:s8], $0x280, $0x38;
	[tilespmem:$0xFA00] =	vst v63  }
0x38: {  	_ =	swait.ge [sflag:s21], $0x280  }
0x39: {  	[sflag:s21] =	ssyncset.done $0x0  }
0x3a: {  	[sflag:s21] =	ssyncadd.s32 $0xFFFFFD80  }
.LBB2_6:
0x3b: {  	s22 =	smul.u32 $0x14000, s21;
	_ =	sdelay $0x1  }
0x3c: {  	s22 =	sshra.s32 s22, $0x2  }
0x3d: {  	s22 =	sadd.s32 s22, s5  }
0x3e: {  	[tilespmem:s18], [sflag:$0x1] =	stream.linear.gather [spmem:s22], $0x280, $0x38;
	[tilespmem:$0xFA00] =	vst v63  }
0x3f: {  	_ =	swait.ge [sflag:s12], $0x280  }
0x40: {  	[sflag:s12] =	ssyncset.done $0x0  }
0x41: {  	s22 =	sadd.s32 $0x2800, s22;
	[sflag:s12] =	ssyncadd.s32 $0xFFFFFD80  }
0x42: {  	[tilespmem:s19], [sflag:$0x1] =	stream.linear.gather [spmem:s22], $0x280, $0x38;
	[tilespmem:$0xFA00] =	vst v63  }
0x43: {  	_ =	swait.ge [sflag:s12], $0x280  }
0x44: {  	[sflag:s12] =	ssyncset.done $0x0  }
0x45: {  	s22 =	simm.s32 $0x0;
	[sflag:s12] =	ssyncadd.s32 $0xFFFFFD80  }
0x46: {  	s23 =	simm.s32 $0x40;
	v2 =	vld [tilespmem:s22+$0xA500]  }
.LBB2_7:
0x47: {  	p0 =	sne.s32 s23, $0x13C0;
	v3 =	vld [tilespmem:s22+$0xA000];
	_ =	sdelay $0x2  }
.Ltmp2:
0x48: {  	(pc) =	sbr.rel @p0 .LBB2_7-.Ltmp2, $4  }
0x49: {  	_ = 	snop  }
0x4a: {  	v3 =	vadd.f32 v2, v3  }
0x4b: {  	s24 =	sshra.s32 s23, $0x2  }
0x4c: {  	s23 =	sadd.s32 $0x40, s23;
	v2 =	vld [tilespmem:s24+$0xA500];
	[tilespmem:s22+$0xA000] =	vst v3;
	s22 =	smov.u32 s24  }
0x4d: {  	v3 =	vld [tilespmem:s22+$0xA000]  }
0x4e: {  	s21 =	sadd.s32 $0x1, s21  }
0x4f: {  	p0 =	sne.s32 s21, $0x10  }
.Ltmp3:
0x50: {  	_ = 	snop;
	(pc) =	sbr.rel @p0 .LBB2_6-.Ltmp3, $3  }
0x51: {  	_ = 	snop  }
0x52: {  	v2 =	vadd.f32 v2, v3;
	_ =	sdelay $0x1  }
0x53: {  	[tilespmem:s22+$0xA000] =	vst v2  }
0x54: {  	[hbm4b:s9+s2] =	stream.linear.scatter [tilespmem:s16], [sflag:$0x1], $0x280, $0x38;
	[tilespmem:$0xFA00] =	vst v63  }
0x55: {  	s20 =	sadd.s32 $0x1, s20;
	_ =	swait.ge [sflag:s12], $0x280  }
0x56: {  	p0 =	sne.s32 s20, s11;
	[sflag:s12] =	ssyncset.done $0x0  }
.Ltmp4:
0x57: {  	[sflag:s12] =	ssyncadd.s32 $0xFFFFFD80;
	(pc) =	sbr.rel @p0 .LBB2_1-.Ltmp4, $4  }
0x58: {  	[hbm4b:s10+s2] =	stream.linear.scatter [tilespmem:s17], [sflag:$0x1], $0x280, $0x38;
	[tilespmem:$0xFA00] =	vst v63  }
0x59: {  	_ =	swait.ge [sflag:s12], $0x280  }
0x5a: {  	[sflag:s12] =	ssyncset.done $0x0  }
0x5b: {  	[sflag:s12] =	ssyncadd.s32 $0xFFFFFD80  }
0x5c: {  	_ =	sfence.sel $0x180000  }
0x5d: {  	[bflag:$0x0] =	sbarrier.arrive $0xFFFF  }
0x5e: {  	p0 =	sne.s32 s1, $0x0;
	_ =	strace $0x90000047  }
0x5f: {  	s0 =	sadd.s32 @!p0 $0x100000, s0;
	[bflag:$0x2] =	sbarrier.arrive $0xFFFF  }
0x60: {  	[sflag:s0] =	ssyncadd.tile.s32 @!p0 $0x1;
	_ =	shalt  }
.Lfunc_end2:
_tile_overlayer_lowered:
.L_overlay_start_2:
0x61: {  	(tag) =	ssettag $0x2  }
0x62: {  	s0 =	rddreg [dreg:$0x0];
	s2 =	stileid.u32  }
0x63: {  	s1 =	rddreg [dreg:$0x1];
	p0 =	sne.s32 s2, $0x0  }
0x64: {  	s3 =	rddreg [dreg:$0x2];
	[bflag:$0x3] =	sbarrier.arrive $0xFFFF;
	s2 =	simm.s32 @!p0 $0x1C01  }
0x65: {  	[timem:s3], [sflag:s2] =	dma.local @!p0 [hbm:s0], s1  }
0x66: {  	s0 =	simm.s32 @!p0 $0x1  }
0x67: {  	_ =	swait.ge @!p0 [sflag:s0], s1  }
0x68: {  	s1 =	ssub.s32 @!p0 $0x0, s1;
	[sflag:s0] =	ssyncset.done @!p0 $0x0  }
0x69: {  	[sflag:s0] =	ssyncadd.s32 @!p0 s1  }
0x6a: {  	[bflag:$0x3] =	sbarrier.arrive $0xFFFF  }
0x6b: {  	_ =	shalt  }

</sc_bundles>
